<compile_context>
chip_gen: v7x
topology: tpu7x:2x2x1
jax: 0.10.2.dev20260603
libtpu: 0.0.44.dev20260713+nightly
codegen_flags: <defaults>
</compile_context>

<pallas_src>
import functools

import jax
import jax.numpy as jnp
from jax import lax
from jax.experimental import pallas as pl
from jax.experimental.pallas import tpu as pltpu
from jax.experimental.pallas import tpu_sc as plsc

EMBED_DIM = 32
BATCH = 16384
N_ROWS = 1_000_000
ROWS_PER_LINE = 4
LINE = 128
NUM_CORES = 2
NUM_SUBCORES = 16
NUM_WORKERS = NUM_CORES * NUM_SUBCORES
B_PER_W = BATCH // NUM_WORKERS
CHUNK = 128
N_CHUNKS = B_PER_W // CHUNK
LANES = 16
CGROUPS = CHUNK // LANES

TBLK = 8192
TGRID = -(-N_ROWS // (4 * TBLK))
N_LINES = TGRID * TBLK
_LAST_IN_BLK = (N_ROWS - 1) // TBLK


def _tc_relayout_kernel(in0, in1, in2, in3, out_ref):
    x = jnp.concatenate(
        [in0[...], in1[...], in2[...], in3[...]], axis=0)
    out_ref[...] = jnp.transpose(x)


def _relayout(table_t):
    return pl.pallas_call(
        _tc_relayout_kernel,
        grid=(TGRID,),
        in_specs=[
            pl.BlockSpec(
                (EMBED_DIM, TBLK),
                functools.partial(
                    lambda n, r: (0, jnp.minimum(4 * n + r, _LAST_IN_BLK)),
                    r=r))
            for r in range(ROWS_PER_LINE)
        ],
        out_specs=pl.BlockSpec((TBLK, LINE), lambda n: (n, 0)),
        out_shape=jax.ShapeDtypeStruct((N_LINES, LINE), jnp.float32),
    )(table_t, table_t, table_t, table_t)


def _sc_kernel(uid_hbm, mid_hbm, ut_hbm, mt_hbm, out_hbm,
               sidx_u, sidx_m, qb_u, qb_m, land_u, land_m, out_v, sem):
    wid = lax.axis_index("s") * NUM_CORES + lax.axis_index("c")
    base = wid * B_PER_W

    pltpu.sync_copy(uid_hbm.at[pl.ds(base, B_PER_W)], sidx_u)
    pltpu.sync_copy(mid_hbm.at[pl.ds(base, B_PER_W)], sidx_m)

    def gen(g, _):
        vu = sidx_u[pl.ds(g * LANES, LANES)]
        vm = sidx_m[pl.ds(g * LANES, LANES)]
        qb_u[pl.ds(g * LANES, LANES)] = ((vu >> 15) << 13) + (vu & 8191)
        qb_m[pl.ds(g * LANES, LANES)] = ((vm >> 15) << 13) + (vm & 8191)
        return 0

    lax.fori_loop(0, B_PER_W // LANES, gen, 0)

    lane = lax.iota(jnp.int32, LANES)

    for c in range(N_CHUNKS):
        cu = pltpu.make_async_copy(
            ut_hbm.at[qb_u.at[pl.ds(c * CHUNK, CHUNK)]], land_u, sem)
        cu.start()
        cm = pltpu.make_async_copy(
            mt_hbm.at[qb_m.at[pl.ds(c * CHUNK, CHUNK)]], land_m, sem)
        cm.start()
        cu.wait()
        cm.wait()

        def body(g, _):
            slot = c * CHUNK + g * LANES
            su = ((sidx_u[pl.ds(slot, LANES)] >> 13) & 3) * EMBED_DIM
            sm = ((sidx_m[pl.ds(slot, LANES)] >> 13) & 3) * EMBED_DIM
            rloc = g * LANES + lane
            acc = jnp.zeros((LANES,), jnp.float32)
            for d in range(EMBED_DIM):
                u = plsc.load_gather(land_u, [rloc, su + d])
                m = plsc.load_gather(land_m, [rloc, sm + d])
                acc = acc + u * m
            out_v[pl.ds(slot, LANES)] = acc
            return 0

        lax.fori_loop(0, CGROUPS, body, 0)

    pltpu.sync_copy(out_v, out_hbm.at[pl.ds(base, B_PER_W)])


@jax.jit
def _run(user_id, movie_id, user_table, movie_table):
    ut2 = _relayout(user_table.T)
    mt2 = _relayout(movie_table.T)
    k = functools.partial(
        pl.kernel,
        out_type=jax.ShapeDtypeStruct((BATCH,), jnp.float32),
        mesh=plsc.VectorSubcoreMesh(core_axis_name="c", subcore_axis_name="s"),
        compiler_params=pltpu.CompilerParams(
            needs_layout_passes=False, use_tc_tiling_on_sc=True),
        scratch_types=[
            pltpu.VMEM((B_PER_W,), jnp.int32),
            pltpu.VMEM((B_PER_W,), jnp.int32),
            pltpu.VMEM((B_PER_W,), jnp.int32),
            pltpu.VMEM((B_PER_W,), jnp.int32),
            pltpu.VMEM((CHUNK, LINE), jnp.float32),
            pltpu.VMEM((CHUNK, LINE), jnp.float32),
            pltpu.VMEM((B_PER_W,), jnp.float32),
            pltpu.SemaphoreType.DMA,
        ],
    )(_sc_kernel)
    return k(user_id.astype(jnp.int32), movie_id.astype(jnp.int32), ut2, mt2)


def kernel(user_id, movie_id, user_table, movie_table):
    return _run(user_id, movie_id, user_table, movie_table)

# --- scband reference (transcript-rebuilt; emitter-appended) ---
"""Pipeline reference for scband-matrix-factorization-model-71382356459707 (READ-ONLY COPY).

The authoritative reference and input builder live on the scoring server;
editing this copy changes nothing except your own understanding.
"""

import jax, jax.numpy as jnp
import numpy as np

N_USERS = 1000000
N_MOVIES = 1000000
EMBED_DIM = 32
BATCH = 16384

def setup_inputs(seed: int = 0) -> dict:
    key = jax.random.key(seed)
    k1, k2, k3, k4 = jax.random.split(key, 4)
    user_id = jax.random.randint(k1, (BATCH,), 0, N_USERS, dtype=jnp.int64) if jax.config.jax_enable_x64 else jax.random.randint(k1, (BATCH,), 0, N_USERS, dtype=jnp.int32)
    movie_id = jax.random.randint(k2, (BATCH,), 0, N_MOVIES, dtype=jnp.int64) if jax.config.jax_enable_x64 else jax.random.randint(k2, (BATCH,), 0, N_MOVIES, dtype=jnp.int32)
    user_table = jax.random.normal(k3, (N_USERS, EMBED_DIM), dtype=jnp.float32)
    movie_table = jax.random.normal(k4, (N_MOVIES, EMBED_DIM), dtype=jnp.float32)
    return {"user_id": user_id, "movie_id": movie_id, "user_table": user_table, "movie_table": movie_table}

def reference(user_id, movie_id, user_table, movie_table):
    # user_latent = self.user_embedding(user_id)
    user_latent = jnp.take(user_table, user_id, axis=0)
    # movie_latent = self.movie_embedding(movie_id)
    movie_latent = jnp.take(movie_table, movie_id, axis=0)
    # dropout is identity in eval/inference mode
    prediction = (user_latent * movie_latent).sum(axis=-1)
    return prediction

if __name__ == "__main__":
    import jax
    _d = setup_inputs()
    print(jax.jit(kernel)(*tuple(_d.values())))

</pallas_src>

<mosaic_0001>
#map = affine_map<(d0, d1) -> (0)>
#map1 = affine_map<(d0, d1) -> (0, 0)>
module attributes {stable_mosaic.version = 14 : i64} {
  func.func @_sc_kernel(%arg0: i32, %arg1: i32, %arg2: memref<16384xi32, #tpu.memory_space<hbm>>, %arg3: memref<16384xi32, #tpu.memory_space<hbm>>, %arg4: memref<253952x128xf32, #tpu.memory_space<hbm>>, %arg5: memref<253952x128xf32, #tpu.memory_space<hbm>>, %arg6: memref<16384xf32, #tpu.memory_space<hbm>>, %arg7: memref<512xi32, #tpu.memory_space<vmem>>, %arg8: memref<512xi32, #tpu.memory_space<vmem>>, %arg9: memref<512xi32, #tpu.memory_space<vmem>>, %arg10: memref<512xi32, #tpu.memory_space<vmem>>, %arg11: memref<128x128xf32, #tpu.memory_space<vmem>>, %arg12: memref<128x128xf32, #tpu.memory_space<vmem>>, %arg13: memref<512xf32, #tpu.memory_space<vmem>>, %arg14: memref<!tpu.dma_semaphore, #tpu.memory_space<semaphore_mem>>) attributes {dimension_semantics = [#tpu.dimension_semantics<core_parallel>, #tpu.dimension_semantics<subcore_parallel>], iteration_bounds = array<i64: 2, 16>, scalar_prefetch = 0 : i64, scratch_operands = 8 : i64, tpu.core_type = #tpu.core_type<sc_vector_subcore>, window_params = [{transform_indices = #map}, {transform_indices = #map}, {transform_indices = #map1}, {transform_indices = #map1}, {transform_indices = #map}]} {
    %mul3A = arith.constant 2 : i32
    %mul3A_0 = arith.muli %arg1, %mul3A : i32
    %add3A = arith.addi %mul3A_0, %arg0 : i32
    %mul3A_1 = arith.constant 512 : i32
    %mul3A_2 = arith.muli %add3A, %mul3A_1 : i32
    "tpu.region"() ({
      %run_scoped3A = tpu.sem_alloc : memref<!tpu.dma_semaphore, #tpu.memory_space<semaphore_mem>>
      %dma_start3A_115 = tpu.memref_slice %arg2[%mul3A_2] : memref<16384xi32, #tpu.memory_space<hbm>> -> memref<512xi32, #tpu.memory_space<hbm>>
      %dma_start3A_116 = tpu.memref_slice %arg2[%mul3A_2] : memref<16384xi32, #tpu.memory_space<hbm>> -> memref<512xi32, #tpu.memory_space<hbm>>
      tpu.enqueue_dma source(%dma_start3A_116 : memref<512xi32, #tpu.memory_space<hbm>>) target(%arg7 : memref<512xi32, #tpu.memory_space<vmem>>) target_semaphore(%run_scoped3A : memref<!tpu.dma_semaphore, #tpu.memory_space<semaphore_mem>>)
      %dma_wait3A_117 = tpu.memref_slice %arg2[%mul3A_2] : memref<16384xi32, #tpu.memory_space<hbm>> -> memref<512xi32, #tpu.memory_space<hbm>>
      %dma_wait3A_118 = tpu.memref_slice %arg2[%mul3A_2] : memref<16384xi32, #tpu.memory_space<hbm>> -> memref<512xi32, #tpu.memory_space<hbm>>
      tpu.wait_dma2 semaphore(%run_scoped3A : memref<!tpu.dma_semaphore, #tpu.memory_space<semaphore_mem>>) src(%dma_wait3A_118 : memref<512xi32, #tpu.memory_space<hbm>>) dst(%arg7 : memref<512xi32, #tpu.memory_space<vmem>>)
      tpu.yield
    }) : () -> ()
    "tpu.region"() ({
      %run_scoped3A = tpu.sem_alloc : memref<!tpu.dma_semaphore, #tpu.memory_space<semaphore_mem>>
      %dma_start3A_115 = tpu.memref_slice %arg3[%mul3A_2] : memref<16384xi32, #tpu.memory_space<hbm>> -> memref<512xi32, #tpu.memory_space<hbm>>
      %dma_start3A_116 = tpu.memref_slice %arg3[%mul3A_2] : memref<16384xi32, #tpu.memory_space<hbm>> -> memref<512xi32, #tpu.memory_space<hbm>>
      tpu.enqueue_dma source(%dma_start3A_116 : memref<512xi32, #tpu.memory_space<hbm>>) target(%arg8 : memref<512xi32, #tpu.memory_space<vmem>>) target_semaphore(%run_scoped3A : memref<!tpu.dma_semaphore, #tpu.memory_space<semaphore_mem>>)
      %dma_wait3A_117 = tpu.memref_slice %arg3[%mul3A_2] : memref<16384xi32, #tpu.memory_space<hbm>> -> memref<512xi32, #tpu.memory_space<hbm>>
      %dma_wait3A_118 = tpu.memref_slice %arg3[%mul3A_2] : memref<16384xi32, #tpu.memory_space<hbm>> -> memref<512xi32, #tpu.memory_space<hbm>>
      tpu.wait_dma2 semaphore(%run_scoped3A : memref<!tpu.dma_semaphore, #tpu.memory_space<semaphore_mem>>) src(%dma_wait3A_118 : memref<512xi32, #tpu.memory_space<hbm>>) dst(%arg8 : memref<512xi32, #tpu.memory_space<vmem>>)
      tpu.yield
    }) : () -> ()
    %scan3A = arith.constant 0 : i32
    %scan3A_3 = arith.constant 0 : i32
    %scan3A_4 = arith.constant 32 : i32
    %scan3A_5 = arith.addi %scan3A_3, %scan3A_4 : i32
    %scan3A_6 = arith.constant 1 : i32
    %scan3A_7 = scf.for %scan3A_115 = %scan3A_3 to %scan3A_5 step %scan3A_6 iter_args(%scan3A_116 = %scan3A) -> (i32)  : i32 {
      %mul3A_117 = arith.constant 16 : i32
      %mul3A_118 = arith.muli %scan3A_115, %mul3A_117 : i32
      %get3A = arith.index_cast %mul3A_118 : i32 to index
      %get3A_119 = tpu.vector_load %arg7[%get3A] {strides = array<i32>} : memref<512xi32, #tpu.memory_space<vmem>>, vector<16xi32>,
      %mul3A_120 = arith.constant 16 : i32
      %mul3A_121 = arith.muli %scan3A_115, %mul3A_120 : i32
      %get3A_122 = arith.index_cast %mul3A_121 : i32 to index
      %get3A_123 = tpu.vector_load %arg8[%get3A_122] {strides = array<i32>} : memref<512xi32, #tpu.memory_space<vmem>>, vector<16xi32>,
      %shift_right_arithmetic3A = arith.constant 15 : i32
      %shift_right_arithmetic3A_124 = vector.broadcast %shift_right_arithmetic3A : i32 to vector<16xi32>
      %shift_right_arithmetic3A_125 = arith.shrsi %get3A_119, %shift_right_arithmetic3A_124 : vector<16xi32>
      %shift_left3A = arith.constant 13 : i32
      %shift_left3A_126 = vector.broadcast %shift_left3A : i32 to vector<16xi32>
      %shift_left3A_127 = arith.shli %shift_right_arithmetic3A_125, %shift_left3A_126 : vector<16xi32>
      %and3A = arith.constant 8191 : i32
      %and3A_128 = vector.broadcast %and3A : i32 to vector<16xi32>
      %and3A_129 = arith.andi %get3A_119, %and3A_128 : vector<16xi32>
      %add3A_130 = arith.addi %shift_left3A_127, %and3A_129 : vector<16xi32>
      %mul3A_131 = arith.constant 16 : i32
      %mul3A_132 = arith.muli %scan3A_115, %mul3A_131 : i32
      %swap3A = arith.index_cast %mul3A_132 : i32 to index
      %swap3A_133 = tpu.vector_load %arg9[%swap3A] {strides = array<i32>} : memref<512xi32, #tpu.memory_space<vmem>>, vector<16xi32>,
      tpu.vector_store %arg9[%swap3A], %add3A_130 {strides = array<i32>} : memref<512xi32, #tpu.memory_space<vmem>>, vector<16xi32>,
      %shift_right_arithmetic3A_134 = arith.constant 15 : i32
      %shift_right_arithmetic3A_135 = vector.broadcast %shift_right_arithmetic3A_134 : i32 to vector<16xi32>
      %shift_right_arithmetic3A_136 = arith.shrsi %get3A_123, %shift_right_arithmetic3A_135 : vector<16xi32>
      %shift_left3A_137 = arith.constant 13 : i32
      %shift_left3A_138 = vector.broadcast %shift_left3A_137 : i32 to vector<16xi32>
      %shift_left3A_139 = arith.shli %shift_right_arithmetic3A_136, %shift_left3A_138 : vector<16xi32>
      %and3A_140 = arith.constant 8191 : i32
      %and3A_141 = vector.broadcast %and3A_140 : i32 to vector<16xi32>
      %and3A_142 = arith.andi %get3A_123, %and3A_141 : vector<16xi32>
      %add3A_143 = arith.addi %shift_left3A_139, %and3A_142 : vector<16xi32>
      %mul3A_144 = arith.constant 16 : i32
      %mul3A_145 = arith.muli %scan3A_115, %mul3A_144 : i32
      %swap3A_146 = arith.index_cast %mul3A_145 : i32 to index
      %swap3A_147 = tpu.vector_load %arg10[%swap3A_146] {strides = array<i32>} : memref<512xi32, #tpu.memory_space<vmem>>, vector<16xi32>,
      tpu.vector_store %arg10[%swap3A_146], %add3A_143 {strides = array<i32>} : memref<512xi32, #tpu.memory_space<vmem>>, vector<16xi32>,
      %scan3A_148 = arith.constant 0 : i32
      scf.yield %scan3A_148 : i32
    }
    %scan3A_8 = arith.constant 32 : i32
    %iota3A = tpu.iota {dimensions = array<i32: 0>} : vector<16xi32>
    %dma_start3A = arith.constant 0 : i32
    %dma_start3A_9 = tpu.memref_slice %arg9[%dma_start3A] : memref<512xi32, #tpu.memory_space<vmem>> -> memref<128xi32, #tpu.memory_space<vmem>>
    %dma_start3A_10 = arith.constant 0 : i32
    %dma_start3A_11 = arith.constant 0 : i32
    %dma_start3A_12 = tpu.memref_slice %arg4[%dma_start3A_10, %dma_start3A_11] : memref<253952x128xf32, #tpu.memory_space<hbm>> -> memref<253952x128xf32, #tpu.memory_space<hbm>>
    tpu.enqueue_indirect_dma source(%dma_start3A_12 : memref<253952x128xf32, #tpu.memory_space<hbm>>) target(%arg11 : memref<128x128xf32, #tpu.memory_space<vmem>>) offsets(%dma_start3A_9 : memref<128xi32, #tpu.memory_space<vmem>>) semaphore(%arg14 : memref<!tpu.dma_semaphore, #tpu.memory_space<semaphore_mem>>)
    %dma_start3A_13 = arith.constant 0 : i32
    %dma_start3A_14 = tpu.memref_slice %arg10[%dma_start3A_13] : memref<512xi32, #tpu.memory_space<vmem>> -> memref<128xi32, #tpu.memory_space<vmem>>
    %dma_start3A_15 = arith.constant 0 : i32
    %dma_start3A_16 = arith.constant 0 : i32
    %dma_start3A_17 = tpu.memref_slice %arg5[%dma_start3A_15, %dma_start3A_16] : memref<253952x128xf32, #tpu.memory_space<hbm>> -> memref<253952x128xf32, #tpu.memory_space<hbm>>
    tpu.enqueue_indirect_dma source(%dma_start3A_17 : memref<253952x128xf32, #tpu.memory_space<hbm>>) target(%arg12 : memref<128x128xf32, #tpu.memory_space<vmem>>) offsets(%dma_start3A_14 : memref<128xi32, #tpu.memory_space<vmem>>) semaphore(%arg14 : memref<!tpu.dma_semaphore, #tpu.memory_space<semaphore_mem>>)
    %dma_wait3A = arith.constant 0 : i32
    %dma_wait3A_18 = tpu.memref_slice %arg9[%dma_wait3A] : memref<512xi32, #tpu.memory_space<vmem>> -> memref<128xi32, #tpu.memory_space<vmem>>
    %dma_wait3A_19 = arith.constant 0 : i32
    %dma_wait3A_20 = arith.constant 0 : i32
    %dma_wait3A_21 = tpu.memref_slice %arg4[%dma_wait3A_19, %dma_wait3A_20] : memref<253952x128xf32, #tpu.memory_space<hbm>> -> memref<253952x128xf32, #tpu.memory_space<hbm>>
    tpu.wait_indirect_dma semaphore(%arg14 : memref<!tpu.dma_semaphore, #tpu.memory_space<semaphore_mem>>) src(%dma_wait3A_21 : memref<253952x128xf32, #tpu.memory_space<hbm>>) dst(%arg11 : memref<128x128xf32, #tpu.memory_space<vmem>>)
    %dma_wait3A_22 = arith.constant 0 : i32
    %dma_wait3A_23 = tpu.memref_slice %arg10[%dma_wait3A_22] : memref<512xi32, #tpu.memory_space<vmem>> -> memref<128xi32, #tpu.memory_space<vmem>>
    %dma_wait3A_24 = arith.constant 0 : i32
    %dma_wait3A_25 = arith.constant 0 : i32
    %dma_wait3A_26 = tpu.memref_slice %arg5[%dma_wait3A_24, %dma_wait3A_25] : memref<253952x128xf32, #tpu.memory_space<hbm>> -> memref<253952x128xf32, #tpu.memory_space<hbm>>
    tpu.wait_indirect_dma semaphore(%arg14 : memref<!tpu.dma_semaphore, #tpu.memory_space<semaphore_mem>>) src(%dma_wait3A_26 : memref<253952x128xf32, #tpu.memory_space<hbm>>) dst(%arg12 : memref<128x128xf32, #tpu.memory_space<vmem>>)
    %scan3A_27 = arith.constant 0 : i32
    %scan3A_28 = arith.constant 0 : i32
    %scan3A_29 = arith.constant 8 : i32
    %scan3A_30 = arith.addi %scan3A_28, %scan3A_29 : i32
    %scan3A_31 = arith.constant 1 : i32
    %scan3A_32 = scf.for %scan3A_115 = %scan3A_28 to %scan3A_30 step %scan3A_31 iter_args(%scan3A_116 = %scan3A_27) -> (i32)  : i32 {
      %mul3A_117 = arith.constant 16 : i32
      %mul3A_118 = arith.muli %scan3A_115, %mul3A_117 : i32
      %add3A_119 = arith.constant 0 : i32
      %add3A_120 = arith.addi %add3A_119, %mul3A_118 : i32
      %get3A = arith.index_cast %add3A_120 : i32 to index
      %get3A_121 = tpu.vector_load %arg7[%get3A] {strides = array<i32>} : memref<512xi32, #tpu.memory_space<vmem>>, vector<16xi32>,
      %shift_right_arithmetic3A = arith.constant 13 : i32
      %shift_right_arithmetic3A_122 = vector.broadcast %shift_right_arithmetic3A : i32 to vector<16xi32>
      %shift_right_arithmetic3A_123 = arith.shrsi %get3A_121, %shift_right_arithmetic3A_122 : vector<16xi32>
      %and3A = arith.constant 3 : i32
      %and3A_124 = vector.broadcast %and3A : i32 to vector<16xi32>
      %and3A_125 = arith.andi %shift_right_arithmetic3A_123, %and3A_124 : vector<16xi32>
      %mul3A_126 = arith.constant 32 : i32
      %mul3A_127 = vector.broadcast %mul3A_126 : i32 to vector<16xi32>
      %mul3A_128 = arith.muli %and3A_125, %mul3A_127 : vector<16xi32>
      %get3A_129 = arith.index_cast %add3A_120 : i32 to index
      %get3A_130 = tpu.vector_load %arg8[%get3A_129] {strides = array<i32>} : memref<512xi32, #tpu.memory_space<vmem>>, vector<16xi32>,
      %shift_right_arithmetic3A_131 = arith.constant 13 : i32
      %shift_right_arithmetic3A_132 = vector.broadcast %shift_right_arithmetic3A_131 : i32 to vector<16xi32>
      %shift_right_arithmetic3A_133 = arith.shrsi %get3A_130, %shift_right_arithmetic3A_132 : vector<16xi32>
      %and3A_134 = arith.constant 3 : i32
      %and3A_135 = vector.broadcast %and3A_134 : i32 to vector<16xi32>
      %and3A_136 = arith.andi %shift_right_arithmetic3A_133, %and3A_135 : vector<16xi32>
      %mul3A_137 = arith.constant 32 : i32
      %mul3A_138 = vector.broadcast %mul3A_137 : i32 to vector<16xi32>
      %mul3A_139 = arith.muli %and3A_136, %mul3A_138 : vector<16xi32>
      %mul3A_140 = arith.constant 16 : i32
      %mul3A_141 = arith.muli %scan3A_115, %mul3A_140 : i32
      %add3A_142 = vector.broadcast %mul3A_141 : i32 to vector<16xi32>
      %add3A_143 = arith.addi %add3A_142, %iota3A : vector<16xi32>
      %broadcast_in_dim3A = arith.constant 0.000000e+00 : f32
      %broadcast_in_dim3A_144 = vector.broadcast %broadcast_in_dim3A : f32 to vector<16xf32>
      %add3A_145 = arith.constant 0 : i32
      %add3A_146 = vector.broadcast %add3A_145 : i32 to vector<16xi32>
      %add3A_147 = arith.addi %mul3A_128, %add3A_146 : vector<16xi32>
      %gather3A = tpu.vector_load_idx %arg11[%add3A_143, %add3A_147] : memref<128x128xf32, #tpu.memory_space<vmem>>[vector<16xi32>, vector<16xi32>], vector<16xf32>,
      %add3A_148 = arith.constant 0 : i32
      %add3A_149 = vector.broadcast %add3A_148 : i32 to vector<16xi32>
      %add3A_150 = arith.addi %mul3A_139, %add3A_149 : vector<16xi32>
      %gather3A_151 = tpu.vector_load_idx %arg12[%add3A_143, %add3A_150] : memref<128x128xf32, #tpu.memory_space<vmem>>[vector<16xi32>, vector<16xi32>], vector<16xf32>,
      %mul3A_152 = arith.mulf %gather3A, %gather3A_151 : vector<16xf32>
      %add3A_153 = arith.addf %broadcast_in_dim3A_144, %mul3A_152 : vector<16xf32>
      %add3A_154 = arith.constant 1 : i32
      %add3A_155 = vector.broadcast %add3A_154 : i32 to vector<16xi32>
      %add3A_156 = arith.addi %mul3A_128, %add3A_155 : vector<16xi32>
      %gather3A_157 = tpu.vector_load_idx %arg11[%add3A_143, %add3A_156] : memref<128x128xf32, #tpu.memory_space<vmem>>[vector<16xi32>, vector<16xi32>], vector<16xf32>,
      %add3A_158 = arith.constant 1 : i32
      %add3A_159 = vector.broadcast %add3A_158 : i32 to vector<16xi32>
      %add3A_160 = arith.addi %mul3A_139, %add3A_159 : vector<16xi32>
      %gather3A_161 = tpu.vector_load_idx %arg12[%add3A_143, %add3A_160] : memref<128x128xf32, #tpu.memory_space<vmem>>[vector<16xi32>, vector<16xi32>], vector<16xf32>,
      %mul3A_162 = arith.mulf %gather3A_157, %gather3A_161 : vector<16xf32>
      %add3A_163 = arith.addf %add3A_153, %mul3A_162 : vector<16xf32>
      %add3A_164 = arith.constant 2 : i32
      %add3A_165 = vector.broadcast %add3A_164 : i32 to vector<16xi32>
      %add3A_166 = arith.addi %mul3A_128, %add3A_165 : vector<16xi32>
      %gather3A_167 = tpu.vector_load_idx %arg11[%add3A_143, %add3A_166] : memref<128x128xf32, #tpu.memory_space<vmem>>[vector<16xi32>, vector<16xi32>], vector<16xf32>,
      %add3A_168 = arith.constant 2 : i32
      %add3A_169 = vector.broadcast %add3A_168 : i32 to vector<16xi32>
      %add3A_170 = arith.addi %mul3A_139, %add3A_169 : vector<16xi32>
      %gather3A_171 = tpu.vector_load_idx %arg12[%add3A_143, %add3A_170] : memref<128x128xf32, #tpu.memory_space<vmem>>[vector<16xi32>, vector<16xi32>], vector<16xf32>,
      %mul3A_172 = arith.mulf %gather3A_167, %gather3A_171 : vector<16xf32>
      %add3A_173 = arith.addf %add3A_163, %mul3A_172 : vector<16xf32>
      %add3A_174 = arith.constant 3 : i32
      %add3A_175 = vector.broadcast %add3A_174 : i32 to vector<16xi32>
      %add3A_176 = arith.addi %mul3A_128, %add3A_175 : vector<16xi32>
      %gather3A_177 = tpu.vector_load_idx %arg11[%add3A_143, %add3A_176] : memref<128x128xf32, #tpu.memory_space<vmem>>[vector<16xi32>, vector<16xi32>], vector<16xf32>,
      %add3A_178 = arith.constant 3 : i32
      %add3A_179 = vector.broadcast %add3A_178 : i32 to vector<16xi32>
      %add3A_180 = arith.addi %mul3A_139, %add3A_179 : vector<16xi32>
      %gather3A_181 = tpu.vector_load_idx %arg12[%add3A_143, %add3A_180] : memref<128x128xf32, #tpu.memory_space<vmem>>[vector<16xi32>, vector<16xi32>], vector<16xf32>,
      %mul3A_182 = arith.mulf %gather3A_177, %gather3A_181 : vector<16xf32>
      %add3A_183 = arith.addf %add3A_173, %mul3A_182 : vector<16xf32>
      %add3A_184 = arith.constant 4 : i32
      %add3A_185 = vector.broadcast %add3A_184 : i32 to vector<16xi32>
      %add3A_186 = arith.addi %mul3A_128, %add3A_185 : vector<16xi32>
      %gather3A_187 = tpu.vector_load_idx %arg11[%add3A_143, %add3A_186] : memref<128x128xf32, #tpu.memory_space<vmem>>[vector<16xi32>, vector<16xi32>], vector<16xf32>,
      %add3A_188 = arith.constant 4 : i32
      %add3A_189 = vector.broadcast %add3A_188 : i32 to vector<16xi32>
      %add3A_190 = arith.addi %mul3A_139, %add3A_189 : vector<16xi32>
      %gather3A_191 = tpu.vector_load_idx %arg12[%add3A_143, %add3A_190] : memref<128x128xf32, #tpu.memory_space<vmem>>[vector<16xi32>, vector<16xi32>], vector<16xf32>,
      %mul3A_192 = arith.mulf %gather3A_187, %gather3A_191 : vector<16xf32>
      %add3A_193 = arith.addf %add3A_183, %mul3A_192 : vector<16xf32>
      %add3A_194 = arith.constant 5 : i32
      %add3A_195 = vector.broadcast %add3A_194 : i32 to vector<16xi32>
      %add3A_196 = arith.addi %mul3A_128, %add3A_195 : vector<16xi32>
      %gather3A_197 = tpu.vector_load_idx %arg11[%add3A_143, %add3A_196] : memref<128x128xf32, #tpu.memory_space<vmem>>[vector<16xi32>, vector<16xi32>], vector<16xf32>,
      %add3A_198 = arith.constant 5 : i32
      %add3A_199 = vector.broadcast %add3A_198 : i32 to vector<16xi32>
      %add3A_200 = arith.addi %mul3A_139, %add3A_199 : vector<16xi32>
      %gather3A_201 = tpu.vector_load_idx %arg12[%add3A_143, %add3A_200] : memref<128x128xf32, #tpu.memory_space<vmem>>[vector<16xi32>, vector<16xi32>], vector<16xf32>,
      %mul3A_202 = arith.mulf %gather3A_197, %gather3A_201 : vector<16xf32>
      %add3A_203 = arith.addf %add3A_193, %mul3A_202 : vector<16xf32>
      %add3A_204 = arith.constant 6 : i32
      %add3A_205 = vector.broadcast %add3A_204 : i32 to vector<16xi32>
      %add3A_206 = arith.addi %mul3A_128, %add3A_205 : vector<16xi32>
      %gather3A_207 = tpu.vector_load_idx %arg11[%add3A_143, %add3A_206] : memref<128x128xf32, #tpu.memory_space<vmem>>[vector<16xi32>, vector<16xi32>], vector<16xf32>,
      %add3A_208 = arith.constant 6 : i32
      %add3A_209 = vector.broadcast %add3A_208 : i32 to vector<16xi32>
      %add3A_210 = arith.addi %mul3A_139, %add3A_209 : vector<16xi32>
      %gather3A_211 = tpu.vector_load_idx %arg12[%add3A_143, %add3A_210] : memref<128x128xf32, #tpu.memory_space<vmem>>[vector<16xi32>, vector<16xi32>], vector<16xf32>,
      %mul3A_212 = arith.mulf %gather3A_207, %gather3A_211 : vector<16xf32>
      %add3A_213 = arith.addf %add3A_203, %mul3A_212 : vector<16xf32>
      %add3A_214 = arith.constant 7 : i32
      %add3A_215 = vector.broadcast %add3A_214 : i32 to vector<16xi32>
      %add3A_216 = arith.addi %mul3A_128, %add3A_215 : vector<16xi32>
      %gather3A_217 = tpu.vector_load_idx %arg11[%add3A_143, %add3A_216] : memref<128x128xf32, #tpu.memory_space<vmem>>[vector<16xi32>, vector<16xi32>], vector<16xf32>,
      %add3A_218 = arith.constant 7 : i32
      %add3A_219 = vector.broadcast %add3A_218 : i32 to vector<16xi32>
      %add3A_220 = arith.addi %mul3A_139, %add3A_219 : vector<16xi32>
      %gather3A_221 = tpu.vector_load_idx %arg12[%add3A_143, %add3A_220] : memref<128x128xf32, #tpu.memory_space<vmem>>[vector<16xi32>, vector<16xi32>], vector<16xf32>,
      %mul3A_222 = arith.mulf %gather3A_217, %gather3A_221 : vector<16xf32>
      %add3A_223 = arith.addf %add3A_213, %mul3A_222 : vector<16xf32>
      %add3A_224 = arith.constant 8 : i32
      %add3A_225 = vector.broadcast %add3A_224 : i32 to vector<16xi32>
      %add3A_226 = arith.addi %mul3A_128, %add3A_225 : vector<16xi32>
      %gather3A_227 = tpu.vector_load_idx %arg11[%add3A_143, %add3A_226] : memref<128x128xf32, #tpu.memory_space<vmem>>[vector<16xi32>, vector<16xi32>], vector<16xf32>,
      %add3A_228 = arith.constant 8 : i32
      %add3A_229 = vector.broadcast %add3A_228 : i32 to vector<16xi32>
      %add3A_230 = arith.addi %mul3A_139, %add3A_229 : vector<16xi32>
      %gather3A_231 = tpu.vector_load_idx %arg12[%add3A_143, %add3A_230] : memref<128x128xf32, #tpu.memory_space<vmem>>[vector<16xi32>, vector<16xi32>], vector<16xf32>,
      %mul3A_232 = arith.mulf %gather3A_227, %gather3A_231 : vector<16xf32>
      %add3A_233 = arith.addf %add3A_223, %mul3A_232 : vector<16xf32>
      %add3A_234 = arith.constant 9 : i32
      %add3A_235 = vector.broadcast %add3A_234 : i32 to vector<16xi32>
      %add3A_236 = arith.addi %mul3A_128, %add3A_235 : vector<16xi32>
      %gather3A_237 = tpu.vector_load_idx %arg11[%add3A_143, %add3A_236] : memref<128x128xf32, #tpu.memory_space<vmem>>[vector<16xi32>, vector<16xi32>], vector<16xf32>,
      %add3A_238 = arith.constant 9 : i32
      %add3A_239 = vector.broadcast %add3A_238 : i32 to vector<16xi32>
      %add3A_240 = arith.addi %mul3A_139, %add3A_239 : vector<16xi32>
      %gather3A_241 = tpu.vector_load_idx %arg12[%add3A_143, %add3A_240] : memref<128x128xf32, #tpu.memory_space<vmem>>[vector<16xi32>, vector<16xi32>], vector<16xf32>,
      %mul3A_242 = arith.mulf %gather3A_237, %gather3A_241 : vector<16xf32>
      %add3A_243 = arith.addf %add3A_233, %mul3A_242 : vector<16xf32>
      %add3A_244 = arith.constant 10 : i32
      %add3A_245 = vector.broadcast %add3A_244 : i32 to vector<16xi32>
      %add3A_246 = arith.addi %mul3A_128, %add3A_245 : vector<16xi32>
      %gather3A_247 = tpu.vector_load_idx %arg11[%add3A_143, %add3A_246] : memref<128x128xf32, #tpu.memory_space<vmem>>[vector<16xi32>, vector<16xi32>], vector<16xf32>,
      %add3A_248 = arith.constant 10 : i32
      %add3A_249 = vector.broadcast %add3A_248 : i32 to vector<16xi32>
      %add3A_250 = arith.addi %mul3A_139, %add3A_249 : vector<16xi32>
      %gather3A_251 = tpu.vector_load_idx %arg12[%add3A_143, %add3A_250] : memref<128x128xf32, #tpu.memory_space<vmem>>[vector<16xi32>, vector<16xi32>], vector<16xf32>,
      %mul3A_252 = arith.mulf %gather3A_247, %gather3A_251 : vector<16xf32>
      %add3A_253 = arith.addf %add3A_243, %mul3A_252 : vector<16xf32>
      %add3A_254 = arith.constant 11 : i32
      %add3A_255 = vector.broadcast %add3A_254 : i32 to vector<16xi32>
      %add3A_256 = arith.addi %mul3A_128, %add3A_255 : vector<16xi32>
      %gather3A_257 = tpu.vector_load_idx %arg11[%add3A_143, %add3A_256] : memref<128x128xf32, #tpu.memory_space<vmem>>[vector<16xi32>, vector<16xi32>], vector<16xf32>,
      %add3A_258 = arith.constant 11 : i32
      %add3A_259 = vector.broadcast %add3A_258 : i32 to vector<16xi32>
      %add3A_260 = arith.addi %mul3A_139, %add3A_259 : vector<16xi32>
      %gather3A_261 = tpu.vector_load_idx %arg12[%add3A_143, %add3A_260] : memref<128x128xf32, #tpu.memory_space<vmem>>[vector<16xi32>, vector<16xi32>], vector<16xf32>,
      %mul3A_262 = arith.mulf %gather3A_257, %gather3A_261 : vector<16xf32>
      %add3A_263 = arith.addf %add3A_253, %mul3A_262 : vector<16xf32>
      %add3A_264 = arith.constant 12 : i32
      %add3A_265 = vector.broadcast %add3A_264 : i32 to vector<16xi32>
      %add3A_266 = arith.addi %mul3A_128, %add3A_265 : vector<16xi32>
      %gather3A_267 = tpu.vector_load_idx %arg11[%add3A_143, %add3A_266] : memref<128x128xf32, #tpu.memory_space<vmem>>[vector<16xi32>, vector<16xi32>], vector<16xf32>,
      %add3A_268 = arith.constant 12 : i32
      %add3A_269 = vector.broadcast %add3A_268 : i32 to vector<16xi32>
      %add3A_270 = arith.addi %mul3A_139, %add3A_269 : vector<16xi32>
      %gather3A_271 = tpu.vector_load_idx %arg12[%add3A_143, %add3A_270] : memref<128x128xf32, #tpu.memory_space<vmem>>[vector<16xi32>, vector<16xi32>], vector<16xf32>,
      %mul3A_272 = arith.mulf %gather3A_267, %gather3A_271 : vector<16xf32>
      %add3A_273 = arith.addf %add3A_263, %mul3A_272 : vector<16xf32>
      %add3A_274 = arith.constant 13 : i32
      %add3A_275 = vector.broadcast %add3A_274 : i32 to vector<16xi32>
      %add3A_276 = arith.addi %mul3A_128, %add3A_275 : vector<16xi32>
      %gather3A_277 = tpu.vector_load_idx %arg11[%add3A_143, %add3A_276] : memref<128x128xf32, #tpu.memory_space<vmem>>[vector<16xi32>, vector<16xi32>], vector<16xf32>,
      %add3A_278 = arith.constant 13 : i32
      %add3A_279 = vector.broadcast %add3A_278 : i32 to vector<16xi32>
      %add3A_280 = arith.addi %mul3A_139, %add3A_279 : vector<16xi32>
      %gather3A_281 = tpu.vector_load_idx %arg12[%add3A_143, %add3A_280] : memref<128x128xf32, #tpu.memory_space<vmem>>[vector<16xi32>, vector<16xi32>], vector<16xf32>,
      %mul3A_282 = arith.mulf %gather3A_277, %gather3A_281 : vector<16xf32>
      %add3A_283 = arith.addf %add3A_273, %mul3A_282 : vector<16xf32>
      %add3A_284 = arith.constant 14 : i32
      %add3A_285 = vector.broadcast %add3A_284 : i32 to vector<16xi32>
      %add3A_286 = arith.addi %mul3A_128, %add3A_285 : vector<16xi32>
      %gather3A_287 = tpu.vector_load_idx %arg11[%add3A_143, %add3A_286] : memref<128x128xf32, #tpu.memory_space<vmem>>[vector<16xi32>, vector<16xi32>], vector<16xf32>,
      %add3A_288 = arith.constant 14 : i32
      %add3A_289 = vector.broadcast %add3A_288 : i32 to vector<16xi32>
      %add3A_290 = arith.addi %mul3A_139, %add3A_289 : vector<16xi32>
      %gather3A_291 = tpu.vector_load_idx %arg12[%add3A_143, %add3A_290] : memref<128x128xf32, #tpu.memory_space<vmem>>[vector<16xi32>, vector<16xi32>], vector<16xf32>,
      %mul3A_292 = arith.mulf %gather3A_287, %gather3A_291 : vector<16xf32>
      %add3A_293 = arith.addf %add3A_283, %mul3A_292 : vector<16xf32>
      %add3A_294 = arith.constant 15 : i32
      %add3A_295 = vector.broadcast %add3A_294 : i32 to vector<16xi32>
      %add3A_296 = arith.addi %mul3A_128, %add3A_295 : vector<16xi32>
      %gather3A_297 = tpu.vector_load_idx %arg11[%add3A_143, %add3A_296] : memref<128x128xf32, #tpu.memory_space<vmem>>[vector<16xi32>, vector<16xi32>], vector<16xf32>,
      %add3A_298 = arith.constant 15 : i32
      %add3A_299 = vector.broadcast %add3A_298 : i32 to vector<16xi32>
      %add3A_300 = arith.addi %mul3A_139, %add3A_299 : vector<16xi32>
      %gather3A_301 = tpu.vector_load_idx %arg12[%add3A_143, %add3A_300] : memref<128x128xf32, #tpu.memory_space<vmem>>[vector<16xi32>, vector<16xi32>], vector<16xf32>,
      %mul3A_302 = arith.mulf %gather3A_297, %gather3A_301 : vector<16xf32>
      %add3A_303 = arith.addf %add3A_293, %mul3A_302 : vector<16xf32>
      %add3A_304 = arith.constant 16 : i32
      %add3A_305 = vector.broadcast %add3A_304 : i32 to vector<16xi32>
      %add3A_306 = arith.addi %mul3A_128, %add3A_305 : vector<16xi32>
      %gather3A_307 = tpu.vector_load_idx %arg11[%add3A_143, %add3A_306] : memref<128x128xf32, #tpu.memory_space<vmem>>[vector<16xi32>, vector<16xi32>], vector<16xf32>,
      %add3A_308 = arith.constant 16 : i32
      %add3A_309 = vector.broadcast %add3A_308 : i32 to vector<16xi32>
      %add3A_310 = arith.addi %mul3A_139, %add3A_309 : vector<16xi32>
      %gather3A_311 = tpu.vector_load_idx %arg12[%add3A_143, %add3A_310] : memref<128x128xf32, #tpu.memory_space<vmem>>[vector<16xi32>, vector<16xi32>], vector<16xf32>,
      %mul3A_312 = arith.mulf %gather3A_307, %gather3A_311 : vector<16xf32>
      %add3A_313 = arith.addf %add3A_303, %mul3A_312 : vector<16xf32>
      %add3A_314 = arith.constant 17 : i32
      %add3A_315 = vector.broadcast %add3A_314 : i32 to vector<16xi32>
      %add3A_316 = arith.addi %mul3A_128, %add3A_315 : vector<16xi32>
      %gather3A_317 = tpu.vector_load_idx %arg11[%add3A_143, %add3A_316] : memref<128x128xf32, #tpu.memory_space<vmem>>[vector<16xi32>, vector<16xi32>], vector<16xf32>,
      %add3A_318 = arith.constant 17 : i32
      %add3A_319 = vector.broadcast %add3A_318 : i32 to vector<16xi32>
      %add3A_320 = arith.addi %mul3A_139, %add3A_319 : vector<16xi32>
      %gather3A_321 = tpu.vector_load_idx %arg12[%add3A_143, %add3A_320] : memref<128x128xf32, #tpu.memory_space<vmem>>[vector<16xi32>, vector<16xi32>], vector<16xf32>,
      %mul3A_322 = arith.mulf %gather3A_317, %gather3A_321 : vector<16xf32>
      %add3A_323 = arith.addf %add3A_313, %mul3A_322 : vector<16xf32>
      %add3A_324 = arith.constant 18 : i32
      %add3A_325 = vector.broadcast %add3A_324 : i32 to vector<16xi32>
      %add3A_326 = arith.addi %mul3A_128, %add3A_325 : vector<16xi32>
      %gather3A_327 = tpu.vector_load_idx %arg11[%add3A_143, %add3A_326] : memref<128x128xf32, #tpu.memory_space<vmem>>[vector<16xi32>, vector<16xi32>], vector<16xf32>,
      %add3A_328 = arith.constant 18 : i32
      %add3A_329 = vector.broadcast %add3A_328 : i32 to vector<16xi32>
      %add3A_330 = arith.addi %mul3A_139, %add3A_329 : vector<16xi32>
      %gather3A_331 = tpu.vector_load_idx %arg12[%add3A_143, %add3A_330] : memref<128x128xf32, #tpu.memory_space<vmem>>[vector<16xi32>, vector<16xi32>], vector<16xf32>,
      %mul3A_332 = arith.mulf %gather3A_327, %gather3A_331 : vector<16xf32>
      %add3A_333 = arith.addf %add3A_323, %mul3A_332 : vector<16xf32>
      %add3A_334 = arith.constant 19 : i32
      %add3A_335 = vector.broadcast %add3A_334 : i32 to vector<16xi32>
      %add3A_336 = arith.addi %mul3A_128, %add3A_335 : vector<16xi32>
      %gather3A_337 = tpu.vector_load_idx %arg11[%add3A_143, %add3A_336] : memref<128x128xf32, #tpu.memory_space<vmem>>[vector<16xi32>, vector<16xi32>], vector<16xf32>,
      %add3A_338 = arith.constant 19 : i32
      %add3A_339 = vector.broadcast %add3A_338 : i32 to vector<16xi32>
      %add3A_340 = arith.addi %mul3A_139, %add3A_339 : vector<16xi32>
      %gather3A_341 = tpu.vector_load_idx %arg12[%add3A_143, %add3A_340] : memref<128x128xf32, #tpu.memory_space<vmem>>[vector<16xi32>, vector<16xi32>], vector<16xf32>,
      %mul3A_342 = arith.mulf %gather3A_337, %gather3A_341 : vector<16xf32>
      %add3A_343 = arith.addf %add3A_333, %mul3A_342 : vector<16xf32>
      %add3A_344 = arith.constant 20 : i32
      %add3A_345 = vector.broadcast %add3A_344 : i32 to vector<16xi32>
      %add3A_346 = arith.addi %mul3A_128, %add3A_345 : vector<16xi32>
      %gather3A_347 = tpu.vector_load_idx %arg11[%add3A_143, %add3A_346] : memref<128x128xf32, #tpu.memory_space<vmem>>[vector<16xi32>, vector<16xi32>], vector<16xf32>,
      %add3A_348 = arith.constant 20 : i32
      %add3A_349 = vector.broadcast %add3A_348 : i32 to vector<16xi32>
      %add3A_350 = arith.addi %mul3A_139, %add3A_349 : vector<16xi32>
      %gather3A_351 = tpu.vector_load_idx %arg12[%add3A_143, %add3A_350] : memref<128x128xf32, #tpu.memory_space<vmem>>[vector<16xi32>, vector<16xi32>], vector<16xf32>,
      %mul3A_352 = arith.mulf %gather3A_347, %gather3A_351 : vector<16xf32>
      %add3A_353 = arith.addf %add3A_343, %mul3A_352 : vector<16xf32>
      %add3A_354 = arith.constant 21 : i32
      %add3A_355 = vector.broadcast %add3A_354 : i32 to vector<16xi32>
      %add3A_356 = arith.addi %mul3A_128, %add3A_355 : vector<16xi32>
      %gather3A_357 = tpu.vector_load_idx %arg11[%add3A_143, %add3A_356] : memref<128x128xf32, #tpu.memory_space<vmem>>[vector<16xi32>, vector<16xi32>], vector<16xf32>,
      %add3A_358 = arith.constant 21 : i32
      %add3A_359 = vector.broadcast %add3A_358 : i32 to vector<16xi32>
      %add3A_360 = arith.addi %mul3A_139, %add3A_359 : vector<16xi32>
      %gather3A_361 = tpu.vector_load_idx %arg12[%add3A_143, %add3A_360] : memref<128x128xf32, #tpu.memory_space<vmem>>[vector<16xi32>, vector<16xi32>], vector<16xf32>,
      %mul3A_362 = arith.mulf %gather3A_357, %gather3A_361 : vector<16xf32>
      %add3A_363 = arith.addf %add3A_353, %mul3A_362 : vector<16xf32>
      %add3A_364 = arith.constant 22 : i32
      %add3A_365 = vector.broadcast %add3A_364 : i32 to vector<16xi32>
      %add3A_366 = arith.addi %mul3A_128, %add3A_365 : vector<16xi32>
      %gather3A_367 = tpu.vector_load_idx %arg11[%add3A_143, %add3A_366] : memref<128x128xf32, #tpu.memory_space<vmem>>[vector<16xi32>, vector<16xi32>], vector<16xf32>,
      %add3A_368 = arith.constant 22 : i32
      %add3A_369 = vector.broadcast %add3A_368 : i32 to vector<16xi32>
      %add3A_370 = arith.addi %mul3A_139, %add3A_369 : vector<16xi32>
      %gather3A_371 = tpu.vector_load_idx %arg12[%add3A_143, %add3A_370] : memref<128x128xf32, #tpu.memory_space<vmem>>[vector<16xi32>, vector<16xi32>], vector<16xf32>,
      %mul3A_372 = arith.mulf %gather3A_367, %gather3A_371 : vector<16xf32>
      %add3A_373 = arith.addf %add3A_363, %mul3A_372 : vector<16xf32>
      %add3A_374 = arith.constant 23 : i32
      %add3A_375 = vector.broadcast %add3A_374 : i32 to vector<16xi32>
      %add3A_376 = arith.addi %mul3A_128, %add3A_375 : vector<16xi32>
      %gather3A_377 = tpu.vector_load_idx %arg11[%add3A_143, %add3A_376] : memref<128x128xf32, #tpu.memory_space<vmem>>[vector<16xi32>, vector<16xi32>], vector<16xf32>,
      %add3A_378 = arith.constant 23 : i32
      %add3A_379 = vector.broadcast %add3A_378 : i32 to vector<16xi32>
      %add3A_380 = arith.addi %mul3A_139, %add3A_379 : vector<16xi32>
      %gather3A_381 = tpu.vector_load_idx %arg12[%add3A_143, %add3A_380] : memref<128x128xf32, #tpu.memory_space<vmem>>[vector<16xi32>, vector<16xi32>], vector<16xf32>,
      %mul3A_382 = arith.mulf %gather3A_377, %gather3A_381 : vector<16xf32>
      %add3A_383 = arith.addf %add3A_373, %mul3A_382 : vector<16xf32>
      %add3A_384 = arith.constant 24 : i32
      %add3A_385 = vector.broadcast %add3A_384 : i32 to vector<16xi32>
      %add3A_386 = arith.addi %mul3A_128, %add3A_385 : vector<16xi32>
      %gather3A_387 = tpu.vector_load_idx %arg11[%add3A_143, %add3A_386] : memref<128x128xf32, #tpu.memory_space<vmem>>[vector<16xi32>, vector<16xi32>], vector<16xf32>,
      %add3A_388 = arith.constant 24 : i32
      %add3A_389 = vector.broadcast %add3A_388 : i32 to vector<16xi32>
      %add3A_390 = arith.addi %mul3A_139, %add3A_389 : vector<16xi32>
      %gather3A_391 = tpu.vector_load_idx %arg12[%add3A_143, %add3A_390] : memref<128x128xf32, #tpu.memory_space<vmem>>[vector<16xi32>, vector<16xi32>], vector<16xf32>,
      %mul3A_392 = arith.mulf %gather3A_387, %gather3A_391 : vector<16xf32>
      %add3A_393 = arith.addf %add3A_383, %mul3A_392 : vector<16xf32>
      %add3A_394 = arith.constant 25 : i32
      %add3A_395 = vector.broadcast %add3A_394 : i32 to vector<16xi32>
      %add3A_396 = arith.addi %mul3A_128, %add3A_395 : vector<16xi32>
      %gather3A_397 = tpu.vector_load_idx %arg11[%add3A_143, %add3A_396] : memref<128x128xf32, #tpu.memory_space<vmem>>[vector<16xi32>, vector<16xi32>], vector<16xf32>,
      %add3A_398 = arith.constant 25 : i32
      %add3A_399 = vector.broadcast %add3A_398 : i32 to vector<16xi32>
      %add3A_400 = arith.addi %mul3A_139, %add3A_399 : vector<16xi32>
      %gather3A_401 = tpu.vector_load_idx %arg12[%add3A_143, %add3A_400] : memref<128x128xf32, #tpu.memory_space<vmem>>[vector<16xi32>, vector<16xi32>], vector<16xf32>,
      %mul3A_402 = arith.mulf %gather3A_397, %gather3A_401 : vector<16xf32>
      %add3A_403 = arith.addf %add3A_393, %mul3A_402 : vector<16xf32>
      %add3A_404 = arith.constant 26 : i32
      %add3A_405 = vector.broadcast %add3A_404 : i32 to vector<16xi32>
      %add3A_406 = arith.addi %mul3A_128, %add3A_405 : vector<16xi32>
      %gather3A_407 = tpu.vector_load_idx %arg11[%add3A_143, %add3A_406] : memref<128x128xf32, #tpu.memory_space<vmem>>[vector<16xi32>, vector<16xi32>], vector<16xf32>,
      %add3A_408 = arith.constant 26 : i32
      %add3A_409 = vector.broadcast %add3A_408 : i32 to vector<16xi32>
      %add3A_410 = arith.addi %mul3A_139, %add3A_409 : vector<16xi32>
      %gather3A_411 = tpu.vector_load_idx %arg12[%add3A_143, %add3A_410] : memref<128x128xf32, #tpu.memory_space<vmem>>[vector<16xi32>, vector<16xi32>], vector<16xf32>,
      %mul3A_412 = arith.mulf %gather3A_407, %gather3A_411 : vector<16xf32>
      %add3A_413 = arith.addf %add3A_403, %mul3A_412 : vector<16xf32>
      %add3A_414 = arith.constant 27 : i32
      %add3A_415 = vector.broadcast %add3A_414 : i32 to vector<16xi32>
      %add3A_416 = arith.addi %mul3A_128, %add3A_415 : vector<16xi32>
      %gather3A_417 = tpu.vector_load_idx %arg11[%add3A_143, %add3A_416] : memref<128x128xf32, #tpu.memory_space<vmem>>[vector<16xi32>, vector<16xi32>], vector<16xf32>,
      %add3A_418 = arith.constant 27 : i32
      %add3A_419 = vector.broadcast %add3A_418 : i32 to vector<16xi32>
      %add3A_420 = arith.addi %mul3A_139, %add3A_419 : vector<16xi32>
      %gather3A_421 = tpu.vector_load_idx %arg12[%add3A_143, %add3A_420] : memref<128x128xf32, #tpu.memory_space<vmem>>[vector<16xi32>, vector<16xi32>], vector<16xf32>,
      %mul3A_422 = arith.mulf %gather3A_417, %gather3A_421 : vector<16xf32>
      %add3A_423 = arith.addf %add3A_413, %mul3A_422 : vector<16xf32>
      %add3A_424 = arith.constant 28 : i32
      %add3A_425 = vector.broadcast %add3A_424 : i32 to vector<16xi32>
      %add3A_426 = arith.addi %mul3A_128, %add3A_425 : vector<16xi32>
      %gather3A_427 = tpu.vector_load_idx %arg11[%add3A_143, %add3A_426] : memref<128x128xf32, #tpu.memory_space<vmem>>[vector<16xi32>, vector<16xi32>], vector<16xf32>,
      %add3A_428 = arith.constant 28 : i32
      %add3A_429 = vector.broadcast %add3A_428 : i32 to vector<16xi32>
      %add3A_430 = arith.addi %mul3A_139, %add3A_429 : vector<16xi32>
      %gather3A_431 = tpu.vector_load_idx %arg12[%add3A_143, %add3A_430] : memref<128x128xf32, #tpu.memory_space<vmem>>[vector<16xi32>, vector<16xi32>], vector<16xf32>,
      %mul3A_432 = arith.mulf %gather3A_427, %gather3A_431 : vector<16xf32>
      %add3A_433 = arith.addf %add3A_423, %mul3A_432 : vector<16xf32>
      %add3A_434 = arith.constant 29 : i32
      %add3A_435 = vector.broadcast %add3A_434 : i32 to vector<16xi32>
      %add3A_436 = arith.addi %mul3A_128, %add3A_435 : vector<16xi32>
      %gather3A_437 = tpu.vector_load_idx %arg11[%add3A_143, %add3A_436] : memref<128x128xf32, #tpu.memory_space<vmem>>[vector<16xi32>, vector<16xi32>], vector<16xf32>,
      %add3A_438 = arith.constant 29 : i32
      %add3A_439 = vector.broadcast %add3A_438 : i32 to vector<16xi32>
      %add3A_440 = arith.addi %mul3A_139, %add3A_439 : vector<16xi32>
      %gather3A_441 = tpu.vector_load_idx %arg12[%add3A_143, %add3A_440] : memref<128x128xf32, #tpu.memory_space<vmem>>[vector<16xi32>, vector<16xi32>], vector<16xf32>,
      %mul3A_442 = arith.mulf %gather3A_437, %gather3A_441 : vector<16xf32>
      %add3A_443 = arith.addf %add3A_433, %mul3A_442 : vector<16xf32>
      %add3A_444 = arith.constant 30 : i32
      %add3A_445 = vector.broadcast %add3A_444 : i32 to vector<16xi32>
      %add3A_446 = arith.addi %mul3A_128, %add3A_445 : vector<16xi32>
      %gather3A_447 = tpu.vector_load_idx %arg11[%add3A_143, %add3A_446] : memref<128x128xf32, #tpu.memory_space<vmem>>[vector<16xi32>, vector<16xi32>], vector<16xf32>,
      %add3A_448 = arith.constant 30 : i32
      %add3A_449 = vector.broadcast %add3A_448 : i32 to vector<16xi32>
      %add3A_450 = arith.addi %mul3A_139, %add3A_449 : vector<16xi32>
      %gather3A_451 = tpu.vector_load_idx %arg12[%add3A_143, %add3A_450] : memref<128x128xf32, #tpu.memory_space<vmem>>[vector<16xi32>, vector<16xi32>], vector<16xf32>,
      %mul3A_452 = arith.mulf %gather3A_447, %gather3A_451 : vector<16xf32>
      %add3A_453 = arith.addf %add3A_443, %mul3A_452 : vector<16xf32>
      %add3A_454 = arith.constant 31 : i32
      %add3A_455 = vector.broadcast %add3A_454 : i32 to vector<16xi32>
      %add3A_456 = arith.addi %mul3A_128, %add3A_455 : vector<16xi32>
      %gather3A_457 = tpu.vector_load_idx %arg11[%add3A_143, %add3A_456] : memref<128x128xf32, #tpu.memory_space<vmem>>[vector<16xi32>, vector<16xi32>], vector<16xf32>,
      %add3A_458 = arith.constant 31 : i32
      %add3A_459 = vector.broadcast %add3A_458 : i32 to vector<16xi32>
      %add3A_460 = arith.addi %mul3A_139, %add3A_459 : vector<16xi32>
      %gather3A_461 = tpu.vector_load_idx %arg12[%add3A_143, %add3A_460] : memref<128x128xf32, #tpu.memory_space<vmem>>[vector<16xi32>, vector<16xi32>], vector<16xf32>,
      %mul3A_462 = arith.mulf %gather3A_457, %gather3A_461 : vector<16xf32>
      %add3A_463 = arith.addf %add3A_453, %mul3A_462 : vector<16xf32>
      %swap3A = arith.index_cast %add3A_120 : i32 to index
      %swap3A_464 = tpu.vector_load %arg13[%swap3A] {strides = array<i32>} : memref<512xf32, #tpu.memory_space<vmem>>, vector<16xf32>,
      tpu.vector_store %arg13[%swap3A], %add3A_463 {strides = array<i32>} : memref<512xf32, #tpu.memory_space<vmem>>, vector<16xf32>,
      %scan3A_465 = arith.constant 0 : i32
      scf.yield %scan3A_465 : i32
    }
    %scan3A_33 = arith.constant 8 : i32
    %dma_start3A_34 = arith.constant 128 : i32
    %dma_start3A_35 = tpu.memref_slice %arg9[%dma_start3A_34] : memref<512xi32, #tpu.memory_space<vmem>> -> memref<128xi32, #tpu.memory_space<vmem>>
    %dma_start3A_36 = arith.constant 0 : i32
    %dma_start3A_37 = arith.constant 0 : i32
    %dma_start3A_38 = tpu.memref_slice %arg4[%dma_start3A_36, %dma_start3A_37] : memref<253952x128xf32, #tpu.memory_space<hbm>> -> memref<253952x128xf32, #tpu.memory_space<hbm>>
    tpu.enqueue_indirect_dma source(%dma_start3A_38 : memref<253952x128xf32, #tpu.memory_space<hbm>>) target(%arg11 : memref<128x128xf32, #tpu.memory_space<vmem>>) offsets(%dma_start3A_35 : memref<128xi32, #tpu.memory_space<vmem>>) semaphore(%arg14 : memref<!tpu.dma_semaphore, #tpu.memory_space<semaphore_mem>>)
    %dma_start3A_39 = arith.constant 128 : i32
    %dma_start3A_40 = tpu.memref_slice %arg10[%dma_start3A_39] : memref<512xi32, #tpu.memory_space<vmem>> -> memref<128xi32, #tpu.memory_space<vmem>>
    %dma_start3A_41 = arith.constant 0 : i32
    %dma_start3A_42 = arith.constant 0 : i32
    %dma_start3A_43 = tpu.memref_slice %arg5[%dma_start3A_41, %dma_start3A_42] : memref<253952x128xf32, #tpu.memory_space<hbm>> -> memref<253952x128xf32, #tpu.memory_space<hbm>>
    tpu.enqueue_indirect_dma source(%dma_start3A_43 : memref<253952x128xf32, #tpu.memory_space<hbm>>) target(%arg12 : memref<128x128xf32, #tpu.memory_space<vmem>>) offsets(%dma_start3A_40 : memref<128xi32, #tpu.memory_space<vmem>>) semaphore(%arg14 : memref<!tpu.dma_semaphore, #tpu.memory_space<semaphore_mem>>)
    %dma_wait3A_44 = arith.constant 128 : i32
    %dma_wait3A_45 = tpu.memref_slice %arg9[%dma_wait3A_44] : memref<512xi32, #tpu.memory_space<vmem>> -> memref<128xi32, #tpu.memory_space<vmem>>
    %dma_wait3A_46 = arith.constant 0 : i32
    %dma_wait3A_47 = arith.constant 0 : i32
    %dma_wait3A_48 = tpu.memref_slice %arg4[%dma_wait3A_46, %dma_wait3A_47] : memref<253952x128xf32, #tpu.memory_space<hbm>> -> memref<253952x128xf32, #tpu.memory_space<hbm>>
    tpu.wait_indirect_dma semaphore(%arg14 : memref<!tpu.dma_semaphore, #tpu.memory_space<semaphore_mem>>) src(%dma_wait3A_48 : memref<253952x128xf32, #tpu.memory_space<hbm>>) dst(%arg11 : memref<128x128xf32, #tpu.memory_space<vmem>>)
    %dma_wait3A_49 = arith.constant 128 : i32
    %dma_wait3A_50 = tpu.memref_slice %arg10[%dma_wait3A_49] : memref<512xi32, #tpu.memory_space<vmem>> -> memref<128xi32, #tpu.memory_space<vmem>>
    %dma_wait3A_51 = arith.constant 0 : i32
    %dma_wait3A_52 = arith.constant 0 : i32
    %dma_wait3A_53 = tpu.memref_slice %arg5[%dma_wait3A_51, %dma_wait3A_52] : memref<253952x128xf32, #tpu.memory_space<hbm>> -> memref<253952x128xf32, #tpu.memory_space<hbm>>
    tpu.wait_indirect_dma semaphore(%arg14 : memref<!tpu.dma_semaphore, #tpu.memory_space<semaphore_mem>>) src(%dma_wait3A_53 : memref<253952x128xf32, #tpu.memory_space<hbm>>) dst(%arg12 : memref<128x128xf32, #tpu.memory_space<vmem>>)
    %scan3A_54 = arith.constant 0 : i32
    %scan3A_55 = arith.constant 0 : i32
    %scan3A_56 = arith.constant 8 : i32
    %scan3A_57 = arith.addi %scan3A_55, %scan3A_56 : i32
    %scan3A_58 = arith.constant 1 : i32
    %scan3A_59 = scf.for %scan3A_115 = %scan3A_55 to %scan3A_57 step %scan3A_58 iter_args(%scan3A_116 = %scan3A_54) -> (i32)  : i32 {
      %mul3A_117 = arith.constant 16 : i32
      %mul3A_118 = arith.muli %scan3A_115, %mul3A_117 : i32
      %add3A_119 = arith.constant 128 : i32
      %add3A_120 = arith.addi %add3A_119, %mul3A_118 : i32
      %get3A = arith.index_cast %add3A_120 : i32 to index
      %get3A_121 = tpu.vector_load %arg7[%get3A] {strides = array<i32>} : memref<512xi32, #tpu.memory_space<vmem>>, vector<16xi32>,
      %shift_right_arithmetic3A = arith.constant 13 : i32
      %shift_right_arithmetic3A_122 = vector.broadcast %shift_right_arithmetic3A : i32 to vector<16xi32>
      %shift_right_arithmetic3A_123 = arith.shrsi %get3A_121, %shift_right_arithmetic3A_122 : vector<16xi32>
      %and3A = arith.constant 3 : i32
      %and3A_124 = vector.broadcast %and3A : i32 to vector<16xi32>
      %and3A_125 = arith.andi %shift_right_arithmetic3A_123, %and3A_124 : vector<16xi32>
      %mul3A_126 = arith.constant 32 : i32
      %mul3A_127 = vector.broadcast %mul3A_126 : i32 to vector<16xi32>
      %mul3A_128 = arith.muli %and3A_125, %mul3A_127 : vector<16xi32>
      %get3A_129 = arith.index_cast %add3A_120 : i32 to index
      %get3A_130 = tpu.vector_load %arg8[%get3A_129] {strides = array<i32>} : memref<512xi32, #tpu.memory_space<vmem>>, vector<16xi32>,
      %shift_right_arithmetic3A_131 = arith.constant 13 : i32
      %shift_right_arithmetic3A_132 = vector.broadcast %shift_right_arithmetic3A_131 : i32 to vector<16xi32>
      %shift_right_arithmetic3A_133 = arith.shrsi %get3A_130, %shift_right_arithmetic3A_132 : vector<16xi32>
      %and3A_134 = arith.constant 3 : i32
      %and3A_135 = vector.broadcast %and3A_134 : i32 to vector<16xi32>
      %and3A_136 = arith.andi %shift_right_arithmetic3A_133, %and3A_135 : vector<16xi32>
      %mul3A_137 = arith.constant 32 : i32
      %mul3A_138 = vector.broadcast %mul3A_137 : i32 to vector<16xi32>
      %mul3A_139 = arith.muli %and3A_136, %mul3A_138 : vector<16xi32>
      %mul3A_140 = arith.constant 16 : i32
      %mul3A_141 = arith.muli %scan3A_115, %mul3A_140 : i32
      %add3A_142 = vector.broadcast %mul3A_141 : i32 to vector<16xi32>
      %add3A_143 = arith.addi %add3A_142, %iota3A : vector<16xi32>
      %broadcast_in_dim3A = arith.constant 0.000000e+00 : f32
      %broadcast_in_dim3A_144 = vector.broadcast %broadcast_in_dim3A : f32 to vector<16xf32>
      %add3A_145 = arith.constant 0 : i32
      %add3A_146 = vector.broadcast %add3A_145 : i32 to vector<16xi32>
      %add3A_147 = arith.addi %mul3A_128, %add3A_146 : vector<16xi32>
      %gather3A = tpu.vector_load_idx %arg11[%add3A_143, %add3A_147] : memref<128x128xf32, #tpu.memory_space<vmem>>[vector<16xi32>, vector<16xi32>], vector<16xf32>,
      %add3A_148 = arith.constant 0 : i32
      %add3A_149 = vector.broadcast %add3A_148 : i32 to vector<16xi32>
      %add3A_150 = arith.addi %mul3A_139, %add3A_149 : vector<16xi32>
      %gather3A_151 = tpu.vector_load_idx %arg12[%add3A_143, %add3A_150] : memref<128x128xf32, #tpu.memory_space<vmem>>[vector<16xi32>, vector<16xi32>], vector<16xf32>,
      %mul3A_152 = arith.mulf %gather3A, %gather3A_151 : vector<16xf32>
      %add3A_153 = arith.addf %broadcast_in_dim3A_144, %mul3A_152 : vector<16xf32>
      %add3A_154 = arith.constant 1 : i32
      %add3A_155 = vector.broadcast %add3A_154 : i32 to vector<16xi32>
      %add3A_156 = arith.addi %mul3A_128, %add3A_155 : vector<16xi32>
      %gather3A_157 = tpu.vector_load_idx %arg11[%add3A_143, %add3A_156] : memref<128x128xf32, #tpu.memory_space<vmem>>[vector<16xi32>, vector<16xi32>], vector<16xf32>,
      %add3A_158 = arith.constant 1 : i32
      %add3A_159 = vector.broadcast %add3A_158 : i32 to vector<16xi32>
      %add3A_160 = arith.addi %mul3A_139, %add3A_159 : vector<16xi32>
      %gather3A_161 = tpu.vector_load_idx %arg12[%add3A_143, %add3A_160] : memref<128x128xf32, #tpu.memory_space<vmem>>[vector<16xi32>, vector<16xi32>], vector<16xf32>,
      %mul3A_162 = arith.mulf %gather3A_157, %gather3A_161 : vector<16xf32>
      %add3A_163 = arith.addf %add3A_153, %mul3A_162 : vector<16xf32>
      %add3A_164 = arith.constant 2 : i32
      %add3A_165 = vector.broadcast %add3A_164 : i32 to vector<16xi32>
      %add3A_166 = arith.addi %mul3A_128, %add3A_165 : vector<16xi32>
      %gather3A_167 = tpu.vector_load_idx %arg11[%add3A_143, %add3A_166] : memref<128x128xf32, #tpu.memory_space<vmem>>[vector<16xi32>, vector<16xi32>], vector<16xf32>,
      %add3A_168 = arith.constant 2 : i32
      %add3A_169 = vector.broadcast %add3A_168 : i32 to vector<16xi32>
      %add3A_170 = arith.addi %mul3A_139, %add3A_169 : vector<16xi32>
      %gather3A_171 = tpu.vector_load_idx %arg12[%add3A_143, %add3A_170] : memref<128x128xf32, #tpu.memory_space<vmem>>[vector<16xi32>, vector<16xi32>], vector<16xf32>,
      %mul3A_172 = arith.mulf %gather3A_167, %gather3A_171 : vector<16xf32>
      %add3A_173 = arith.addf %add3A_163, %mul3A_172 : vector<16xf32>
      %add3A_174 = arith.constant 3 : i32
      %add3A_175 = vector.broadcast %add3A_174 : i32 to vector<16xi32>
      %add3A_176 = arith.addi %mul3A_128, %add3A_175 : vector<16xi32>
      %gather3A_177 = tpu.vector_load_idx %arg11[%add3A_143, %add3A_176] : memref<128x128xf32, #tpu.memory_space<vmem>>[vector<16xi32>, vector<16xi32>], vector<16xf32>,
      %add3A_178 = arith.constant 3 : i32
      %add3A_179 = vector.broadcast %add3A_178 : i32 to vector<16xi32>
      %add3A_180 = arith.addi %mul3A_139, %add3A_179 : vector<16xi32>
      %gather3A_181 = tpu.vector_load_idx %arg12[%add3A_143, %add3A_180] : memref<128x128xf32, #tpu.memory_space<vmem>>[vector<16xi32>, vector<16xi32>], vector<16xf32>,
      %mul3A_182 = arith.mulf %gather3A_177, %gather3A_181 : vector<16xf32>
      %add3A_183 = arith.addf %add3A_173, %mul3A_182 : vector<16xf32>
      %add3A_184 = arith.constant 4 : i32
      %add3A_185 = vector.broadcast %add3A_184 : i32 to vector<16xi32>
      %add3A_186 = arith.addi %mul3A_128, %add3A_185 : vector<16xi32>
      %gather3A_187 = tpu.vector_load_idx %arg11[%add3A_143, %add3A_186] : memref<128x128xf32, #tpu.memory_space<vmem>>[vector<16xi32>, vector<16xi32>], vector<16xf32>,
      %add3A_188 = arith.constant 4 : i32
      %add3A_189 = vector.broadcast %add3A_188 : i32 to vector<16xi32>
      %add3A_190 = arith.addi %mul3A_139, %add3A_189 : vector<16xi32>
      %gather3A_191 = tpu.vector_load_idx %arg12[%add3A_143, %add3A_190] : memref<128x128xf32, #tpu.memory_space<vmem>>[vector<16xi32>, vector<16xi32>], vector<16xf32>,
      %mul3A_192 = arith.mulf %gather3A_187, %gather3A_191 : vector<16xf32>
      %add3A_193 = arith.addf %add3A_183, %mul3A_192 : vector<16xf32>
      %add3A_194 = arith.constant 5 : i32
      %add3A_195 = vector.broadcast %add3A_194 : i32 to vector<16xi32>
      %add3A_196 = arith.addi %mul3A_128, %add3A_195 : vector<16xi32>
      %gather3A_197 = tpu.vector_load_idx %arg11[%add3A_143, %add3A_196] : memref<128x128xf32, #tpu.memory_space<vmem>>[vector<16xi32>, vector<16xi32>], vector<16xf32>,
      %add3A_198 = arith.constant 5 : i32
      %add3A_199 = vector.broadcast %add3A_198 : i32 to vector<16xi32>
      %add3A_200 = arith.addi %mul3A_139, %add3A_199 : vector<16xi32>
      %gather3A_201 = tpu.vector_load_idx %arg12[%add3A_143, %add3A_200] : memref<128x128xf32, #tpu.memory_space<vmem>>[vector<16xi32>, vector<16xi32>], vector<16xf32>,
      %mul3A_202 = arith.mulf %gather3A_197, %gather3A_201 : vector<16xf32>
      %add3A_203 = arith.addf %add3A_193, %mul3A_202 : vector<16xf32>
      %add3A_204 = arith.constant 6 : i32
      %add3A_205 = vector.broadcast %add3A_204 : i32 to vector<16xi32>
      %add3A_206 = arith.addi %mul3A_128, %add3A_205 : vector<16xi32>
      %gather3A_207 = tpu.vector_load_idx %arg11[%add3A_143, %add3A_206] : memref<128x128xf32, #tpu.memory_space<vmem>>[vector<16xi32>, vector<16xi32>], vector<16xf32>,
      %add3A_208 = arith.constant 6 : i32
      %add3A_209 = vector.broadcast %add3A_208 : i32 to vector<16xi32>
      %add3A_210 = arith.addi %mul3A_139, %add3A_209 : vector<16xi32>
      %gather3A_211 = tpu.vector_load_idx %arg12[%add3A_143, %add3A_210] : memref<128x128xf32, #tpu.memory_space<vmem>>[vector<16xi32>, vector<16xi32>], vector<16xf32>,
      %mul3A_212 = arith.mulf %gather3A_207, %gather3A_211 : vector<16xf32>
      %add3A_213 = arith.addf %add3A_203, %mul3A_212 : vector<16xf32>
      %add3A_214 = arith.constant 7 : i32
      %add3A_215 = vector.broadcast %add3A_214 : i32 to vector<16xi32>
      %add3A_216 = arith.addi %mul3A_128, %add3A_215 : vector<16xi32>
      %gather3A_217 = tpu.vector_load_idx %arg11[%add3A_143, %add3A_216] : memref<128x128xf32, #tpu.memory_space<vmem>>[vector<16xi32>, vector<16xi32>], vector<16xf32>,
      %add3A_218 = arith.constant 7 : i32
      %add3A_219 = vector.broadcast %add3A_218 : i32 to vector<16xi32>
      %add3A_220 = arith.addi %mul3A_139, %add3A_219 : vector<16xi32>
      %gather3A_221 = tpu.vector_load_idx %arg12[%add3A_143, %add3A_220] : memref<128x128xf32, #tpu.memory_space<vmem>>[vector<16xi32>, vector<16xi32>], vector<16xf32>,
      %mul3A_222 = arith.mulf %gather3A_217, %gather3A_221 : vector<16xf32>
      %add3A_223 = arith.addf %add3A_213, %mul3A_222 : vector<16xf32>
      %add3A_224 = arith.constant 8 : i32
      %add3A_225 = vector.broadcast %add3A_224 : i32 to vector<16xi32>
      %add3A_226 = arith.addi %mul3A_128, %add3A_225 : vector<16xi32>
      %gather3A_227 = tpu.vector_load_idx %arg11[%add3A_143, %add3A_226] : memref<128x128xf32, #tpu.memory_space<vmem>>[vector<16xi32>, vector<16xi32>], vector<16xf32>,
      %add3A_228 = arith.constant 8 : i32
      %add3A_229 = vector.broadcast %add3A_228 : i32 to vector<16xi32>
      %add3A_230 = arith.addi %mul3A_139, %add3A_229 : vector<16xi32>
      %gather3A_231 = tpu.vector_load_idx %arg12[%add3A_143, %add3A_230] : memref<128x128xf32, #tpu.memory_space<vmem>>[vector<16xi32>, vector<16xi32>], vector<16xf32>,
      %mul3A_232 = arith.mulf %gather3A_227, %gather3A_231 : vector<16xf32>
      %add3A_233 = arith.addf %add3A_223, %mul3A_232 : vector<16xf32>
      %add3A_234 = arith.constant 9 : i32
      %add3A_235 = vector.broadcast %add3A_234 : i32 to vector<16xi32>
      %add3A_236 = arith.addi %mul3A_128, %add3A_235 : vector<16xi32>
      %gather3A_237 = tpu.vector_load_idx %arg11[%add3A_143, %add3A_236] : memref<128x128xf32, #tpu.memory_space<vmem>>[vector<16xi32>, vector<16xi32>], vector<16xf32>,
      %add3A_238 = arith.constant 9 : i32
      %add3A_239 = vector.broadcast %add3A_238 : i32 to vector<16xi32>
      %add3A_240 = arith.addi %mul3A_139, %add3A_239 : vector<16xi32>
      %gather3A_241 = tpu.vector_load_idx %arg12[%add3A_143, %add3A_240] : memref<128x128xf32, #tpu.memory_space<vmem>>[vector<16xi32>, vector<16xi32>], vector<16xf32>,
      %mul3A_242 = arith.mulf %gather3A_237, %gather3A_241 : vector<16xf32>
      %add3A_243 = arith.addf %add3A_233, %mul3A_242 : vector<16xf32>
      %add3A_244 = arith.constant 10 : i32
      %add3A_245 = vector.broadcast %add3A_244 : i32 to vector<16xi32>
      %add3A_246 = arith.addi %mul3A_128, %add3A_245 : vector<16xi32>
      %gather3A_247 = tpu.vector_load_idx %arg11[%add3A_143, %add3A_246] : memref<128x128xf32, #tpu.memory_space<vmem>>[vector<16xi32>, vector<16xi32>], vector<16xf32>,
      %add3A_248 = arith.constant 10 : i32
      %add3A_249 = vector.broadcast %add3A_248 : i32 to vector<16xi32>
      %add3A_250 = arith.addi %mul3A_139, %add3A_249 : vector<16xi32>
      %gather3A_251 = tpu.vector_load_idx %arg12[%add3A_143, %add3A_250] : memref<128x128xf32, #tpu.memory_space<vmem>>[vector<16xi32>, vector<16xi32>], vector<16xf32>,
      %mul3A_252 = arith.mulf %gather3A_247, %gather3A_251 : vector<16xf32>
      %add3A_253 = arith.addf %add3A_243, %mul3A_252 : vector<16xf32>
      %add3A_254 = arith.constant 11 : i32
      %add3A_255 = vector.broadcast %add3A_254 : i32 to vector<16xi32>
      %add3A_256 = arith.addi %mul3A_128, %add3A_255 : vector<16xi32>
      %gather3A_257 = tpu.vector_load_idx %arg11[%add3A_143, %add3A_256] : memref<128x128xf32, #tpu.memory_space<vmem>>[vector<16xi32>, vector<16xi32>], vector<16xf32>,
      %add3A_258 = arith.constant 11 : i32
      %add3A_259 = vector.broadcast %add3A_258 : i32 to vector<16xi32>
      %add3A_260 = arith.addi %mul3A_139, %add3A_259 : vector<16xi32>
      %gather3A_261 = tpu.vector_load_idx %arg12[%add3A_143, %add3A_260] : memref<128x128xf32, #tpu.memory_space<vmem>>[vector<16xi32>, vector<16xi32>], vector<16xf32>,
      %mul3A_262 = arith.mulf %gather3A_257, %gather3A_261 : vector<16xf32>
      %add3A_263 = arith.addf %add3A_253, %mul3A_262 : vector<16xf32>
      %add3A_264 = arith.constant 12 : i32
      %add3A_265 = vector.broadcast %add3A_264 : i32 to vector<16xi32>
      %add3A_266 = arith.addi %mul3A_128, %add3A_265 : vector<16xi32>
      %gather3A_267 = tpu.vector_load_idx %arg11[%add3A_143, %add3A_266] : memref<128x128xf32, #tpu.memory_space<vmem>>[vector<16xi32>, vector<16xi32>], vector<16xf32>,
      %add3A_268 = arith.constant 12 : i32
      %add3A_269 = vector.broadcast %add3A_268 : i32 to vector<16xi32>
      %add3A_270 = arith.addi %mul3A_139, %add3A_269 : vector<16xi32>
      %gather3A_271 = tpu.vector_load_idx %arg12[%add3A_143, %add3A_270] : memref<128x128xf32, #tpu.memory_space<vmem>>[vector<16xi32>, vector<16xi32>], vector<16xf32>,
      %mul3A_272 = arith.mulf %gather3A_267, %gather3A_271 : vector<16xf32>
      %add3A_273 = arith.addf %add3A_263, %mul3A_272 : vector<16xf32>
      %add3A_274 = arith.constant 13 : i32
      %add3A_275 = vector.broadcast %add3A_274 : i32 to vector<16xi32>
      %add3A_276 = arith.addi %mul3A_128, %add3A_275 : vector<16xi32>
      %gather3A_277 = tpu.vector_load_idx %arg11[%add3A_143, %add3A_276] : memref<128x128xf32, #tpu.memory_space<vmem>>[vector<16xi32>, vector<16xi32>], vector<16xf32>,
      %add3A_278 = arith.constant 13 : i32
      %add3A_279 = vector.broadcast %add3A_278 : i32 to vector<16xi32>
      %add3A_280 = arith.addi %mul3A_139, %add3A_279 : vector<16xi32>
      %gather3A_281 = tpu.vector_load_idx %arg12[%add3A_143, %add3A_280] : memref<128x128xf32, #tpu.memory_space<vmem>>[vector<16xi32>, vector<16xi32>], vector<16xf32>,
      %mul3A_282 = arith.mulf %gather3A_277, %gather3A_281 : vector<16xf32>
      %add3A_283 = arith.addf %add3A_273, %mul3A_282 : vector<16xf32>
      %add3A_284 = arith.constant 14 : i32
      %add3A_285 = vector.broadcast %add3A_284 : i32 to vector<16xi32>
      %add3A_286 = arith.addi %mul3A_128, %add3A_285 : vector<16xi32>
      %gather3A_287 = tpu.vector_load_idx %arg11[%add3A_143, %add3A_286] : memref<128x128xf32, #tpu.memory_space<vmem>>[vector<16xi32>, vector<16xi32>], vector<16xf32>,
      %add3A_288 = arith.constant 14 : i32
      %add3A_289 = vector.broadcast %add3A_288 : i32 to vector<16xi32>
      %add3A_290 = arith.addi %mul3A_139, %add3A_289 : vector<16xi32>
      %gather3A_291 = tpu.vector_load_idx %arg12[%add3A_143, %add3A_290] : memref<128x128xf32, #tpu.memory_space<vmem>>[vector<16xi32>, vector<16xi32>], vector<16xf32>,
      %mul3A_292 = arith.mulf %gather3A_287, %gather3A_291 : vector<16xf32>
      %add3A_293 = arith.addf %add3A_283, %mul3A_292 : vector<16xf32>
      %add3A_294 = arith.constant 15 : i32
      %add3A_295 = vector.broadcast %add3A_294 : i32 to vector<16xi32>
      %add3A_296 = arith.addi %mul3A_128, %add3A_295 : vector<16xi32>
      %gather3A_297 = tpu.vector_load_idx %arg11[%add3A_143, %add3A_296] : memref<128x128xf32, #tpu.memory_space<vmem>>[vector<16xi32>, vector<16xi32>], vector<16xf32>,
      %add3A_298 = arith.constant 15 : i32
      %add3A_299 = vector.broadcast %add3A_298 : i32 to vector<16xi32>
      %add3A_300 = arith.addi %mul3A_139, %add3A_299 : vector<16xi32>
      %gather3A_301 = tpu.vector_load_idx %arg12[%add3A_143, %add3A_300] : memref<128x128xf32, #tpu.memory_space<vmem>>[vector<16xi32>, vector<16xi32>], vector<16xf32>,
      %mul3A_302 = arith.mulf %gather3A_297, %gather3A_301 : vector<16xf32>
      %add3A_303 = arith.addf %add3A_293, %mul3A_302 : vector<16xf32>
      %add3A_304 = arith.constant 16 : i32
      %add3A_305 = vector.broadcast %add3A_304 : i32 to vector<16xi32>
      %add3A_306 = arith.addi %mul3A_128, %add3A_305 : vector<16xi32>
      %gather3A_307 = tpu.vector_load_idx %arg11[%add3A_143, %add3A_306] : memref<128x128xf32, #tpu.memory_space<vmem>>[vector<16xi32>, vector<16xi32>], vector<16xf32>,
      %add3A_308 = arith.constant 16 : i32
      %add3A_309 = vector.broadcast %add3A_308 : i32 to vector<16xi32>
      %add3A_310 = arith.addi %mul3A_139, %add3A_309 : vector<16xi32>
      %gather3A_311 = tpu.vector_load_idx %arg12[%add3A_143, %add3A_310] : memref<128x128xf32, #tpu.memory_space<vmem>>[vector<16xi32>, vector<16xi32>], vector<16xf32>,
      %mul3A_312 = arith.mulf %gather3A_307, %gather3A_311 : vector<16xf32>
      %add3A_313 = arith.addf %add3A_303, %mul3A_312 : vector<16xf32>
      %add3A_314 = arith.constant 17 : i32
      %add3A_315 = vector.broadcast %add3A_314 : i32 to vector<16xi32>
      %add3A_316 = arith.addi %mul3A_128, %add3A_315 : vector<16xi32>
      %gather3A_317 = tpu.vector_load_idx %arg11[%add3A_143, %add3A_316] : memref<128x128xf32, #tpu.memory_space<vmem>>[vector<16xi32>, vector<16xi32>], vector<16xf32>,
      %add3A_318 = arith.constant 17 : i32
      %add3A_319 = vector.broadcast %add3A_318 : i32 to vector<16xi32>
      %add3A_320 = arith.addi %mul3A_139, %add3A_319 : vector<16xi32>
      %gather3A_321 = tpu.vector_load_idx %arg12[%add3A_143, %add3A_320] : memref<128x128xf32, #tpu.memory_space<vmem>>[vector<16xi32>, vector<16xi32>], vector<16xf32>,
      %mul3A_322 = arith.mulf %gather3A_317, %gather3A_321 : vector<16xf32>
      %add3A_323 = arith.addf %add3A_313, %mul3A_322 : vector<16xf32>
      %add3A_324 = arith.constant 18 : i32
      %add3A_325 = vector.broadcast %add3A_324 : i32 to vector<16xi32>
      %add3A_326 = arith.addi %mul3A_128, %add3A_325 : vector<16xi32>
      %gather3A_327 = tpu.vector_load_idx %arg11[%add3A_143, %add3A_326] : memref<128x128xf32, #tpu.memory_space<vmem>>[vector<16xi32>, vector<16xi32>], vector<16xf32>,
      %add3A_328 = arith.constant 18 : i32
      %add3A_329 = vector.broadcast %add3A_328 : i32 to vector<16xi32>
      %add3A_330 = arith.addi %mul3A_139, %add3A_329 : vector<16xi32>
      %gather3A_331 = tpu.vector_load_idx %arg12[%add3A_143, %add3A_330] : memref<128x128xf32, #tpu.memory_space<vmem>>[vector<16xi32>, vector<16xi32>], vector<16xf32>,
      %mul3A_332 = arith.mulf %gather3A_327, %gather3A_331 : vector<16xf32>
      %add3A_333 = arith.addf %add3A_323, %mul3A_332 : vector<16xf32>
      %add3A_334 = arith.constant 19 : i32
      %add3A_335 = vector.broadcast %add3A_334 : i32 to vector<16xi32>
      %add3A_336 = arith.addi %mul3A_128, %add3A_335 : vector<16xi32>
      %gather3A_337 = tpu.vector_load_idx %arg11[%add3A_143, %add3A_336] : memref<128x128xf32, #tpu.memory_space<vmem>>[vector<16xi32>, vector<16xi32>], vector<16xf32>,
      %add3A_338 = arith.constant 19 : i32
      %add3A_339 = vector.broadcast %add3A_338 : i32 to vector<16xi32>
      %add3A_340 = arith.addi %mul3A_139, %add3A_339 : vector<16xi32>
      %gather3A_341 = tpu.vector_load_idx %arg12[%add3A_143, %add3A_340] : memref<128x128xf32, #tpu.memory_space<vmem>>[vector<16xi32>, vector<16xi32>], vector<16xf32>,
      %mul3A_342 = arith.mulf %gather3A_337, %gather3A_341 : vector<16xf32>
      %add3A_343 = arith.addf %add3A_333, %mul3A_342 : vector<16xf32>
      %add3A_344 = arith.constant 20 : i32
      %add3A_345 = vector.broadcast %add3A_344 : i32 to vector<16xi32>
      %add3A_346 = arith.addi %mul3A_128, %add3A_345 : vector<16xi32>
      %gather3A_347 = tpu.vector_load_idx %arg11[%add3A_143, %add3A_346] : memref<128x128xf32, #tpu.memory_space<vmem>>[vector<16xi32>, vector<16xi32>], vector<16xf32>,
      %add3A_348 = arith.constant 20 : i32
      %add3A_349 = vector.broadcast %add3A_348 : i32 to vector<16xi32>
      %add3A_350 = arith.addi %mul3A_139, %add3A_349 : vector<16xi32>
      %gather3A_351 = tpu.vector_load_idx %arg12[%add3A_143, %add3A_350] : memref<128x128xf32, #tpu.memory_space<vmem>>[vector<16xi32>, vector<16xi32>], vector<16xf32>,
      %mul3A_352 = arith.mulf %gather3A_347, %gather3A_351 : vector<16xf32>
      %add3A_353 = arith.addf %add3A_343, %mul3A_352 : vector<16xf32>
      %add3A_354 = arith.constant 21 : i32
      %add3A_355 = vector.broadcast %add3A_354 : i32 to vector<16xi32>
      %add3A_356 = arith.addi %mul3A_128, %add3A_355 : vector<16xi32>
      %gather3A_357 = tpu.vector_load_idx %arg11[%add3A_143, %add3A_356] : memref<128x128xf32, #tpu.memory_space<vmem>>[vector<16xi32>, vector<16xi32>], vector<16xf32>,
      %add3A_358 = arith.constant 21 : i32
      %add3A_359 = vector.broadcast %add3A_358 : i32 to vector<16xi32>
      %add3A_360 = arith.addi %mul3A_139, %add3A_359 : vector<16xi32>
      %gather3A_361 = tpu.vector_load_idx %arg12[%add3A_143, %add3A_360] : memref<128x128xf32, #tpu.memory_space<vmem>>[vector<16xi32>, vector<16xi32>], vector<16xf32>,
      %mul3A_362 = arith.mulf %gather3A_357, %gather3A_361 : vector<16xf32>
      %add3A_363 = arith.addf %add3A_353, %mul3A_362 : vector<16xf32>
      %add3A_364 = arith.constant 22 : i32
      %add3A_365 = vector.broadcast %add3A_364 : i32 to vector<16xi32>
      %add3A_366 = arith.addi %mul3A_128, %add3A_365 : vector<16xi32>
      %gather3A_367 = tpu.vector_load_idx %arg11[%add3A_143, %add3A_366] : memref<128x128xf32, #tpu.memory_space<vmem>>[vector<16xi32>, vector<16xi32>], vector<16xf32>,
      %add3A_368 = arith.constant 22 : i32
      %add3A_369 = vector.broadcast %add3A_368 : i32 to vector<16xi32>
      %add3A_370 = arith.addi %mul3A_139, %add3A_369 : vector<16xi32>
      %gather3A_371 = tpu.vector_load_idx %arg12[%add3A_143, %add3A_370] : memref<128x128xf32, #tpu.memory_space<vmem>>[vector<16xi32>, vector<16xi32>], vector<16xf32>,
      %mul3A_372 = arith.mulf %gather3A_367, %gather3A_371 : vector<16xf32>
      %add3A_373 = arith.addf %add3A_363, %mul3A_372 : vector<16xf32>
      %add3A_374 = arith.constant 23 : i32
      %add3A_375 = vector.broadcast %add3A_374 : i32 to vector<16xi32>
      %add3A_376 = arith.addi %mul3A_128, %add3A_375 : vector<16xi32>
      %gather3A_377 = tpu.vector_load_idx %arg11[%add3A_143, %add3A_376] : memref<128x128xf32, #tpu.memory_space<vmem>>[vector<16xi32>, vector<16xi32>], vector<16xf32>,
      %add3A_378 = arith.constant 23 : i32
      %add3A_379 = vector.broadcast %add3A_378 : i32 to vector<16xi32>
      %add3A_380 = arith.addi %mul3A_139, %add3A_379 : vector<16xi32>
      %gather3A_381 = tpu.vector_load_idx %arg12[%add3A_143, %add3A_380] : memref<128x128xf32, #tpu.memory_space<vmem>>[vector<16xi32>, vector<16xi32>], vector<16xf32>,
      %mul3A_382 = arith.mulf %gather3A_377, %gather3A_381 : vector<16xf32>
      %add3A_383 = arith.addf %add3A_373, %mul3A_382 : vector<16xf32>
      %add3A_384 = arith.constant 24 : i32
      %add3A_385 = vector.broadcast %add3A_384 : i32 to vector<16xi32>
      %add3A_386 = arith.addi %mul3A_128, %add3A_385 : vector<16xi32>
      %gather3A_387 = tpu.vector_load_idx %arg11[%add3A_143, %add3A_386] : memref<128x128xf32, #tpu.memory_space<vmem>>[vector<16xi32>, vector<16xi32>], vector<16xf32>,
      %add3A_388 = arith.constant 24 : i32
      %add3A_389 = vector.broadcast %add3A_388 : i32 to vector<16xi32>
      %add3A_390 = arith.addi %mul3A_139, %add3A_389 : vector<16xi32>
      %gather3A_391 = tpu.vector_load_idx %arg12[%add3A_143, %add3A_390] : memref<128x128xf32, #tpu.memory_space<vmem>>[vector<16xi32>, vector<16xi32>], vector<16xf32>,
      %mul3A_392 = arith.mulf %gather3A_387, %gather3A_391 : vector<16xf32>
      %add3A_393 = arith.addf %add3A_383, %mul3A_392 : vector<16xf32>
      %add3A_394 = arith.constant 25 : i32
      %add3A_395 = vector.broadcast %add3A_394 : i32 to vector<16xi32>
      %add3A_396 = arith.addi %mul3A_128, %add3A_395 : vector<16xi32>
      %gather3A_397 = tpu.vector_load_idx %arg11[%add3A_143, %add3A_396] : memref<128x128xf32, #tpu.memory_space<vmem>>[vector<16xi32>, vector<16xi32>], vector<16xf32>,
      %add3A_398 = arith.constant 25 : i32
      %add3A_399 = vector.broadcast %add3A_398 : i32 to vector<16xi32>
      %add3A_400 = arith.addi %mul3A_139, %add3A_399 : vector<16xi32>
      %gather3A_401 = tpu.vector_load_idx %arg12[%add3A_143, %add3A_400] : memref<128x128xf32, #tpu.memory_space<vmem>>[vector<16xi32>, vector<16xi32>], vector<16xf32>,
      %mul3A_402 = arith.mulf %gather3A_397, %gather3A_401 : vector<16xf32>
      %add3A_403 = arith.addf %add3A_393, %mul3A_402 : vector<16xf32>
      %add3A_404 = arith.constant 26 : i32
      %add3A_405 = vector.broadcast %add3A_404 : i32 to vector<16xi32>
      %add3A_406 = arith.addi %mul3A_128, %add3A_405 : vector<16xi32>
      %gather3A_407 = tpu.vector_load_idx %arg11[%add3A_143, %add3A_406] : memref<128x128xf32, #tpu.memory_space<vmem>>[vector<16xi32>, vector<16xi32>], vector<16xf32>,
      %add3A_408 = arith.constant 26 : i32
      %add3A_409 = vector.broadcast %add3A_408 : i32 to vector<16xi32>
      %add3A_410 = arith.addi %mul3A_139, %add3A_409 : vector<16xi32>
      %gather3A_411 = tpu.vector_load_idx %arg12[%add3A_143, %add3A_410] : memref<128x128xf32, #tpu.memory_space<vmem>>[vector<16xi32>, vector<16xi32>], vector<16xf32>,
      %mul3A_412 = arith.mulf %gather3A_407, %gather3A_411 : vector<16xf32>
      %add3A_413 = arith.addf %add3A_403, %mul3A_412 : vector<16xf32>
      %add3A_414 = arith.constant 27 : i32
      %add3A_415 = vector.broadcast %add3A_414 : i32 to vector<16xi32>
      %add3A_416 = arith.addi %mul3A_128, %add3A_415 : vector<16xi32>
      %gather3A_417 = tpu.vector_load_idx %arg11[%add3A_143, %add3A_416] : memref<128x128xf32, #tpu.memory_space<vmem>>[vector<16xi32>, vector<16xi32>], vector<16xf32>,
      %add3A_418 = arith.constant 27 : i32
      %add3A_419 = vector.broadcast %add3A_418 : i32 to vector<16xi32>
      %add3A_420 = arith.addi %mul3A_139, %add3A_419 : vector<16xi32>
      %gather3A_421 = tpu.vector_load_idx %arg12[%add3A_143, %add3A_420] : memref<128x128xf32, #tpu.memory_space<vmem>>[vector<16xi32>, vector<16xi32>], vector<16xf32>,
      %mul3A_422 = arith.mulf %gather3A_417, %gather3A_421 : vector<16xf32>
      %add3A_423 = arith.addf %add3A_413, %mul3A_422 : vector<16xf32>
      %add3A_424 = arith.constant 28 : i32
      %add3A_425 = vector.broadcast %add3A_424 : i32 to vector<16xi32>
      %add3A_426 = arith.addi %mul3A_128, %add3A_425 : vector<16xi32>
      %gather3A_427 = tpu.vector_load_idx %arg11[%add3A_143, %add3A_426] : memref<128x128xf32, #tpu.memory_space<vmem>>[vector<16xi32>, vector<16xi32>], vector<16xf32>,
      %add3A_428 = arith.constant 28 : i32
      %add3A_429 = vector.broadcast %add3A_428 : i32 to vector<16xi32>
      %add3A_430 = arith.addi %mul3A_139, %add3A_429 : vector<16xi32>
      %gather3A_431 = tpu.vector_load_idx %arg12[%add3A_143, %add3A_430] : memref<128x128xf32, #tpu.memory_space<vmem>>[vector<16xi32>, vector<16xi32>], vector<16xf32>,
      %mul3A_432 = arith.mulf %gather3A_427, %gather3A_431 : vector<16xf32>
      %add3A_433 = arith.addf %add3A_423, %mul3A_432 : vector<16xf32>
      %add3A_434 = arith.constant 29 : i32
      %add3A_435 = vector.broadcast %add3A_434 : i32 to vector<16xi32>
      %add3A_436 = arith.addi %mul3A_128, %add3A_435 : vector<16xi32>
      %gather3A_437 = tpu.vector_load_idx %arg11[%add3A_143, %add3A_436] : memref<128x128xf32, #tpu.memory_space<vmem>>[vector<16xi32>, vector<16xi32>], vector<16xf32>,
      %add3A_438 = arith.constant 29 : i32
      %add3A_439 = vector.broadcast %add3A_438 : i32 to vector<16xi32>
      %add3A_440 = arith.addi %mul3A_139, %add3A_439 : vector<16xi32>
      %gather3A_441 = tpu.vector_load_idx %arg12[%add3A_143, %add3A_440] : memref<128x128xf32, #tpu.memory_space<vmem>>[vector<16xi32>, vector<16xi32>], vector<16xf32>,
      %mul3A_442 = arith.mulf %gather3A_437, %gather3A_441 : vector<16xf32>
      %add3A_443 = arith.addf %add3A_433, %mul3A_442 : vector<16xf32>
      %add3A_444 = arith.constant 30 : i32
      %add3A_445 = vector.broadcast %add3A_444 : i32 to vector<16xi32>
      %add3A_446 = arith.addi %mul3A_128, %add3A_445 : vector<16xi32>
      %gather3A_447 = tpu.vector_load_idx %arg11[%add3A_143, %add3A_446] : memref<128x128xf32, #tpu.memory_space<vmem>>[vector<16xi32>, vector<16xi32>], vector<16xf32>,
      %add3A_448 = arith.constant 30 : i32
      %add3A_449 = vector.broadcast %add3A_448 : i32 to vector<16xi32>
      %add3A_450 = arith.addi %mul3A_139, %add3A_449 : vector<16xi32>
      %gather3A_451 = tpu.vector_load_idx %arg12[%add3A_143, %add3A_450] : memref<128x128xf32, #tpu.memory_space<vmem>>[vector<16xi32>, vector<16xi32>], vector<16xf32>,
      %mul3A_452 = arith.mulf %gather3A_447, %gather3A_451 : vector<16xf32>
      %add3A_453 = arith.addf %add3A_443, %mul3A_452 : vector<16xf32>
      %add3A_454 = arith.constant 31 : i32
      %add3A_455 = vector.broadcast %add3A_454 : i32 to vector<16xi32>
      %add3A_456 = arith.addi %mul3A_128, %add3A_455 : vector<16xi32>
      %gather3A_457 = tpu.vector_load_idx %arg11[%add3A_143, %add3A_456] : memref<128x128xf32, #tpu.memory_space<vmem>>[vector<16xi32>, vector<16xi32>], vector<16xf32>,
      %add3A_458 = arith.constant 31 : i32
      %add3A_459 = vector.broadcast %add3A_458 : i32 to vector<16xi32>
      %add3A_460 = arith.addi %mul3A_139, %add3A_459 : vector<16xi32>
      %gather3A_461 = tpu.vector_load_idx %arg12[%add3A_143, %add3A_460] : memref<128x128xf32, #tpu.memory_space<vmem>>[vector<16xi32>, vector<16xi32>], vector<16xf32>,
      %mul3A_462 = arith.mulf %gather3A_457, %gather3A_461 : vector<16xf32>
      %add3A_463 = arith.addf %add3A_453, %mul3A_462 : vector<16xf32>
      %swap3A = arith.index_cast %add3A_120 : i32 to index
      %swap3A_464 = tpu.vector_load %arg13[%swap3A] {strides = array<i32>} : memref<512xf32, #tpu.memory_space<vmem>>, vector<16xf32>,
      tpu.vector_store %arg13[%swap3A], %add3A_463 {strides = array<i32>} : memref<512xf32, #tpu.memory_space<vmem>>, vector<16xf32>,
      %scan3A_465 = arith.constant 0 : i32
      scf.yield %scan3A_465 : i32
    }
    %scan3A_60 = arith.constant 8 : i32
    %dma_start3A_61 = arith.constant 256 : i32
    %dma_start3A_62 = tpu.memref_slice %arg9[%dma_start3A_61] : memref<512xi32, #tpu.memory_space<vmem>> -> memref<128xi32, #tpu.memory_space<vmem>>
    %dma_start3A_63 = arith.constant 0 : i32
    %dma_start3A_64 = arith.constant 0 : i32
    %dma_start3A_65 = tpu.memref_slice %arg4[%dma_start3A_63, %dma_start3A_64] : memref<253952x128xf32, #tpu.memory_space<hbm>> -> memref<253952x128xf32, #tpu.memory_space<hbm>>
    tpu.enqueue_indirect_dma source(%dma_start3A_65 : memref<253952x128xf32, #tpu.memory_space<hbm>>) target(%arg11 : memref<128x128xf32, #tpu.memory_space<vmem>>) offsets(%dma_start3A_62 : memref<128xi32, #tpu.memory_space<vmem>>) semaphore(%arg14 : memref<!tpu.dma_semaphore, #tpu.memory_space<semaphore_mem>>)
    %dma_start3A_66 = arith.constant 256 : i32
    %dma_start3A_67 = tpu.memref_slice %arg10[%dma_start3A_66] : memref<512xi32, #tpu.memory_space<vmem>> -> memref<128xi32, #tpu.memory_space<vmem>>
    %dma_start3A_68 = arith.constant 0 : i32
    %dma_start3A_69 = arith.constant 0 : i32
    %dma_start3A_70 = tpu.memref_slice %arg5[%dma_start3A_68, %dma_start3A_69] : memref<253952x128xf32, #tpu.memory_space<hbm>> -> memref<253952x128xf32, #tpu.memory_space<hbm>>
    tpu.enqueue_indirect_dma source(%dma_start3A_70 : memref<253952x128xf32, #tpu.memory_space<hbm>>) target(%arg12 : memref<128x128xf32, #tpu.memory_space<vmem>>) offsets(%dma_start3A_67 : memref<128xi32, #tpu.memory_space<vmem>>) semaphore(%arg14 : memref<!tpu.dma_semaphore, #tpu.memory_space<semaphore_mem>>)
    %dma_wait3A_71 = arith.constant 256 : i32
    %dma_wait3A_72 = tpu.memref_slice %arg9[%dma_wait3A_71] : memref<512xi32, #tpu.memory_space<vmem>> -> memref<128xi32, #tpu.memory_space<vmem>>
    %dma_wait3A_73 = arith.constant 0 : i32
    %dma_wait3A_74 = arith.constant 0 : i32
    %dma_wait3A_75 = tpu.memref_slice %arg4[%dma_wait3A_73, %dma_wait3A_74] : memref<253952x128xf32, #tpu.memory_space<hbm>> -> memref<253952x128xf32, #tpu.memory_space<hbm>>
    tpu.wait_indirect_dma semaphore(%arg14 : memref<!tpu.dma_semaphore, #tpu.memory_space<semaphore_mem>>) src(%dma_wait3A_75 : memref<253952x128xf32, #tpu.memory_space<hbm>>) dst(%arg11 : memref<128x128xf32, #tpu.memory_space<vmem>>)
    %dma_wait3A_76 = arith.constant 256 : i32
    %dma_wait3A_77 = tpu.memref_slice %arg10[%dma_wait3A_76] : memref<512xi32, #tpu.memory_space<vmem>> -> memref<128xi32, #tpu.memory_space<vmem>>
    %dma_wait3A_78 = arith.constant 0 : i32
    %dma_wait3A_79 = arith.constant 0 : i32
    %dma_wait3A_80 = tpu.memref_slice %arg5[%dma_wait3A_78, %dma_wait3A_79] : memref<253952x128xf32, #tpu.memory_space<hbm>> -> memref<253952x128xf32, #tpu.memory_space<hbm>>
    tpu.wait_indirect_dma semaphore(%arg14 : memref<!tpu.dma_semaphore, #tpu.memory_space<semaphore_mem>>) src(%dma_wait3A_80 : memref<253952x128xf32, #tpu.memory_space<hbm>>) dst(%arg12 : memref<128x128xf32, #tpu.memory_space<vmem>>)
    %scan3A_81 = arith.constant 0 : i32
    %scan3A_82 = arith.constant 0 : i32
    %scan3A_83 = arith.constant 8 : i32
    %scan3A_84 = arith.addi %scan3A_82, %scan3A_83 : i32
    %scan3A_85 = arith.constant 1 : i32
    %scan3A_86 = scf.for %scan3A_115 = %scan3A_82 to %scan3A_84 step %scan3A_85 iter_args(%scan3A_116 = %scan3A_81) -> (i32)  : i32 {
      %mul3A_117 = arith.constant 16 : i32
      %mul3A_118 = arith.muli %scan3A_115, %mul3A_117 : i32
      %add3A_119 = arith.constant 256 : i32
      %add3A_120 = arith.addi %add3A_119, %mul3A_118 : i32
      %get3A = arith.index_cast %add3A_120 : i32 to index
      %get3A_121 = tpu.vector_load %arg7[%get3A] {strides = array<i32>} : memref<512xi32, #tpu.memory_space<vmem>>, vector<16xi32>,
      %shift_right_arithmetic3A = arith.constant 13 : i32
      %shift_right_arithmetic3A_122 = vector.broadcast %shift_right_arithmetic3A : i32 to vector<16xi32>
      %shift_right_arithmetic3A_123 = arith.shrsi %get3A_121, %shift_right_arithmetic3A_122 : vector<16xi32>
      %and3A = arith.constant 3 : i32
      %and3A_124 = vector.broadcast %and3A : i32 to vector<16xi32>
      %and3A_125 = arith.andi %shift_right_arithmetic3A_123, %and3A_124 : vector<16xi32>
      %mul3A_126 = arith.constant 32 : i32
      %mul3A_127 = vector.broadcast %mul3A_126 : i32 to vector<16xi32>
      %mul3A_128 = arith.muli %and3A_125, %mul3A_127 : vector<16xi32>
      %get3A_129 = arith.index_cast %add3A_120 : i32 to index
      %get3A_130 = tpu.vector_load %arg8[%get3A_129] {strides = array<i32>} : memref<512xi32, #tpu.memory_space<vmem>>, vector<16xi32>,
      %shift_right_arithmetic3A_131 = arith.constant 13 : i32
      %shift_right_arithmetic3A_132 = vector.broadcast %shift_right_arithmetic3A_131 : i32 to vector<16xi32>
      %shift_right_arithmetic3A_133 = arith.shrsi %get3A_130, %shift_right_arithmetic3A_132 : vector<16xi32>
      %and3A_134 = arith.constant 3 : i32
      %and3A_135 = vector.broadcast %and3A_134 : i32 to vector<16xi32>
      %and3A_136 = arith.andi %shift_right_arithmetic3A_133, %and3A_135 : vector<16xi32>
      %mul3A_137 = arith.constant 32 : i32
      %mul3A_138 = vector.broadcast %mul3A_137 : i32 to vector<16xi32>
      %mul3A_139 = arith.muli %and3A_136, %mul3A_138 : vector<16xi32>
      %mul3A_140 = arith.constant 16 : i32
      %mul3A_141 = arith.muli %scan3A_115, %mul3A_140 : i32
      %add3A_142 = vector.broadcast %mul3A_141 : i32 to vector<16xi32>
      %add3A_143 = arith.addi %add3A_142, %iota3A : vector<16xi32>
      %broadcast_in_dim3A = arith.constant 0.000000e+00 : f32
      %broadcast_in_dim3A_144 = vector.broadcast %broadcast_in_dim3A : f32 to vector<16xf32>
      %add3A_145 = arith.constant 0 : i32
      %add3A_146 = vector.broadcast %add3A_145 : i32 to vector<16xi32>
      %add3A_147 = arith.addi %mul3A_128, %add3A_146 : vector<16xi32>
      %gather3A = tpu.vector_load_idx %arg11[%add3A_143, %add3A_147] : memref<128x128xf32, #tpu.memory_space<vmem>>[vector<16xi32>, vector<16xi32>], vector<16xf32>,
      %add3A_148 = arith.constant 0 : i32
      %add3A_149 = vector.broadcast %add3A_148 : i32 to vector<16xi32>
      %add3A_150 = arith.addi %mul3A_139, %add3A_149 : vector<16xi32>
      %gather3A_151 = tpu.vector_load_idx %arg12[%add3A_143, %add3A_150] : memref<128x128xf32, #tpu.memory_space<vmem>>[vector<16xi32>, vector<16xi32>], vector<16xf32>,
      %mul3A_152 = arith.mulf %gather3A, %gather3A_151 : vector<16xf32>
      %add3A_153 = arith.addf %broadcast_in_dim3A_144, %mul3A_152 : vector<16xf32>
      %add3A_154 = arith.constant 1 : i32
      %add3A_155 = vector.broadcast %add3A_154 : i32 to vector<16xi32>
      %add3A_156 = arith.addi %mul3A_128, %add3A_155 : vector<16xi32>
      %gather3A_157 = tpu.vector_load_idx %arg11[%add3A_143, %add3A_156] : memref<128x128xf32, #tpu.memory_space<vmem>>[vector<16xi32>, vector<16xi32>], vector<16xf32>,
      %add3A_158 = arith.constant 1 : i32
      %add3A_159 = vector.broadcast %add3A_158 : i32 to vector<16xi32>
      %add3A_160 = arith.addi %mul3A_139, %add3A_159 : vector<16xi32>
      %gather3A_161 = tpu.vector_load_idx %arg12[%add3A_143, %add3A_160] : memref<128x128xf32, #tpu.memory_space<vmem>>[vector<16xi32>, vector<16xi32>], vector<16xf32>,
      %mul3A_162 = arith.mulf %gather3A_157, %gather3A_161 : vector<16xf32>
      %add3A_163 = arith.addf %add3A_153, %mul3A_162 : vector<16xf32>
      %add3A_164 = arith.constant 2 : i32
      %add3A_165 = vector.broadcast %add3A_164 : i32 to vector<16xi32>
      %add3A_166 = arith.addi %mul3A_128, %add3A_165 : vector<16xi32>
      %gather3A_167 = tpu.vector_load_idx %arg11[%add3A_143, %add3A_166] : memref<128x128xf32, #tpu.memory_space<vmem>>[vector<16xi32>, vector<16xi32>], vector<16xf32>,
      %add3A_168 = arith.constant 2 : i32
      %add3A_169 = vector.broadcast %add3A_168 : i32 to vector<16xi32>
      %add3A_170 = arith.addi %mul3A_139, %add3A_169 : vector<16xi32>
      %gather3A_171 = tpu.vector_load_idx %arg12[%add3A_143, %add3A_170] : memref<128x128xf32, #tpu.memory_space<vmem>>[vector<16xi32>, vector<16xi32>], vector<16xf32>,
      %mul3A_172 = arith.mulf %gather3A_167, %gather3A_171 : vector<16xf32>
      %add3A_173 = arith.addf %add3A_163, %mul3A_172 : vector<16xf32>
      %add3A_174 = arith.constant 3 : i32
      %add3A_175 = vector.broadcast %add3A_174 : i32 to vector<16xi32>
      %add3A_176 = arith.addi %mul3A_128, %add3A_175 : vector<16xi32>
      %gather3A_177 = tpu.vector_load_idx %arg11[%add3A_143, %add3A_176] : memref<128x128xf32, #tpu.memory_space<vmem>>[vector<16xi32>, vector<16xi32>], vector<16xf32>,
      %add3A_178 = arith.constant 3 : i32
      %add3A_179 = vector.broadcast %add3A_178 : i32 to vector<16xi32>
      %add3A_180 = arith.addi %mul3A_139, %add3A_179 : vector<16xi32>
      %gather3A_181 = tpu.vector_load_idx %arg12[%add3A_143, %add3A_180] : memref<128x128xf32, #tpu.memory_space<vmem>>[vector<16xi32>, vector<16xi32>], vector<16xf32>,
      %mul3A_182 = arith.mulf %gather3A_177, %gather3A_181 : vector<16xf32>
      %add3A_183 = arith.addf %add3A_173, %mul3A_182 : vector<16xf32>
      %add3A_184 = arith.constant 4 : i32
      %add3A_185 = vector.broadcast %add3A_184 : i32 to vector<16xi32>
      %add3A_186 = arith.addi %mul3A_128, %add3A_185 : vector<16xi32>
      %gather3A_187 = tpu.vector_load_idx %arg11[%add3A_143, %add3A_186] : memref<128x128xf32, #tpu.memory_space<vmem>>[vector<16xi32>, vector<16xi32>], vector<16xf32>,
      %add3A_188 = arith.constant 4 : i32
      %add3A_189 = vector.broadcast %add3A_188 : i32 to vector<16xi32>
      %add3A_190 = arith.addi %mul3A_139, %add3A_189 : vector<16xi32>
      %gather3A_191 = tpu.vector_load_idx %arg12[%add3A_143, %add3A_190] : memref<128x128xf32, #tpu.memory_space<vmem>>[vector<16xi32>, vector<16xi32>], vector<16xf32>,
      %mul3A_192 = arith.mulf %gather3A_187, %gather3A_191 : vector<16xf32>
      %add3A_193 = arith.addf %add3A_183, %mul3A_192 : vector<16xf32>
      %add3A_194 = arith.constant 5 : i32
      %add3A_195 = vector.broadcast %add3A_194 : i32 to vector<16xi32>
      %add3A_196 = arith.addi %mul3A_128, %add3A_195 : vector<16xi32>
      %gather3A_197 = tpu.vector_load_idx %arg11[%add3A_143, %add3A_196] : memref<128x128xf32, #tpu.memory_space<vmem>>[vector<16xi32>, vector<16xi32>], vector<16xf32>,
      %add3A_198 = arith.constant 5 : i32
      %add3A_199 = vector.broadcast %add3A_198 : i32 to vector<16xi32>
      %add3A_200 = arith.addi %mul3A_139, %add3A_199 : vector<16xi32>
      %gather3A_201 = tpu.vector_load_idx %arg12[%add3A_143, %add3A_200] : memref<128x128xf32, #tpu.memory_space<vmem>>[vector<16xi32>, vector<16xi32>], vector<16xf32>,
      %mul3A_202 = arith.mulf %gather3A_197, %gather3A_201 : vector<16xf32>
      %add3A_203 = arith.addf %add3A_193, %mul3A_202 : vector<16xf32>
      %add3A_204 = arith.constant 6 : i32
      %add3A_205 = vector.broadcast %add3A_204 : i32 to vector<16xi32>
      %add3A_206 = arith.addi %mul3A_128, %add3A_205 : vector<16xi32>
      %gather3A_207 = tpu.vector_load_idx %arg11[%add3A_143, %add3A_206] : memref<128x128xf32, #tpu.memory_space<vmem>>[vector<16xi32>, vector<16xi32>], vector<16xf32>,
      %add3A_208 = arith.constant 6 : i32
      %add3A_209 = vector.broadcast %add3A_208 : i32 to vector<16xi32>
      %add3A_210 = arith.addi %mul3A_139, %add3A_209 : vector<16xi32>
      %gather3A_211 = tpu.vector_load_idx %arg12[%add3A_143, %add3A_210] : memref<128x128xf32, #tpu.memory_space<vmem>>[vector<16xi32>, vector<16xi32>], vector<16xf32>,
      %mul3A_212 = arith.mulf %gather3A_207, %gather3A_211 : vector<16xf32>
      %add3A_213 = arith.addf %add3A_203, %mul3A_212 : vector<16xf32>
      %add3A_214 = arith.constant 7 : i32
      %add3A_215 = vector.broadcast %add3A_214 : i32 to vector<16xi32>
      %add3A_216 = arith.addi %mul3A_128, %add3A_215 : vector<16xi32>
      %gather3A_217 = tpu.vector_load_idx %arg11[%add3A_143, %add3A_216] : memref<128x128xf32, #tpu.memory_space<vmem>>[vector<16xi32>, vector<16xi32>], vector<16xf32>,
      %add3A_218 = arith.constant 7 : i32
      %add3A_219 = vector.broadcast %add3A_218 : i32 to vector<16xi32>
      %add3A_220 = arith.addi %mul3A_139, %add3A_219 : vector<16xi32>
      %gather3A_221 = tpu.vector_load_idx %arg12[%add3A_143, %add3A_220] : memref<128x128xf32, #tpu.memory_space<vmem>>[vector<16xi32>, vector<16xi32>], vector<16xf32>,
      %mul3A_222 = arith.mulf %gather3A_217, %gather3A_221 : vector<16xf32>
      %add3A_223 = arith.addf %add3A_213, %mul3A_222 : vector<16xf32>
      %add3A_224 = arith.constant 8 : i32
      %add3A_225 = vector.broadcast %add3A_224 : i32 to vector<16xi32>
      %add3A_226 = arith.addi %mul3A_128, %add3A_225 : vector<16xi32>
      %gather3A_227 = tpu.vector_load_idx %arg11[%add3A_143, %add3A_226] : memref<128x128xf32, #tpu.memory_space<vmem>>[vector<16xi32>, vector<16xi32>], vector<16xf32>,
      %add3A_228 = arith.constant 8 : i32
      %add3A_229 = vector.broadcast %add3A_228 : i32 to vector<16xi32>
      %add3A_230 = arith.addi %mul3A_139, %add3A_229 : vector<16xi32>
      %gather3A_231 = tpu.vector_load_idx %arg12[%add3A_143, %add3A_230] : memref<128x128xf32, #tpu.memory_space<vmem>>[vector<16xi32>, vector<16xi32>], vector<16xf32>,
      %mul3A_232 = arith.mulf %gather3A_227, %gather3A_231 : vector<16xf32>
      %add3A_233 = arith.addf %add3A_223, %mul3A_232 : vector<16xf32>
      %add3A_234 = arith.constant 9 : i32
      %add3A_235 = vector.broadcast %add3A_234 : i32 to vector<16xi32>
      %add3A_236 = arith.addi %mul3A_128, %add3A_235 : vector<16xi32>
      %gather3A_237 = tpu.vector_load_idx %arg11[%add3A_143, %add3A_236] : memref<128x128xf32, #tpu.memory_space<vmem>>[vector<16xi32>, vector<16xi32>], vector<16xf32>,
      %add3A_238 = arith.constant 9 : i32
      %add3A_239 = vector.broadcast %add3A_238 : i32 to vector<16xi32>
      %add3A_240 = arith.addi %mul3A_139, %add3A_239 : vector<16xi32>
      %gather3A_241 = tpu.vector_load_idx %arg12[%add3A_143, %add3A_240] : memref<128x128xf32, #tpu.memory_space<vmem>>[vector<16xi32>, vector<16xi32>], vector<16xf32>,
      %mul3A_242 = arith.mulf %gather3A_237, %gather3A_241 : vector<16xf32>
      %add3A_243 = arith.addf %add3A_233, %mul3A_242 : vector<16xf32>
      %add3A_244 = arith.constant 10 : i32
      %add3A_245 = vector.broadcast %add3A_244 : i32 to vector<16xi32>
      %add3A_246 = arith.addi %mul3A_128, %add3A_245 : vector<16xi32>
      %gather3A_247 = tpu.vector_load_idx %arg11[%add3A_143, %add3A_246] : memref<128x128xf32, #tpu.memory_space<vmem>>[vector<16xi32>, vector<16xi32>], vector<16xf32>,
      %add3A_248 = arith.constant 10 : i32
      %add3A_249 = vector.broadcast %add3A_248 : i32 to vector<16xi32>
      %add3A_250 = arith.addi %mul3A_139, %add3A_249 : vector<16xi32>
      %gather3A_251 = tpu.vector_load_idx %arg12[%add3A_143, %add3A_250] : memref<128x128xf32, #tpu.memory_space<vmem>>[vector<16xi32>, vector<16xi32>], vector<16xf32>,
      %mul3A_252 = arith.mulf %gather3A_247, %gather3A_251 : vector<16xf32>
      %add3A_253 = arith.addf %add3A_243, %mul3A_252 : vector<16xf32>
      %add3A_254 = arith.constant 11 : i32
      %add3A_255 = vector.broadcast %add3A_254 : i32 to vector<16xi32>
      %add3A_256 = arith.addi %mul3A_128, %add3A_255 : vector<16xi32>
      %gather3A_257 = tpu.vector_load_idx %arg11[%add3A_143, %add3A_256] : memref<128x128xf32, #tpu.memory_space<vmem>>[vector<16xi32>, vector<16xi32>], vector<16xf32>,
      %add3A_258 = arith.constant 11 : i32
      %add3A_259 = vector.broadcast %add3A_258 : i32 to vector<16xi32>
      %add3A_260 = arith.addi %mul3A_139, %add3A_259 : vector<16xi32>
      %gather3A_261 = tpu.vector_load_idx %arg12[%add3A_143, %add3A_260] : memref<128x128xf32, #tpu.memory_space<vmem>>[vector<16xi32>, vector<16xi32>], vector<16xf32>,
      %mul3A_262 = arith.mulf %gather3A_257, %gather3A_261 : vector<16xf32>
      %add3A_263 = arith.addf %add3A_253, %mul3A_262 : vector<16xf32>
      %add3A_264 = arith.constant 12 : i32
      %add3A_265 = vector.broadcast %add3A_264 : i32 to vector<16xi32>
      %add3A_266 = arith.addi %mul3A_128, %add3A_265 : vector<16xi32>
      %gather3A_267 = tpu.vector_load_idx %arg11[%add3A_143, %add3A_266] : memref<128x128xf32, #tpu.memory_space<vmem>>[vector<16xi32>, vector<16xi32>], vector<16xf32>,
      %add3A_268 = arith.constant 12 : i32
      %add3A_269 = vector.broadcast %add3A_268 : i32 to vector<16xi32>
      %add3A_270 = arith.addi %mul3A_139, %add3A_269 : vector<16xi32>
      %gather3A_271 = tpu.vector_load_idx %arg12[%add3A_143, %add3A_270] : memref<128x128xf32, #tpu.memory_space<vmem>>[vector<16xi32>, vector<16xi32>], vector<16xf32>,
      %mul3A_272 = arith.mulf %gather3A_267, %gather3A_271 : vector<16xf32>
      %add3A_273 = arith.addf %add3A_263, %mul3A_272 : vector<16xf32>
      %add3A_274 = arith.constant 13 : i32
      %add3A_275 = vector.broadcast %add3A_274 : i32 to vector<16xi32>
      %add3A_276 = arith.addi %mul3A_128, %add3A_275 : vector<16xi32>
      %gather3A_277 = tpu.vector_load_idx %arg11[%add3A_143, %add3A_276] : memref<128x128xf32, #tpu.memory_space<vmem>>[vector<16xi32>, vector<16xi32>], vector<16xf32>,
      %add3A_278 = arith.constant 13 : i32
      %add3A_279 = vector.broadcast %add3A_278 : i32 to vector<16xi32>
      %add3A_280 = arith.addi %mul3A_139, %add3A_279 : vector<16xi32>
      %gather3A_281 = tpu.vector_load_idx %arg12[%add3A_143, %add3A_280] : memref<128x128xf32, #tpu.memory_space<vmem>>[vector<16xi32>, vector<16xi32>], vector<16xf32>,
      %mul3A_282 = arith.mulf %gather3A_277, %gather3A_281 : vector<16xf32>
      %add3A_283 = arith.addf %add3A_273, %mul3A_282 : vector<16xf32>
      %add3A_284 = arith.constant 14 : i32
      %add3A_285 = vector.broadcast %add3A_284 : i32 to vector<16xi32>
      %add3A_286 = arith.addi %mul3A_128, %add3A_285 : vector<16xi32>
      %gather3A_287 = tpu.vector_load_idx %arg11[%add3A_143, %add3A_286] : memref<128x128xf32, #tpu.memory_space<vmem>>[vector<16xi32>, vector<16xi32>], vector<16xf32>,
      %add3A_288 = arith.constant 14 : i32
      %add3A_289 = vector.broadcast %add3A_288 : i32 to vector<16xi32>
      %add3A_290 = arith.addi %mul3A_139, %add3A_289 : vector<16xi32>
      %gather3A_291 = tpu.vector_load_idx %arg12[%add3A_143, %add3A_290] : memref<128x128xf32, #tpu.memory_space<vmem>>[vector<16xi32>, vector<16xi32>], vector<16xf32>,
      %mul3A_292 = arith.mulf %gather3A_287, %gather3A_291 : vector<16xf32>
      %add3A_293 = arith.addf %add3A_283, %mul3A_292 : vector<16xf32>
      %add3A_294 = arith.constant 15 : i32
      %add3A_295 = vector.broadcast %add3A_294 : i32 to vector<16xi32>
      %add3A_296 = arith.addi %mul3A_128, %add3A_295 : vector<16xi32>
      %gather3A_297 = tpu.vector_load_idx %arg11[%add3A_143, %add3A_296] : memref<128x128xf32, #tpu.memory_space<vmem>>[vector<16xi32>, vector<16xi32>], vector<16xf32>,
      %add3A_298 = arith.constant 15 : i32
      %add3A_299 = vector.broadcast %add3A_298 : i32 to vector<16xi32>
      %add3A_300 = arith.addi %mul3A_139, %add3A_299 : vector<16xi32>
      %gather3A_301 = tpu.vector_load_idx %arg12[%add3A_143, %add3A_300] : memref<128x128xf32, #tpu.memory_space<vmem>>[vector<16xi32>, vector<16xi32>], vector<16xf32>,
      %mul3A_302 = arith.mulf %gather3A_297, %gather3A_301 : vector<16xf32>
      %add3A_303 = arith.addf %add3A_293, %mul3A_302 : vector<16xf32>
      %add3A_304 = arith.constant 16 : i32
      %add3A_305 = vector.broadcast %add3A_304 : i32 to vector<16xi32>
      %add3A_306 = arith.addi %mul3A_128, %add3A_305 : vector<16xi32>
      %gather3A_307 = tpu.vector_load_idx %arg11[%add3A_143, %add3A_306] : memref<128x128xf32, #tpu.memory_space<vmem>>[vector<16xi32>, vector<16xi32>], vector<16xf32>,
      %add3A_308 = arith.constant 16 : i32
      %add3A_309 = vector.broadcast %add3A_308 : i32 to vector<16xi32>
      %add3A_310 = arith.addi %mul3A_139, %add3A_309 : vector<16xi32>
      %gather3A_311 = tpu.vector_load_idx %arg12[%add3A_143, %add3A_310] : memref<128x128xf32, #tpu.memory_space<vmem>>[vector<16xi32>, vector<16xi32>], vector<16xf32>,
      %mul3A_312 = arith.mulf %gather3A_307, %gather3A_311 : vector<16xf32>
      %add3A_313 = arith.addf %add3A_303, %mul3A_312 : vector<16xf32>
      %add3A_314 = arith.constant 17 : i32
      %add3A_315 = vector.broadcast %add3A_314 : i32 to vector<16xi32>
      %add3A_316 = arith.addi %mul3A_128, %add3A_315 : vector<16xi32>
      %gather3A_317 = tpu.vector_load_idx %arg11[%add3A_143, %add3A_316] : memref<128x128xf32, #tpu.memory_space<vmem>>[vector<16xi32>, vector<16xi32>], vector<16xf32>,
      %add3A_318 = arith.constant 17 : i32
      %add3A_319 = vector.broadcast %add3A_318 : i32 to vector<16xi32>
      %add3A_320 = arith.addi %mul3A_139, %add3A_319 : vector<16xi32>
      %gather3A_321 = tpu.vector_load_idx %arg12[%add3A_143, %add3A_320] : memref<128x128xf32, #tpu.memory_space<vmem>>[vector<16xi32>, vector<16xi32>], vector<16xf32>,
      %mul3A_322 = arith.mulf %gather3A_317, %gather3A_321 : vector<16xf32>
      %add3A_323 = arith.addf %add3A_313, %mul3A_322 : vector<16xf32>
      %add3A_324 = arith.constant 18 : i32
      %add3A_325 = vector.broadcast %add3A_324 : i32 to vector<16xi32>
      %add3A_326 = arith.addi %mul3A_128, %add3A_325 : vector<16xi32>
      %gather3A_327 = tpu.vector_load_idx %arg11[%add3A_143, %add3A_326] : memref<128x128xf32, #tpu.memory_space<vmem>>[vector<16xi32>, vector<16xi32>], vector<16xf32>,
      %add3A_328 = arith.constant 18 : i32
      %add3A_329 = vector.broadcast %add3A_328 : i32 to vector<16xi32>
      %add3A_330 = arith.addi %mul3A_139, %add3A_329 : vector<16xi32>
      %gather3A_331 = tpu.vector_load_idx %arg12[%add3A_143, %add3A_330] : memref<128x128xf32, #tpu.memory_space<vmem>>[vector<16xi32>, vector<16xi32>], vector<16xf32>,
      %mul3A_332 = arith.mulf %gather3A_327, %gather3A_331 : vector<16xf32>
      %add3A_333 = arith.addf %add3A_323, %mul3A_332 : vector<16xf32>
      %add3A_334 = arith.constant 19 : i32
      %add3A_335 = vector.broadcast %add3A_334 : i32 to vector<16xi32>
      %add3A_336 = arith.addi %mul3A_128, %add3A_335 : vector<16xi32>
      %gather3A_337 = tpu.vector_load_idx %arg11[%add3A_143, %add3A_336] : memref<128x128xf32, #tpu.memory_space<vmem>>[vector<16xi32>, vector<16xi32>], vector<16xf32>,
      %add3A_338 = arith.constant 19 : i32
      %add3A_339 = vector.broadcast %add3A_338 : i32 to vector<16xi32>
      %add3A_340 = arith.addi %mul3A_139, %add3A_339 : vector<16xi32>
      %gather3A_341 = tpu.vector_load_idx %arg12[%add3A_143, %add3A_340] : memref<128x128xf32, #tpu.memory_space<vmem>>[vector<16xi32>, vector<16xi32>], vector<16xf32>,
      %mul3A_342 = arith.mulf %gather3A_337, %gather3A_341 : vector<16xf32>
      %add3A_343 = arith.addf %add3A_333, %mul3A_342 : vector<16xf32>
      %add3A_344 = arith.constant 20 : i32
      %add3A_345 = vector.broadcast %add3A_344 : i32 to vector<16xi32>
      %add3A_346 = arith.addi %mul3A_128, %add3A_345 : vector<16xi32>
      %gather3A_347 = tpu.vector_load_idx %arg11[%add3A_143, %add3A_346] : memref<128x128xf32, #tpu.memory_space<vmem>>[vector<16xi32>, vector<16xi32>], vector<16xf32>,
      %add3A_348 = arith.constant 20 : i32
      %add3A_349 = vector.broadcast %add3A_348 : i32 to vector<16xi32>
      %add3A_350 = arith.addi %mul3A_139, %add3A_349 : vector<16xi32>
      %gather3A_351 = tpu.vector_load_idx %arg12[%add3A_143, %add3A_350] : memref<128x128xf32, #tpu.memory_space<vmem>>[vector<16xi32>, vector<16xi32>], vector<16xf32>,
      %mul3A_352 = arith.mulf %gather3A_347, %gather3A_351 : vector<16xf32>
      %add3A_353 = arith.addf %add3A_343, %mul3A_352 : vector<16xf32>
      %add3A_354 = arith.constant 21 : i32
      %add3A_355 = vector.broadcast %add3A_354 : i32 to vector<16xi32>
      %add3A_356 = arith.addi %mul3A_128, %add3A_355 : vector<16xi32>
      %gather3A_357 = tpu.vector_load_idx %arg11[%add3A_143, %add3A_356] : memref<128x128xf32, #tpu.memory_space<vmem>>[vector<16xi32>, vector<16xi32>], vector<16xf32>,
      %add3A_358 = arith.constant 21 : i32
      %add3A_359 = vector.broadcast %add3A_358 : i32 to vector<16xi32>
      %add3A_360 = arith.addi %mul3A_139, %add3A_359 : vector<16xi32>
      %gather3A_361 = tpu.vector_load_idx %arg12[%add3A_143, %add3A_360] : memref<128x128xf32, #tpu.memory_space<vmem>>[vector<16xi32>, vector<16xi32>], vector<16xf32>,
      %mul3A_362 = arith.mulf %gather3A_357, %gather3A_361 : vector<16xf32>
      %add3A_363 = arith.addf %add3A_353, %mul3A_362 : vector<16xf32>
      %add3A_364 = arith.constant 22 : i32
      %add3A_365 = vector.broadcast %add3A_364 : i32 to vector<16xi32>
      %add3A_366 = arith.addi %mul3A_128, %add3A_365 : vector<16xi32>
      %gather3A_367 = tpu.vector_load_idx %arg11[%add3A_143, %add3A_366] : memref<128x128xf32, #tpu.memory_space<vmem>>[vector<16xi32>, vector<16xi32>], vector<16xf32>,
      %add3A_368 = arith.constant 22 : i32
      %add3A_369 = vector.broadcast %add3A_368 : i32 to vector<16xi32>
      %add3A_370 = arith.addi %mul3A_139, %add3A_369 : vector<16xi32>
      %gather3A_371 = tpu.vector_load_idx %arg12[%add3A_143, %add3A_370] : memref<128x128xf32, #tpu.memory_space<vmem>>[vector<16xi32>, vector<16xi32>], vector<16xf32>,
      %mul3A_372 = arith.mulf %gather3A_367, %gather3A_371 : vector<16xf32>
      %add3A_373 = arith.addf %add3A_363, %mul3A_372 : vector<16xf32>
      %add3A_374 = arith.constant 23 : i32
      %add3A_375 = vector.broadcast %add3A_374 : i32 to vector<16xi32>
      %add3A_376 = arith.addi %mul3A_128, %add3A_375 : vector<16xi32>
      %gather3A_377 = tpu.vector_load_idx %arg11[%add3A_143, %add3A_376] : memref<128x128xf32, #tpu.memory_space<vmem>>[vector<16xi32>, vector<16xi32>], vector<16xf32>,
      %add3A_378 = arith.constant 23 : i32
      %add3A_379 = vector.broadcast %add3A_378 : i32 to vector<16xi32>
      %add3A_380 = arith.addi %mul3A_139, %add3A_379 : vector<16xi32>
      %gather3A_381 = tpu.vector_load_idx %arg12[%add3A_143, %add3A_380] : memref<128x128xf32, #tpu.memory_space<vmem>>[vector<16xi32>, vector<16xi32>], vector<16xf32>,
      %mul3A_382 = arith.mulf %gather3A_377, %gather3A_381 : vector<16xf32>
      %add3A_383 = arith.addf %add3A_373, %mul3A_382 : vector<16xf32>
      %add3A_384 = arith.constant 24 : i32
      %add3A_385 = vector.broadcast %add3A_384 : i32 to vector<16xi32>
      %add3A_386 = arith.addi %mul3A_128, %add3A_385 : vector<16xi32>
      %gather3A_387 = tpu.vector_load_idx %arg11[%add3A_143, %add3A_386] : memref<128x128xf32, #tpu.memory_space<vmem>>[vector<16xi32>, vector<16xi32>], vector<16xf32>,
      %add3A_388 = arith.constant 24 : i32
      %add3A_389 = vector.broadcast %add3A_388 : i32 to vector<16xi32>
      %add3A_390 = arith.addi %mul3A_139, %add3A_389 : vector<16xi32>
      %gather3A_391 = tpu.vector_load_idx %arg12[%add3A_143, %add3A_390] : memref<128x128xf32, #tpu.memory_space<vmem>>[vector<16xi32>, vector<16xi32>], vector<16xf32>,
      %mul3A_392 = arith.mulf %gather3A_387, %gather3A_391 : vector<16xf32>
      %add3A_393 = arith.addf %add3A_383, %mul3A_392 : vector<16xf32>
      %add3A_394 = arith.constant 25 : i32
      %add3A_395 = vector.broadcast %add3A_394 : i32 to vector<16xi32>
      %add3A_396 = arith.addi %mul3A_128, %add3A_395 : vector<16xi32>
      %gather3A_397 = tpu.vector_load_idx %arg11[%add3A_143, %add3A_396] : memref<128x128xf32, #tpu.memory_space<vmem>>[vector<16xi32>, vector<16xi32>], vector<16xf32>,
      %add3A_398 = arith.constant 25 : i32
      %add3A_399 = vector.broadcast %add3A_398 : i32 to vector<16xi32>
      %add3A_400 = arith.addi %mul3A_139, %add3A_399 : vector<16xi32>
      %gather3A_401 = tpu.vector_load_idx %arg12[%add3A_143, %add3A_400] : memref<128x128xf32, #tpu.memory_space<vmem>>[vector<16xi32>, vector<16xi32>], vector<16xf32>,
      %mul3A_402 = arith.mulf %gather3A_397, %gather3A_401 : vector<16xf32>
      %add3A_403 = arith.addf %add3A_393, %mul3A_402 : vector<16xf32>
      %add3A_404 = arith.constant 26 : i32
      %add3A_405 = vector.broadcast %add3A_404 : i32 to vector<16xi32>
      %add3A_406 = arith.addi %mul3A_128, %add3A_405 : vector<16xi32>
      %gather3A_407 = tpu.vector_load_idx %arg11[%add3A_143, %add3A_406] : memref<128x128xf32, #tpu.memory_space<vmem>>[vector<16xi32>, vector<16xi32>], vector<16xf32>,
      %add3A_408 = arith.constant 26 : i32
      %add3A_409 = vector.broadcast %add3A_408 : i32 to vector<16xi32>
      %add3A_410 = arith.addi %mul3A_139, %add3A_409 : vector<16xi32>
      %gather3A_411 = tpu.vector_load_idx %arg12[%add3A_143, %add3A_410] : memref<128x128xf32, #tpu.memory_space<vmem>>[vector<16xi32>, vector<16xi32>], vector<16xf32>,
      %mul3A_412 = arith.mulf %gather3A_407, %gather3A_411 : vector<16xf32>
      %add3A_413 = arith.addf %add3A_403, %mul3A_412 : vector<16xf32>
      %add3A_414 = arith.constant 27 : i32
      %add3A_415 = vector.broadcast %add3A_414 : i32 to vector<16xi32>
      %add3A_416 = arith.addi %mul3A_128, %add3A_415 : vector<16xi32>
      %gather3A_417 = tpu.vector_load_idx %arg11[%add3A_143, %add3A_416] : memref<128x128xf32, #tpu.memory_space<vmem>>[vector<16xi32>, vector<16xi32>], vector<16xf32>,
      %add3A_418 = arith.constant 27 : i32
      %add3A_419 = vector.broadcast %add3A_418 : i32 to vector<16xi32>
      %add3A_420 = arith.addi %mul3A_139, %add3A_419 : vector<16xi32>
      %gather3A_421 = tpu.vector_load_idx %arg12[%add3A_143, %add3A_420] : memref<128x128xf32, #tpu.memory_space<vmem>>[vector<16xi32>, vector<16xi32>], vector<16xf32>,
      %mul3A_422 = arith.mulf %gather3A_417, %gather3A_421 : vector<16xf32>
      %add3A_423 = arith.addf %add3A_413, %mul3A_422 : vector<16xf32>
      %add3A_424 = arith.constant 28 : i32
      %add3A_425 = vector.broadcast %add3A_424 : i32 to vector<16xi32>
      %add3A_426 = arith.addi %mul3A_128, %add3A_425 : vector<16xi32>
      %gather3A_427 = tpu.vector_load_idx %arg11[%add3A_143, %add3A_426] : memref<128x128xf32, #tpu.memory_space<vmem>>[vector<16xi32>, vector<16xi32>], vector<16xf32>,
      %add3A_428 = arith.constant 28 : i32
      %add3A_429 = vector.broadcast %add3A_428 : i32 to vector<16xi32>
      %add3A_430 = arith.addi %mul3A_139, %add3A_429 : vector<16xi32>
      %gather3A_431 = tpu.vector_load_idx %arg12[%add3A_143, %add3A_430] : memref<128x128xf32, #tpu.memory_space<vmem>>[vector<16xi32>, vector<16xi32>], vector<16xf32>,
      %mul3A_432 = arith.mulf %gather3A_427, %gather3A_431 : vector<16xf32>
      %add3A_433 = arith.addf %add3A_423, %mul3A_432 : vector<16xf32>
      %add3A_434 = arith.constant 29 : i32
      %add3A_435 = vector.broadcast %add3A_434 : i32 to vector<16xi32>
      %add3A_436 = arith.addi %mul3A_128, %add3A_435 : vector<16xi32>
      %gather3A_437 = tpu.vector_load_idx %arg11[%add3A_143, %add3A_436] : memref<128x128xf32, #tpu.memory_space<vmem>>[vector<16xi32>, vector<16xi32>], vector<16xf32>,
      %add3A_438 = arith.constant 29 : i32
      %add3A_439 = vector.broadcast %add3A_438 : i32 to vector<16xi32>
      %add3A_440 = arith.addi %mul3A_139, %add3A_439 : vector<16xi32>
      %gather3A_441 = tpu.vector_load_idx %arg12[%add3A_143, %add3A_440] : memref<128x128xf32, #tpu.memory_space<vmem>>[vector<16xi32>, vector<16xi32>], vector<16xf32>,
      %mul3A_442 = arith.mulf %gather3A_437, %gather3A_441 : vector<16xf32>
      %add3A_443 = arith.addf %add3A_433, %mul3A_442 : vector<16xf32>
      %add3A_444 = arith.constant 30 : i32
      %add3A_445 = vector.broadcast %add3A_444 : i32 to vector<16xi32>
      %add3A_446 = arith.addi %mul3A_128, %add3A_445 : vector<16xi32>
      %gather3A_447 = tpu.vector_load_idx %arg11[%add3A_143, %add3A_446] : memref<128x128xf32, #tpu.memory_space<vmem>>[vector<16xi32>, vector<16xi32>], vector<16xf32>,
      %add3A_448 = arith.constant 30 : i32
      %add3A_449 = vector.broadcast %add3A_448 : i32 to vector<16xi32>
      %add3A_450 = arith.addi %mul3A_139, %add3A_449 : vector<16xi32>
      %gather3A_451 = tpu.vector_load_idx %arg12[%add3A_143, %add3A_450] : memref<128x128xf32, #tpu.memory_space<vmem>>[vector<16xi32>, vector<16xi32>], vector<16xf32>,
      %mul3A_452 = arith.mulf %gather3A_447, %gather3A_451 : vector<16xf32>
      %add3A_453 = arith.addf %add3A_443, %mul3A_452 : vector<16xf32>
      %add3A_454 = arith.constant 31 : i32
      %add3A_455 = vector.broadcast %add3A_454 : i32 to vector<16xi32>
      %add3A_456 = arith.addi %mul3A_128, %add3A_455 : vector<16xi32>
      %gather3A_457 = tpu.vector_load_idx %arg11[%add3A_143, %add3A_456] : memref<128x128xf32, #tpu.memory_space<vmem>>[vector<16xi32>, vector<16xi32>], vector<16xf32>,
      %add3A_458 = arith.constant 31 : i32
      %add3A_459 = vector.broadcast %add3A_458 : i32 to vector<16xi32>
      %add3A_460 = arith.addi %mul3A_139, %add3A_459 : vector<16xi32>
      %gather3A_461 = tpu.vector_load_idx %arg12[%add3A_143, %add3A_460] : memref<128x128xf32, #tpu.memory_space<vmem>>[vector<16xi32>, vector<16xi32>], vector<16xf32>,
      %mul3A_462 = arith.mulf %gather3A_457, %gather3A_461 : vector<16xf32>
      %add3A_463 = arith.addf %add3A_453, %mul3A_462 : vector<16xf32>
      %swap3A = arith.index_cast %add3A_120 : i32 to index
      %swap3A_464 = tpu.vector_load %arg13[%swap3A] {strides = array<i32>} : memref<512xf32, #tpu.memory_space<vmem>>, vector<16xf32>,
      tpu.vector_store %arg13[%swap3A], %add3A_463 {strides = array<i32>} : memref<512xf32, #tpu.memory_space<vmem>>, vector<16xf32>,
      %scan3A_465 = arith.constant 0 : i32
      scf.yield %scan3A_465 : i32
    }
    %scan3A_87 = arith.constant 8 : i32
    %dma_start3A_88 = arith.constant 384 : i32
    %dma_start3A_89 = tpu.memref_slice %arg9[%dma_start3A_88] : memref<512xi32, #tpu.memory_space<vmem>> -> memref<128xi32, #tpu.memory_space<vmem>>
    %dma_start3A_90 = arith.constant 0 : i32
    %dma_start3A_91 = arith.constant 0 : i32
    %dma_start3A_92 = tpu.memref_slice %arg4[%dma_start3A_90, %dma_start3A_91] : memref<253952x128xf32, #tpu.memory_space<hbm>> -> memref<253952x128xf32, #tpu.memory_space<hbm>>
    tpu.enqueue_indirect_dma source(%dma_start3A_92 : memref<253952x128xf32, #tpu.memory_space<hbm>>) target(%arg11 : memref<128x128xf32, #tpu.memory_space<vmem>>) offsets(%dma_start3A_89 : memref<128xi32, #tpu.memory_space<vmem>>) semaphore(%arg14 : memref<!tpu.dma_semaphore, #tpu.memory_space<semaphore_mem>>)
    %dma_start3A_93 = arith.constant 384 : i32
    %dma_start3A_94 = tpu.memref_slice %arg10[%dma_start3A_93] : memref<512xi32, #tpu.memory_space<vmem>> -> memref<128xi32, #tpu.memory_space<vmem>>
    %dma_start3A_95 = arith.constant 0 : i32
    %dma_start3A_96 = arith.constant 0 : i32
    %dma_start3A_97 = tpu.memref_slice %arg5[%dma_start3A_95, %dma_start3A_96] : memref<253952x128xf32, #tpu.memory_space<hbm>> -> memref<253952x128xf32, #tpu.memory_space<hbm>>
    tpu.enqueue_indirect_dma source(%dma_start3A_97 : memref<253952x128xf32, #tpu.memory_space<hbm>>) target(%arg12 : memref<128x128xf32, #tpu.memory_space<vmem>>) offsets(%dma_start3A_94 : memref<128xi32, #tpu.memory_space<vmem>>) semaphore(%arg14 : memref<!tpu.dma_semaphore, #tpu.memory_space<semaphore_mem>>)
    %dma_wait3A_98 = arith.constant 384 : i32
    %dma_wait3A_99 = tpu.memref_slice %arg9[%dma_wait3A_98] : memref<512xi32, #tpu.memory_space<vmem>> -> memref<128xi32, #tpu.memory_space<vmem>>
    %dma_wait3A_100 = arith.constant 0 : i32
    %dma_wait3A_101 = arith.constant 0 : i32
    %dma_wait3A_102 = tpu.memref_slice %arg4[%dma_wait3A_100, %dma_wait3A_101] : memref<253952x128xf32, #tpu.memory_space<hbm>> -> memref<253952x128xf32, #tpu.memory_space<hbm>>
    tpu.wait_indirect_dma semaphore(%arg14 : memref<!tpu.dma_semaphore, #tpu.memory_space<semaphore_mem>>) src(%dma_wait3A_102 : memref<253952x128xf32, #tpu.memory_space<hbm>>) dst(%arg11 : memref<128x128xf32, #tpu.memory_space<vmem>>)
    %dma_wait3A_103 = arith.constant 384 : i32
    %dma_wait3A_104 = tpu.memref_slice %arg10[%dma_wait3A_103] : memref<512xi32, #tpu.memory_space<vmem>> -> memref<128xi32, #tpu.memory_space<vmem>>
    %dma_wait3A_105 = arith.constant 0 : i32
    %dma_wait3A_106 = arith.constant 0 : i32
    %dma_wait3A_107 = tpu.memref_slice %arg5[%dma_wait3A_105, %dma_wait3A_106] : memref<253952x128xf32, #tpu.memory_space<hbm>> -> memref<253952x128xf32, #tpu.memory_space<hbm>>
    tpu.wait_indirect_dma semaphore(%arg14 : memref<!tpu.dma_semaphore, #tpu.memory_space<semaphore_mem>>) src(%dma_wait3A_107 : memref<253952x128xf32, #tpu.memory_space<hbm>>) dst(%arg12 : memref<128x128xf32, #tpu.memory_space<vmem>>)
    %scan3A_108 = arith.constant 0 : i32
    %scan3A_109 = arith.constant 0 : i32
    %scan3A_110 = arith.constant 8 : i32
    %scan3A_111 = arith.addi %scan3A_109, %scan3A_110 : i32
    %scan3A_112 = arith.constant 1 : i32
    %scan3A_113 = scf.for %scan3A_115 = %scan3A_109 to %scan3A_111 step %scan3A_112 iter_args(%scan3A_116 = %scan3A_108) -> (i32)  : i32 {
      %mul3A_117 = arith.constant 16 : i32
      %mul3A_118 = arith.muli %scan3A_115, %mul3A_117 : i32
      %add3A_119 = arith.constant 384 : i32
      %add3A_120 = arith.addi %add3A_119, %mul3A_118 : i32
      %get3A = arith.index_cast %add3A_120 : i32 to index
      %get3A_121 = tpu.vector_load %arg7[%get3A] {strides = array<i32>} : memref<512xi32, #tpu.memory_space<vmem>>, vector<16xi32>,
      %shift_right_arithmetic3A = arith.constant 13 : i32
      %shift_right_arithmetic3A_122 = vector.broadcast %shift_right_arithmetic3A : i32 to vector<16xi32>
      %shift_right_arithmetic3A_123 = arith.shrsi %get3A_121, %shift_right_arithmetic3A_122 : vector<16xi32>
      %and3A = arith.constant 3 : i32
      %and3A_124 = vector.broadcast %and3A : i32 to vector<16xi32>
      %and3A_125 = arith.andi %shift_right_arithmetic3A_123, %and3A_124 : vector<16xi32>
      %mul3A_126 = arith.constant 32 : i32
      %mul3A_127 = vector.broadcast %mul3A_126 : i32 to vector<16xi32>
      %mul3A_128 = arith.muli %and3A_125, %mul3A_127 : vector<16xi32>
      %get3A_129 = arith.index_cast %add3A_120 : i32 to index
      %get3A_130 = tpu.vector_load %arg8[%get3A_129] {strides = array<i32>} : memref<512xi32, #tpu.memory_space<vmem>>, vector<16xi32>,
      %shift_right_arithmetic3A_131 = arith.constant 13 : i32
      %shift_right_arithmetic3A_132 = vector.broadcast %shift_right_arithmetic3A_131 : i32 to vector<16xi32>
      %shift_right_arithmetic3A_133 = arith.shrsi %get3A_130, %shift_right_arithmetic3A_132 : vector<16xi32>
      %and3A_134 = arith.constant 3 : i32
      %and3A_135 = vector.broadcast %and3A_134 : i32 to vector<16xi32>
      %and3A_136 = arith.andi %shift_right_arithmetic3A_133, %and3A_135 : vector<16xi32>
      %mul3A_137 = arith.constant 32 : i32
      %mul3A_138 = vector.broadcast %mul3A_137 : i32 to vector<16xi32>
      %mul3A_139 = arith.muli %and3A_136, %mul3A_138 : vector<16xi32>
      %mul3A_140 = arith.constant 16 : i32
      %mul3A_141 = arith.muli %scan3A_115, %mul3A_140 : i32
      %add3A_142 = vector.broadcast %mul3A_141 : i32 to vector<16xi32>
      %add3A_143 = arith.addi %add3A_142, %iota3A : vector<16xi32>
      %broadcast_in_dim3A = arith.constant 0.000000e+00 : f32
      %broadcast_in_dim3A_144 = vector.broadcast %broadcast_in_dim3A : f32 to vector<16xf32>
      %add3A_145 = arith.constant 0 : i32
      %add3A_146 = vector.broadcast %add3A_145 : i32 to vector<16xi32>
      %add3A_147 = arith.addi %mul3A_128, %add3A_146 : vector<16xi32>
      %gather3A = tpu.vector_load_idx %arg11[%add3A_143, %add3A_147] : memref<128x128xf32, #tpu.memory_space<vmem>>[vector<16xi32>, vector<16xi32>], vector<16xf32>,
      %add3A_148 = arith.constant 0 : i32
      %add3A_149 = vector.broadcast %add3A_148 : i32 to vector<16xi32>
      %add3A_150 = arith.addi %mul3A_139, %add3A_149 : vector<16xi32>
      %gather3A_151 = tpu.vector_load_idx %arg12[%add3A_143, %add3A_150] : memref<128x128xf32, #tpu.memory_space<vmem>>[vector<16xi32>, vector<16xi32>], vector<16xf32>,
      %mul3A_152 = arith.mulf %gather3A, %gather3A_151 : vector<16xf32>
      %add3A_153 = arith.addf %broadcast_in_dim3A_144, %mul3A_152 : vector<16xf32>
      %add3A_154 = arith.constant 1 : i32
      %add3A_155 = vector.broadcast %add3A_154 : i32 to vector<16xi32>
      %add3A_156 = arith.addi %mul3A_128, %add3A_155 : vector<16xi32>
      %gather3A_157 = tpu.vector_load_idx %arg11[%add3A_143, %add3A_156] : memref<128x128xf32, #tpu.memory_space<vmem>>[vector<16xi32>, vector<16xi32>], vector<16xf32>,
      %add3A_158 = arith.constant 1 : i32
      %add3A_159 = vector.broadcast %add3A_158 : i32 to vector<16xi32>
      %add3A_160 = arith.addi %mul3A_139, %add3A_159 : vector<16xi32>
      %gather3A_161 = tpu.vector_load_idx %arg12[%add3A_143, %add3A_160] : memref<128x128xf32, #tpu.memory_space<vmem>>[vector<16xi32>, vector<16xi32>], vector<16xf32>,
      %mul3A_162 = arith.mulf %gather3A_157, %gather3A_161 : vector<16xf32>
      %add3A_163 = arith.addf %add3A_153, %mul3A_162 : vector<16xf32>
      %add3A_164 = arith.constant 2 : i32
      %add3A_165 = vector.broadcast %add3A_164 : i32 to vector<16xi32>
      %add3A_166 = arith.addi %mul3A_128, %add3A_165 : vector<16xi32>
      %gather3A_167 = tpu.vector_load_idx %arg11[%add3A_143, %add3A_166] : memref<128x128xf32, #tpu.memory_space<vmem>>[vector<16xi32>, vector<16xi32>], vector<16xf32>,
      %add3A_168 = arith.constant 2 : i32
      %add3A_169 = vector.broadcast %add3A_168 : i32 to vector<16xi32>
      %add3A_170 = arith.addi %mul3A_139, %add3A_169 : vector<16xi32>
      %gather3A_171 = tpu.vector_load_idx %arg12[%add3A_143, %add3A_170] : memref<128x128xf32, #tpu.memory_space<vmem>>[vector<16xi32>, vector<16xi32>], vector<16xf32>,
      %mul3A_172 = arith.mulf %gather3A_167, %gather3A_171 : vector<16xf32>
      %add3A_173 = arith.addf %add3A_163, %mul3A_172 : vector<16xf32>
      %add3A_174 = arith.constant 3 : i32
      %add3A_175 = vector.broadcast %add3A_174 : i32 to vector<16xi32>
      %add3A_176 = arith.addi %mul3A_128, %add3A_175 : vector<16xi32>
      %gather3A_177 = tpu.vector_load_idx %arg11[%add3A_143, %add3A_176] : memref<128x128xf32, #tpu.memory_space<vmem>>[vector<16xi32>, vector<16xi32>], vector<16xf32>,
      %add3A_178 = arith.constant 3 : i32
      %add3A_179 = vector.broadcast %add3A_178 : i32 to vector<16xi32>
      %add3A_180 = arith.addi %mul3A_139, %add3A_179 : vector<16xi32>
      %gather3A_181 = tpu.vector_load_idx %arg12[%add3A_143, %add3A_180] : memref<128x128xf32, #tpu.memory_space<vmem>>[vector<16xi32>, vector<16xi32>], vector<16xf32>,
      %mul3A_182 = arith.mulf %gather3A_177, %gather3A_181 : vector<16xf32>
      %add3A_183 = arith.addf %add3A_173, %mul3A_182 : vector<16xf32>
      %add3A_184 = arith.constant 4 : i32
      %add3A_185 = vector.broadcast %add3A_184 : i32 to vector<16xi32>
      %add3A_186 = arith.addi %mul3A_128, %add3A_185 : vector<16xi32>
      %gather3A_187 = tpu.vector_load_idx %arg11[%add3A_143, %add3A_186] : memref<128x128xf32, #tpu.memory_space<vmem>>[vector<16xi32>, vector<16xi32>], vector<16xf32>,
      %add3A_188 = arith.constant 4 : i32
      %add3A_189 = vector.broadcast %add3A_188 : i32 to vector<16xi32>
      %add3A_190 = arith.addi %mul3A_139, %add3A_189 : vector<16xi32>
      %gather3A_191 = tpu.vector_load_idx %arg12[%add3A_143, %add3A_190] : memref<128x128xf32, #tpu.memory_space<vmem>>[vector<16xi32>, vector<16xi32>], vector<16xf32>,
      %mul3A_192 = arith.mulf %gather3A_187, %gather3A_191 : vector<16xf32>
      %add3A_193 = arith.addf %add3A_183, %mul3A_192 : vector<16xf32>
      %add3A_194 = arith.constant 5 : i32
      %add3A_195 = vector.broadcast %add3A_194 : i32 to vector<16xi32>
      %add3A_196 = arith.addi %mul3A_128, %add3A_195 : vector<16xi32>
      %gather3A_197 = tpu.vector_load_idx %arg11[%add3A_143, %add3A_196] : memref<128x128xf32, #tpu.memory_space<vmem>>[vector<16xi32>, vector<16xi32>], vector<16xf32>,
      %add3A_198 = arith.constant 5 : i32
      %add3A_199 = vector.broadcast %add3A_198 : i32 to vector<16xi32>
      %add3A_200 = arith.addi %mul3A_139, %add3A_199 : vector<16xi32>
      %gather3A_201 = tpu.vector_load_idx %arg12[%add3A_143, %add3A_200] : memref<128x128xf32, #tpu.memory_space<vmem>>[vector<16xi32>, vector<16xi32>], vector<16xf32>,
      %mul3A_202 = arith.mulf %gather3A_197, %gather3A_201 : vector<16xf32>
      %add3A_203 = arith.addf %add3A_193, %mul3A_202 : vector<16xf32>
      %add3A_204 = arith.constant 6 : i32
      %add3A_205 = vector.broadcast %add3A_204 : i32 to vector<16xi32>
      %add3A_206 = arith.addi %mul3A_128, %add3A_205 : vector<16xi32>
      %gather3A_207 = tpu.vector_load_idx %arg11[%add3A_143, %add3A_206] : memref<128x128xf32, #tpu.memory_space<vmem>>[vector<16xi32>, vector<16xi32>], vector<16xf32>,
      %add3A_208 = arith.constant 6 : i32
      %add3A_209 = vector.broadcast %add3A_208 : i32 to vector<16xi32>
      %add3A_210 = arith.addi %mul3A_139, %add3A_209 : vector<16xi32>
      %gather3A_211 = tpu.vector_load_idx %arg12[%add3A_143, %add3A_210] : memref<128x128xf32, #tpu.memory_space<vmem>>[vector<16xi32>, vector<16xi32>], vector<16xf32>,
      %mul3A_212 = arith.mulf %gather3A_207, %gather3A_211 : vector<16xf32>
      %add3A_213 = arith.addf %add3A_203, %mul3A_212 : vector<16xf32>
      %add3A_214 = arith.constant 7 : i32
      %add3A_215 = vector.broadcast %add3A_214 : i32 to vector<16xi32>
      %add3A_216 = arith.addi %mul3A_128, %add3A_215 : vector<16xi32>
      %gather3A_217 = tpu.vector_load_idx %arg11[%add3A_143, %add3A_216] : memref<128x128xf32, #tpu.memory_space<vmem>>[vector<16xi32>, vector<16xi32>], vector<16xf32>,
      %add3A_218 = arith.constant 7 : i32
      %add3A_219 = vector.broadcast %add3A_218 : i32 to vector<16xi32>
      %add3A_220 = arith.addi %mul3A_139, %add3A_219 : vector<16xi32>
      %gather3A_221 = tpu.vector_load_idx %arg12[%add3A_143, %add3A_220] : memref<128x128xf32, #tpu.memory_space<vmem>>[vector<16xi32>, vector<16xi32>], vector<16xf32>,
      %mul3A_222 = arith.mulf %gather3A_217, %gather3A_221 : vector<16xf32>
      %add3A_223 = arith.addf %add3A_213, %mul3A_222 : vector<16xf32>
      %add3A_224 = arith.constant 8 : i32
      %add3A_225 = vector.broadcast %add3A_224 : i32 to vector<16xi32>
      %add3A_226 = arith.addi %mul3A_128, %add3A_225 : vector<16xi32>
      %gather3A_227 = tpu.vector_load_idx %arg11[%add3A_143, %add3A_226] : memref<128x128xf32, #tpu.memory_space<vmem>>[vector<16xi32>, vector<16xi32>], vector<16xf32>,
      %add3A_228 = arith.constant 8 : i32
      %add3A_229 = vector.broadcast %add3A_228 : i32 to vector<16xi32>
      %add3A_230 = arith.addi %mul3A_139, %add3A_229 : vector<16xi32>
      %gather3A_231 = tpu.vector_load_idx %arg12[%add3A_143, %add3A_230] : memref<128x128xf32, #tpu.memory_space<vmem>>[vector<16xi32>, vector<16xi32>], vector<16xf32>,
      %mul3A_232 = arith.mulf %gather3A_227, %gather3A_231 : vector<16xf32>
      %add3A_233 = arith.addf %add3A_223, %mul3A_232 : vector<16xf32>
      %add3A_234 = arith.constant 9 : i32
      %add3A_235 = vector.broadcast %add3A_234 : i32 to vector<16xi32>
      %add3A_236 = arith.addi %mul3A_128, %add3A_235 : vector<16xi32>
      %gather3A_237 = tpu.vector_load_idx %arg11[%add3A_143, %add3A_236] : memref<128x128xf32, #tpu.memory_space<vmem>>[vector<16xi32>, vector<16xi32>], vector<16xf32>,
      %add3A_238 = arith.constant 9 : i32
      %add3A_239 = vector.broadcast %add3A_238 : i32 to vector<16xi32>
      %add3A_240 = arith.addi %mul3A_139, %add3A_239 : vector<16xi32>
      %gather3A_241 = tpu.vector_load_idx %arg12[%add3A_143, %add3A_240] : memref<128x128xf32, #tpu.memory_space<vmem>>[vector<16xi32>, vector<16xi32>], vector<16xf32>,
      %mul3A_242 = arith.mulf %gather3A_237, %gather3A_241 : vector<16xf32>
      %add3A_243 = arith.addf %add3A_233, %mul3A_242 : vector<16xf32>
      %add3A_244 = arith.constant 10 : i32
      %add3A_245 = vector.broadcast %add3A_244 : i32 to vector<16xi32>
      %add3A_246 = arith.addi %mul3A_128, %add3A_245 : vector<16xi32>
      %gather3A_247 = tpu.vector_load_idx %arg11[%add3A_143, %add3A_246] : memref<128x128xf32, #tpu.memory_space<vmem>>[vector<16xi32>, vector<16xi32>], vector<16xf32>,
      %add3A_248 = arith.constant 10 : i32
      %add3A_249 = vector.broadcast %add3A_248 : i32 to vector<16xi32>
      %add3A_250 = arith.addi %mul3A_139, %add3A_249 : vector<16xi32>
      %gather3A_251 = tpu.vector_load_idx %arg12[%add3A_143, %add3A_250] : memref<128x128xf32, #tpu.memory_space<vmem>>[vector<16xi32>, vector<16xi32>], vector<16xf32>,
      %mul3A_252 = arith.mulf %gather3A_247, %gather3A_251 : vector<16xf32>
      %add3A_253 = arith.addf %add3A_243, %mul3A_252 : vector<16xf32>
      %add3A_254 = arith.constant 11 : i32
      %add3A_255 = vector.broadcast %add3A_254 : i32 to vector<16xi32>
      %add3A_256 = arith.addi %mul3A_128, %add3A_255 : vector<16xi32>
      %gather3A_257 = tpu.vector_load_idx %arg11[%add3A_143, %add3A_256] : memref<128x128xf32, #tpu.memory_space<vmem>>[vector<16xi32>, vector<16xi32>], vector<16xf32>,
      %add3A_258 = arith.constant 11 : i32
      %add3A_259 = vector.broadcast %add3A_258 : i32 to vector<16xi32>
      %add3A_260 = arith.addi %mul3A_139, %add3A_259 : vector<16xi32>
      %gather3A_261 = tpu.vector_load_idx %arg12[%add3A_143, %add3A_260] : memref<128x128xf32, #tpu.memory_space<vmem>>[vector<16xi32>, vector<16xi32>], vector<16xf32>,
      %mul3A_262 = arith.mulf %gather3A_257, %gather3A_261 : vector<16xf32>
      %add3A_263 = arith.addf %add3A_253, %mul3A_262 : vector<16xf32>
      %add3A_264 = arith.constant 12 : i32
      %add3A_265 = vector.broadcast %add3A_264 : i32 to vector<16xi32>
      %add3A_266 = arith.addi %mul3A_128, %add3A_265 : vector<16xi32>
      %gather3A_267 = tpu.vector_load_idx %arg11[%add3A_143, %add3A_266] : memref<128x128xf32, #tpu.memory_space<vmem>>[vector<16xi32>, vector<16xi32>], vector<16xf32>,
      %add3A_268 = arith.constant 12 : i32
      %add3A_269 = vector.broadcast %add3A_268 : i32 to vector<16xi32>
      %add3A_270 = arith.addi %mul3A_139, %add3A_269 : vector<16xi32>
      %gather3A_271 = tpu.vector_load_idx %arg12[%add3A_143, %add3A_270] : memref<128x128xf32, #tpu.memory_space<vmem>>[vector<16xi32>, vector<16xi32>], vector<16xf32>,
      %mul3A_272 = arith.mulf %gather3A_267, %gather3A_271 : vector<16xf32>
      %add3A_273 = arith.addf %add3A_263, %mul3A_272 : vector<16xf32>
      %add3A_274 = arith.constant 13 : i32
      %add3A_275 = vector.broadcast %add3A_274 : i32 to vector<16xi32>
      %add3A_276 = arith.addi %mul3A_128, %add3A_275 : vector<16xi32>
      %gather3A_277 = tpu.vector_load_idx %arg11[%add3A_143, %add3A_276] : memref<128x128xf32, #tpu.memory_space<vmem>>[vector<16xi32>, vector<16xi32>], vector<16xf32>,
      %add3A_278 = arith.constant 13 : i32
      %add3A_279 = vector.broadcast %add3A_278 : i32 to vector<16xi32>
      %add3A_280 = arith.addi %mul3A_139, %add3A_279 : vector<16xi32>
      %gather3A_281 = tpu.vector_load_idx %arg12[%add3A_143, %add3A_280] : memref<128x128xf32, #tpu.memory_space<vmem>>[vector<16xi32>, vector<16xi32>], vector<16xf32>,
      %mul3A_282 = arith.mulf %gather3A_277, %gather3A_281 : vector<16xf32>
      %add3A_283 = arith.addf %add3A_273, %mul3A_282 : vector<16xf32>
      %add3A_284 = arith.constant 14 : i32
      %add3A_285 = vector.broadcast %add3A_284 : i32 to vector<16xi32>
      %add3A_286 = arith.addi %mul3A_128, %add3A_285 : vector<16xi32>
      %gather3A_287 = tpu.vector_load_idx %arg11[%add3A_143, %add3A_286] : memref<128x128xf32, #tpu.memory_space<vmem>>[vector<16xi32>, vector<16xi32>], vector<16xf32>,
      %add3A_288 = arith.constant 14 : i32
      %add3A_289 = vector.broadcast %add3A_288 : i32 to vector<16xi32>
      %add3A_290 = arith.addi %mul3A_139, %add3A_289 : vector<16xi32>
      %gather3A_291 = tpu.vector_load_idx %arg12[%add3A_143, %add3A_290] : memref<128x128xf32, #tpu.memory_space<vmem>>[vector<16xi32>, vector<16xi32>], vector<16xf32>,
      %mul3A_292 = arith.mulf %gather3A_287, %gather3A_291 : vector<16xf32>
      %add3A_293 = arith.addf %add3A_283, %mul3A_292 : vector<16xf32>
      %add3A_294 = arith.constant 15 : i32
      %add3A_295 = vector.broadcast %add3A_294 : i32 to vector<16xi32>
      %add3A_296 = arith.addi %mul3A_128, %add3A_295 : vector<16xi32>
      %gather3A_297 = tpu.vector_load_idx %arg11[%add3A_143, %add3A_296] : memref<128x128xf32, #tpu.memory_space<vmem>>[vector<16xi32>, vector<16xi32>], vector<16xf32>,
      %add3A_298 = arith.constant 15 : i32
      %add3A_299 = vector.broadcast %add3A_298 : i32 to vector<16xi32>
      %add3A_300 = arith.addi %mul3A_139, %add3A_299 : vector<16xi32>
      %gather3A_301 = tpu.vector_load_idx %arg12[%add3A_143, %add3A_300] : memref<128x128xf32, #tpu.memory_space<vmem>>[vector<16xi32>, vector<16xi32>], vector<16xf32>,
      %mul3A_302 = arith.mulf %gather3A_297, %gather3A_301 : vector<16xf32>
      %add3A_303 = arith.addf %add3A_293, %mul3A_302 : vector<16xf32>
      %add3A_304 = arith.constant 16 : i32
      %add3A_305 = vector.broadcast %add3A_304 : i32 to vector<16xi32>
      %add3A_306 = arith.addi %mul3A_128, %add3A_305 : vector<16xi32>
      %gather3A_307 = tpu.vector_load_idx %arg11[%add3A_143, %add3A_306] : memref<128x128xf32, #tpu.memory_space<vmem>>[vector<16xi32>, vector<16xi32>], vector<16xf32>,
      %add3A_308 = arith.constant 16 : i32
      %add3A_309 = vector.broadcast %add3A_308 : i32 to vector<16xi32>
      %add3A_310 = arith.addi %mul3A_139, %add3A_309 : vector<16xi32>
      %gather3A_311 = tpu.vector_load_idx %arg12[%add3A_143, %add3A_310] : memref<128x128xf32, #tpu.memory_space<vmem>>[vector<16xi32>, vector<16xi32>], vector<16xf32>,
      %mul3A_312 = arith.mulf %gather3A_307, %gather3A_311 : vector<16xf32>
      %add3A_313 = arith.addf %add3A_303, %mul3A_312 : vector<16xf32>
      %add3A_314 = arith.constant 17 : i32
      %add3A_315 = vector.broadcast %add3A_314 : i32 to vector<16xi32>
      %add3A_316 = arith.addi %mul3A_128, %add3A_315 : vector<16xi32>
      %gather3A_317 = tpu.vector_load_idx %arg11[%add3A_143, %add3A_316] : memref<128x128xf32, #tpu.memory_space<vmem>>[vector<16xi32>, vector<16xi32>], vector<16xf32>,
      %add3A_318 = arith.constant 17 : i32
      %add3A_319 = vector.broadcast %add3A_318 : i32 to vector<16xi32>
      %add3A_320 = arith.addi %mul3A_139, %add3A_319 : vector<16xi32>
      %gather3A_321 = tpu.vector_load_idx %arg12[%add3A_143, %add3A_320] : memref<128x128xf32, #tpu.memory_space<vmem>>[vector<16xi32>, vector<16xi32>], vector<16xf32>,
      %mul3A_322 = arith.mulf %gather3A_317, %gather3A_321 : vector<16xf32>
      %add3A_323 = arith.addf %add3A_313, %mul3A_322 : vector<16xf32>
      %add3A_324 = arith.constant 18 : i32
      %add3A_325 = vector.broadcast %add3A_324 : i32 to vector<16xi32>
      %add3A_326 = arith.addi %mul3A_128, %add3A_325 : vector<16xi32>
      %gather3A_327 = tpu.vector_load_idx %arg11[%add3A_143, %add3A_326] : memref<128x128xf32, #tpu.memory_space<vmem>>[vector<16xi32>, vector<16xi32>], vector<16xf32>,
      %add3A_328 = arith.constant 18 : i32
      %add3A_329 = vector.broadcast %add3A_328 : i32 to vector<16xi32>
      %add3A_330 = arith.addi %mul3A_139, %add3A_329 : vector<16xi32>
      %gather3A_331 = tpu.vector_load_idx %arg12[%add3A_143, %add3A_330] : memref<128x128xf32, #tpu.memory_space<vmem>>[vector<16xi32>, vector<16xi32>], vector<16xf32>,
      %mul3A_332 = arith.mulf %gather3A_327, %gather3A_331 : vector<16xf32>
      %add3A_333 = arith.addf %add3A_323, %mul3A_332 : vector<16xf32>
      %add3A_334 = arith.constant 19 : i32
      %add3A_335 = vector.broadcast %add3A_334 : i32 to vector<16xi32>
      %add3A_336 = arith.addi %mul3A_128, %add3A_335 : vector<16xi32>
      %gather3A_337 = tpu.vector_load_idx %arg11[%add3A_143, %add3A_336] : memref<128x128xf32, #tpu.memory_space<vmem>>[vector<16xi32>, vector<16xi32>], vector<16xf32>,
      %add3A_338 = arith.constant 19 : i32
      %add3A_339 = vector.broadcast %add3A_338 : i32 to vector<16xi32>
      %add3A_340 = arith.addi %mul3A_139, %add3A_339 : vector<16xi32>
      %gather3A_341 = tpu.vector_load_idx %arg12[%add3A_143, %add3A_340] : memref<128x128xf32, #tpu.memory_space<vmem>>[vector<16xi32>, vector<16xi32>], vector<16xf32>,
      %mul3A_342 = arith.mulf %gather3A_337, %gather3A_341 : vector<16xf32>
      %add3A_343 = arith.addf %add3A_333, %mul3A_342 : vector<16xf32>
      %add3A_344 = arith.constant 20 : i32
      %add3A_345 = vector.broadcast %add3A_344 : i32 to vector<16xi32>
      %add3A_346 = arith.addi %mul3A_128, %add3A_345 : vector<16xi32>
      %gather3A_347 = tpu.vector_load_idx %arg11[%add3A_143, %add3A_346] : memref<128x128xf32, #tpu.memory_space<vmem>>[vector<16xi32>, vector<16xi32>], vector<16xf32>,
      %add3A_348 = arith.constant 20 : i32
      %add3A_349 = vector.broadcast %add3A_348 : i32 to vector<16xi32>
      %add3A_350 = arith.addi %mul3A_139, %add3A_349 : vector<16xi32>
      %gather3A_351 = tpu.vector_load_idx %arg12[%add3A_143, %add3A_350] : memref<128x128xf32, #tpu.memory_space<vmem>>[vector<16xi32>, vector<16xi32>], vector<16xf32>,
      %mul3A_352 = arith.mulf %gather3A_347, %gather3A_351 : vector<16xf32>
      %add3A_353 = arith.addf %add3A_343, %mul3A_352 : vector<16xf32>
      %add3A_354 = arith.constant 21 : i32
      %add3A_355 = vector.broadcast %add3A_354 : i32 to vector<16xi32>
      %add3A_356 = arith.addi %mul3A_128, %add3A_355 : vector<16xi32>
      %gather3A_357 = tpu.vector_load_idx %arg11[%add3A_143, %add3A_356] : memref<128x128xf32, #tpu.memory_space<vmem>>[vector<16xi32>, vector<16xi32>], vector<16xf32>,
      %add3A_358 = arith.constant 21 : i32
      %add3A_359 = vector.broadcast %add3A_358 : i32 to vector<16xi32>
      %add3A_360 = arith.addi %mul3A_139, %add3A_359 : vector<16xi32>
      %gather3A_361 = tpu.vector_load_idx %arg12[%add3A_143, %add3A_360] : memref<128x128xf32, #tpu.memory_space<vmem>>[vector<16xi32>, vector<16xi32>], vector<16xf32>,
      %mul3A_362 = arith.mulf %gather3A_357, %gather3A_361 : vector<16xf32>
      %add3A_363 = arith.addf %add3A_353, %mul3A_362 : vector<16xf32>
      %add3A_364 = arith.constant 22 : i32
      %add3A_365 = vector.broadcast %add3A_364 : i32 to vector<16xi32>
      %add3A_366 = arith.addi %mul3A_128, %add3A_365 : vector<16xi32>
      %gather3A_367 = tpu.vector_load_idx %arg11[%add3A_143, %add3A_366] : memref<128x128xf32, #tpu.memory_space<vmem>>[vector<16xi32>, vector<16xi32>], vector<16xf32>,
      %add3A_368 = arith.constant 22 : i32
      %add3A_369 = vector.broadcast %add3A_368 : i32 to vector<16xi32>
      %add3A_370 = arith.addi %mul3A_139, %add3A_369 : vector<16xi32>
      %gather3A_371 = tpu.vector_load_idx %arg12[%add3A_143, %add3A_370] : memref<128x128xf32, #tpu.memory_space<vmem>>[vector<16xi32>, vector<16xi32>], vector<16xf32>,
      %mul3A_372 = arith.mulf %gather3A_367, %gather3A_371 : vector<16xf32>
      %add3A_373 = arith.addf %add3A_363, %mul3A_372 : vector<16xf32>
      %add3A_374 = arith.constant 23 : i32
      %add3A_375 = vector.broadcast %add3A_374 : i32 to vector<16xi32>
      %add3A_376 = arith.addi %mul3A_128, %add3A_375 : vector<16xi32>
      %gather3A_377 = tpu.vector_load_idx %arg11[%add3A_143, %add3A_376] : memref<128x128xf32, #tpu.memory_space<vmem>>[vector<16xi32>, vector<16xi32>], vector<16xf32>,
      %add3A_378 = arith.constant 23 : i32
      %add3A_379 = vector.broadcast %add3A_378 : i32 to vector<16xi32>
      %add3A_380 = arith.addi %mul3A_139, %add3A_379 : vector<16xi32>
      %gather3A_381 = tpu.vector_load_idx %arg12[%add3A_143, %add3A_380] : memref<128x128xf32, #tpu.memory_space<vmem>>[vector<16xi32>, vector<16xi32>], vector<16xf32>,
      %mul3A_382 = arith.mulf %gather3A_377, %gather3A_381 : vector<16xf32>
      %add3A_383 = arith.addf %add3A_373, %mul3A_382 : vector<16xf32>
      %add3A_384 = arith.constant 24 : i32
      %add3A_385 = vector.broadcast %add3A_384 : i32 to vector<16xi32>
      %add3A_386 = arith.addi %mul3A_128, %add3A_385 : vector<16xi32>
      %gather3A_387 = tpu.vector_load_idx %arg11[%add3A_143, %add3A_386] : memref<128x128xf32, #tpu.memory_space<vmem>>[vector<16xi32>, vector<16xi32>], vector<16xf32>,
      %add3A_388 = arith.constant 24 : i32
      %add3A_389 = vector.broadcast %add3A_388 : i32 to vector<16xi32>
      %add3A_390 = arith.addi %mul3A_139, %add3A_389 : vector<16xi32>
      %gather3A_391 = tpu.vector_load_idx %arg12[%add3A_143, %add3A_390] : memref<128x128xf32, #tpu.memory_space<vmem>>[vector<16xi32>, vector<16xi32>], vector<16xf32>,
      %mul3A_392 = arith.mulf %gather3A_387, %gather3A_391 : vector<16xf32>
      %add3A_393 = arith.addf %add3A_383, %mul3A_392 : vector<16xf32>
      %add3A_394 = arith.constant 25 : i32
      %add3A_395 = vector.broadcast %add3A_394 : i32 to vector<16xi32>
      %add3A_396 = arith.addi %mul3A_128, %add3A_395 : vector<16xi32>
      %gather3A_397 = tpu.vector_load_idx %arg11[%add3A_143, %add3A_396] : memref<128x128xf32, #tpu.memory_space<vmem>>[vector<16xi32>, vector<16xi32>], vector<16xf32>,
      %add3A_398 = arith.constant 25 : i32
      %add3A_399 = vector.broadcast %add3A_398 : i32 to vector<16xi32>
      %add3A_400 = arith.addi %mul3A_139, %add3A_399 : vector<16xi32>
      %gather3A_401 = tpu.vector_load_idx %arg12[%add3A_143, %add3A_400] : memref<128x128xf32, #tpu.memory_space<vmem>>[vector<16xi32>, vector<16xi32>], vector<16xf32>,
      %mul3A_402 = arith.mulf %gather3A_397, %gather3A_401 : vector<16xf32>
      %add3A_403 = arith.addf %add3A_393, %mul3A_402 : vector<16xf32>
      %add3A_404 = arith.constant 26 : i32
      %add3A_405 = vector.broadcast %add3A_404 : i32 to vector<16xi32>
      %add3A_406 = arith.addi %mul3A_128, %add3A_405 : vector<16xi32>
      %gather3A_407 = tpu.vector_load_idx %arg11[%add3A_143, %add3A_406] : memref<128x128xf32, #tpu.memory_space<vmem>>[vector<16xi32>, vector<16xi32>], vector<16xf32>,
      %add3A_408 = arith.constant 26 : i32
      %add3A_409 = vector.broadcast %add3A_408 : i32 to vector<16xi32>
      %add3A_410 = arith.addi %mul3A_139, %add3A_409 : vector<16xi32>
      %gather3A_411 = tpu.vector_load_idx %arg12[%add3A_143, %add3A_410] : memref<128x128xf32, #tpu.memory_space<vmem>>[vector<16xi32>, vector<16xi32>], vector<16xf32>,
      %mul3A_412 = arith.mulf %gather3A_407, %gather3A_411 : vector<16xf32>
      %add3A_413 = arith.addf %add3A_403, %mul3A_412 : vector<16xf32>
      %add3A_414 = arith.constant 27 : i32
      %add3A_415 = vector.broadcast %add3A_414 : i32 to vector<16xi32>
      %add3A_416 = arith.addi %mul3A_128, %add3A_415 : vector<16xi32>
      %gather3A_417 = tpu.vector_load_idx %arg11[%add3A_143, %add3A_416] : memref<128x128xf32, #tpu.memory_space<vmem>>[vector<16xi32>, vector<16xi32>], vector<16xf32>,
      %add3A_418 = arith.constant 27 : i32
      %add3A_419 = vector.broadcast %add3A_418 : i32 to vector<16xi32>
      %add3A_420 = arith.addi %mul3A_139, %add3A_419 : vector<16xi32>
      %gather3A_421 = tpu.vector_load_idx %arg12[%add3A_143, %add3A_420] : memref<128x128xf32, #tpu.memory_space<vmem>>[vector<16xi32>, vector<16xi32>], vector<16xf32>,
      %mul3A_422 = arith.mulf %gather3A_417, %gather3A_421 : vector<16xf32>
      %add3A_423 = arith.addf %add3A_413, %mul3A_422 : vector<16xf32>
      %add3A_424 = arith.constant 28 : i32
      %add3A_425 = vector.broadcast %add3A_424 : i32 to vector<16xi32>
      %add3A_426 = arith.addi %mul3A_128, %add3A_425 : vector<16xi32>
      %gather3A_427 = tpu.vector_load_idx %arg11[%add3A_143, %add3A_426] : memref<128x128xf32, #tpu.memory_space<vmem>>[vector<16xi32>, vector<16xi32>], vector<16xf32>,
      %add3A_428 = arith.constant 28 : i32
      %add3A_429 = vector.broadcast %add3A_428 : i32 to vector<16xi32>
      %add3A_430 = arith.addi %mul3A_139, %add3A_429 : vector<16xi32>
      %gather3A_431 = tpu.vector_load_idx %arg12[%add3A_143, %add3A_430] : memref<128x128xf32, #tpu.memory_space<vmem>>[vector<16xi32>, vector<16xi32>], vector<16xf32>,
      %mul3A_432 = arith.mulf %gather3A_427, %gather3A_431 : vector<16xf32>
      %add3A_433 = arith.addf %add3A_423, %mul3A_432 : vector<16xf32>
      %add3A_434 = arith.constant 29 : i32
      %add3A_435 = vector.broadcast %add3A_434 : i32 to vector<16xi32>
      %add3A_436 = arith.addi %mul3A_128, %add3A_435 : vector<16xi32>
      %gather3A_437 = tpu.vector_load_idx %arg11[%add3A_143, %add3A_436] : memref<128x128xf32, #tpu.memory_space<vmem>>[vector<16xi32>, vector<16xi32>], vector<16xf32>,
      %add3A_438 = arith.constant 29 : i32
      %add3A_439 = vector.broadcast %add3A_438 : i32 to vector<16xi32>
      %add3A_440 = arith.addi %mul3A_139, %add3A_439 : vector<16xi32>
      %gather3A_441 = tpu.vector_load_idx %arg12[%add3A_143, %add3A_440] : memref<128x128xf32, #tpu.memory_space<vmem>>[vector<16xi32>, vector<16xi32>], vector<16xf32>,
      %mul3A_442 = arith.mulf %gather3A_437, %gather3A_441 : vector<16xf32>
      %add3A_443 = arith.addf %add3A_433, %mul3A_442 : vector<16xf32>
      %add3A_444 = arith.constant 30 : i32
      %add3A_445 = vector.broadcast %add3A_444 : i32 to vector<16xi32>
      %add3A_446 = arith.addi %mul3A_128, %add3A_445 : vector<16xi32>
      %gather3A_447 = tpu.vector_load_idx %arg11[%add3A_143, %add3A_446] : memref<128x128xf32, #tpu.memory_space<vmem>>[vector<16xi32>, vector<16xi32>], vector<16xf32>,
      %add3A_448 = arith.constant 30 : i32
      %add3A_449 = vector.broadcast %add3A_448 : i32 to vector<16xi32>
      %add3A_450 = arith.addi %mul3A_139, %add3A_449 : vector<16xi32>
      %gather3A_451 = tpu.vector_load_idx %arg12[%add3A_143, %add3A_450] : memref<128x128xf32, #tpu.memory_space<vmem>>[vector<16xi32>, vector<16xi32>], vector<16xf32>,
      %mul3A_452 = arith.mulf %gather3A_447, %gather3A_451 : vector<16xf32>
      %add3A_453 = arith.addf %add3A_443, %mul3A_452 : vector<16xf32>
      %add3A_454 = arith.constant 31 : i32
      %add3A_455 = vector.broadcast %add3A_454 : i32 to vector<16xi32>
      %add3A_456 = arith.addi %mul3A_128, %add3A_455 : vector<16xi32>
      %gather3A_457 = tpu.vector_load_idx %arg11[%add3A_143, %add3A_456] : memref<128x128xf32, #tpu.memory_space<vmem>>[vector<16xi32>, vector<16xi32>], vector<16xf32>,
      %add3A_458 = arith.constant 31 : i32
      %add3A_459 = vector.broadcast %add3A_458 : i32 to vector<16xi32>
      %add3A_460 = arith.addi %mul3A_139, %add3A_459 : vector<16xi32>
      %gather3A_461 = tpu.vector_load_idx %arg12[%add3A_143, %add3A_460] : memref<128x128xf32, #tpu.memory_space<vmem>>[vector<16xi32>, vector<16xi32>], vector<16xf32>,
      %mul3A_462 = arith.mulf %gather3A_457, %gather3A_461 : vector<16xf32>
      %add3A_463 = arith.addf %add3A_453, %mul3A_462 : vector<16xf32>
      %swap3A = arith.index_cast %add3A_120 : i32 to index
      %swap3A_464 = tpu.vector_load %arg13[%swap3A] {strides = array<i32>} : memref<512xf32, #tpu.memory_space<vmem>>, vector<16xf32>,
      tpu.vector_store %arg13[%swap3A], %add3A_463 {strides = array<i32>} : memref<512xf32, #tpu.memory_space<vmem>>, vector<16xf32>,
      %scan3A_465 = arith.constant 0 : i32
      scf.yield %scan3A_465 : i32
    }
    %scan3A_114 = arith.constant 8 : i32
    "tpu.region"() ({
      %run_scoped3A = tpu.sem_alloc : memref<!tpu.dma_semaphore, #tpu.memory_space<semaphore_mem>>
      %dma_start3A_115 = tpu.memref_slice %arg6[%mul3A_2] : memref<16384xf32, #tpu.memory_space<hbm>> -> memref<512xf32, #tpu.memory_space<hbm>>
      %dma_start3A_116 = tpu.memref_slice %arg6[%mul3A_2] : memref<16384xf32, #tpu.memory_space<hbm>> -> memref<512xf32, #tpu.memory_space<hbm>>
      tpu.enqueue_dma source(%arg13 : memref<512xf32, #tpu.memory_space<vmem>>) target(%dma_start3A_116 : memref<512xf32, #tpu.memory_space<hbm>>) target_semaphore(%run_scoped3A : memref<!tpu.dma_semaphore, #tpu.memory_space<semaphore_mem>>)
      %dma_wait3A_117 = tpu.memref_slice %arg6[%mul3A_2] : memref<16384xf32, #tpu.memory_space<hbm>> -> memref<512xf32, #tpu.memory_space<hbm>>
      %dma_wait3A_118 = tpu.memref_slice %arg6[%mul3A_2] : memref<16384xf32, #tpu.memory_space<hbm>> -> memref<512xf32, #tpu.memory_space<hbm>>
      tpu.wait_dma2 semaphore(%run_scoped3A : memref<!tpu.dma_semaphore, #tpu.memory_space<semaphore_mem>>) src(%arg13 : memref<512xf32, #tpu.memory_space<vmem>>) dst(%dma_wait3A_118 : memref<512xf32, #tpu.memory_space<hbm>>)
      tpu.yield
    }) : () -> ()
    return
  }
}

module attributes {stable_mosaic.version = 14 : i64} {
  func.func @_tc_relayout_kernel(%arg0: i32, %arg1: memref<32x8192xf32, #tpu.memory_space<vmem>>, %arg2: memref<32x8192xf32, #tpu.memory_space<vmem>>, %arg3: memref<32x8192xf32, #tpu.memory_space<vmem>>, %arg4: memref<32x8192xf32, #tpu.memory_space<vmem>>, %arg5: memref<8192x128xf32, #tpu.memory_space<vmem>>) attributes {dimension_semantics = [#tpu.dimension_semantics<arbitrary>], iteration_bounds = array<i64: 31>, scalar_prefetch = 0 : i64, scratch_operands = 0 : i64, tpu.core_type = #tpu.core_type<tc>, window_params = [{transform_indices = @transform_0, window_bounds = array<i64: 32, 8192>}, {transform_indices = @transform_1, window_bounds = array<i64: 32, 8192>}, {transform_indices = @transform_2, window_bounds = array<i64: 32, 8192>}, {transform_indices = @transform_3, window_bounds = array<i64: 32, 8192>}, {transform_indices = @transform_4, window_bounds = array<i64: 8192, 128>}]} {
    %get3A = arith.constant 0 : index
    %get3A_0 = arith.constant 0 : index
    %get3A_1 = vector.load %arg1[%get3A, %get3A_0] : memref<32x8192xf32, #tpu.memory_space<vmem>>, vector<32x8192xf32>
    %get3A_2 = arith.constant 0 : index
    %get3A_3 = arith.constant 0 : index
    %get3A_4 = vector.load %arg2[%get3A_2, %get3A_3] : memref<32x8192xf32, #tpu.memory_space<vmem>>, vector<32x8192xf32>
    %get3A_5 = arith.constant 0 : index
    %get3A_6 = arith.constant 0 : index
    %get3A_7 = vector.load %arg3[%get3A_5, %get3A_6] : memref<32x8192xf32, #tpu.memory_space<vmem>>, vector<32x8192xf32>
    %get3A_8 = arith.constant 0 : index
    %get3A_9 = arith.constant 0 : index
    %get3A_10 = vector.load %arg4[%get3A_8, %get3A_9] : memref<32x8192xf32, #tpu.memory_space<vmem>>, vector<32x8192xf32>
    %concatenate3A = tpu.concatenate %get3A_1, %get3A_4, %get3A_7, %get3A_10 in 0 : vector<32x8192xf32>, vector<32x8192xf32>, vector<32x8192xf32>, vector<32x8192xf32> -> vector<128x8192xf32>
    %transpose3A = tpu.transpose %concatenate3A, [1, 0] : vector<128x8192xf32> -> vector<8192x128xf32>
    %swap3A = arith.constant 0 : index
    %swap3A_11 = arith.constant 0 : index
    %swap3A_12 = vector.load %arg5[%swap3A, %swap3A_11] : memref<8192x128xf32, #tpu.memory_space<vmem>>, vector<8192x128xf32>
    tpu.vector_store %arg5[%swap3A, %swap3A_11], %transpose3A {strides = array<i32>} : memref<8192x128xf32, #tpu.memory_space<vmem>>, vector<8192x128xf32>,
    return
  }
  func.func @transform_0(%arg0: i32) -> (i32, i32) {
    %mul3A = arith.constant 4 : i32
    %mul3A_0 = arith.muli %mul3A, %arg0 : i32
    %add3A = arith.constant 0 : i32
    %add3A_1 = arith.addi %mul3A_0, %add3A : i32
    %min3A = arith.constant 122 : i32
    %min3A_2 = arith.minsi %add3A_1, %min3A : i32
    %c0_i32 = arith.constant 0 : i32
    %c0_i32_3 = arith.constant 0 : i32
    return %c0_i32, %min3A_2 : i32, i32
  }
  func.func @transform_1(%arg0: i32) -> (i32, i32) {
    %mul3A = arith.constant 4 : i32
    %mul3A_0 = arith.muli %mul3A, %arg0 : i32
    %add3A = arith.constant 1 : i32
    %add3A_1 = arith.addi %mul3A_0, %add3A : i32
    %min3A = arith.constant 122 : i32
    %min3A_2 = arith.minsi %add3A_1, %min3A : i32
    %c0_i32 = arith.constant 0 : i32
    %c0_i32_3 = arith.constant 0 : i32
    return %c0_i32, %min3A_2 : i32, i32
  }
  func.func @transform_2(%arg0: i32) -> (i32, i32) {
    %mul3A = arith.constant 4 : i32
    %mul3A_0 = arith.muli %mul3A, %arg0 : i32
    %add3A = arith.constant 2 : i32
    %add3A_1 = arith.addi %mul3A_0, %add3A : i32
    %min3A = arith.constant 122 : i32
    %min3A_2 = arith.minsi %add3A_1, %min3A : i32
    %c0_i32 = arith.constant 0 : i32
    %c0_i32_3 = arith.constant 0 : i32
    return %c0_i32, %min3A_2 : i32, i32
  }
  func.func @transform_3(%arg0: i32) -> (i32, i32) {
    %mul3A = arith.constant 4 : i32
    %mul3A_0 = arith.muli %mul3A, %arg0 : i32
    %add3A = arith.constant 3 : i32
    %add3A_1 = arith.addi %mul3A_0, %add3A : i32
    %min3A = arith.constant 122 : i32
    %min3A_2 = arith.minsi %add3A_1, %min3A : i32
    %c0_i32 = arith.constant 0 : i32
    %c0_i32_3 = arith.constant 0 : i32
    return %c0_i32, %min3A_2 : i32, i32
  }
  func.func @transform_4(%arg0: i32) -> (i32, i32) {
    %c0_i32 = arith.constant 0 : i32
    %c0_i32_0 = arith.constant 0 : i32
    return %arg0, %c0_i32 : i32, i32
  }
}

</mosaic_0001>

<sc_bundles>
// kernel: _run.5.cloned.1.call-start
scs
__scs_entry_jumppad:
0x0: {  	(pc) =	sbr.rel $0x88, $3  }
0x1: {  	(tag) =	ssettag $0x0;
	lr =	simm.s32 $0x1  }
0x2: {  	[smem:$0x3F9D] =	sst lr;
	_ =	strace $0xD0000000  }
0x3: {  	_ = 	snop  }
0x4: {  	_ = 	snop  }
0x5: {  	_ = 	snop  }
0x6: {  	_ = 	snop  }
0x7: {  	_ = 	snop  }
__scs_overlays_trampoline_lowered:
0x8: {  	[smem:$0x3FAC] =	sst s0  }
0x9: {  	[smem:$0x3FAD] =	sst s1  }
0xa: {  	[smem:$0x3FAE] =	sst s2  }
0xb: {  	[smem:$0x3FAF] =	sst s3  }
0xc: {  	[smem:$0x3FB0] =	sst s4  }
0xd: {  	[smem:$0x3FB1] =	sst s5  }
0xe: {  	[smem:$0x3FB2] =	sst s6  }
0xf: {  	[smem:$0x3FB3] =	sst s7  }
0x10: {  	[smem:$0x3FB4] =	sst s8  }
0x11: {  	[smem:$0x3FB5] =	sst s9;
	s0 =	simm.s32 @!p0 $0x0  }
0x12: {  	s1 =	sld [smem:$0x3F9B];
	s0 =	simm.s32 @p0 $0x1  }
0x13: {  	[smem:$0x3FB6] =	sst s0;
	s0 =	simm.s32 @!p1 $0x0  }
0x14: {  	s2 =	sld [smem:$0x3F9A];
	s0 =	simm.s32 @p1 $0x1  }
0x15: {  	[smem:$0x3FB7] =	sst s0;
	s0 =	simm.s32 @!p2 $0x0  }
0x16: {  	s3 =	sld [smem:$0x3FDB];
	s0 =	simm.s32 @p2 $0x1  }
0x17: {  	s4 =	simm.s32 $0x1BF5;
	[smem:$0x3FB9] =	sst s0  }
0x18: {  	s0 =	sld [smem:$0x3F9C];
	_ =	swait.ge [sflag:s4], $0x0  }
0x19: {  	s7 =	sld [smem:$0x3F9D]  }
0x1a: {  	s8 =	sadd.s32 $0xFFFFE003, lr  }
0x1b: {  	s9 =	sadd.s32 $0xFFFFFEF7, lr;
	s5 =	simm.s32 $0xFFFFFFFF;
	p2 =	slt.u32 s8, $0xFFFFF086  }
0x1c: {  	p1 =	slt.u32 s9, $0xF7A;
	s5 =	simm.s32 @!p2 $0x0  }
0x1d: {  	s5 =	simm.s32 @p1 $0x1;
	p0 =	seq.s32 s7, s2  }
0x1e: {  	s7 =	smul.u32 @!p0 $0xF7A, s2;
	p2 =	seq.s32 @!p0 s5, $0x0  }
0x1f: {  	s9 =	smul.u32 $0xF7A, s1;
	s8 =	simm.s32 @!p0 $0x1BF5;
	p2 =	por !p2, p0  }
0x20: {  	[sflag:s8] =	ssyncset.s32 @!p0 $0xFFFFF086;
	s6 =	sadd.s32 @!p0 s3, s7;
	s7 =	simm.s32 @!p0 $0x108  }
0x21: {  	s3 =	sadd.s32 s3, s9;
	s6 =	sadd.s32 @!p0 $0x88, s6;
	s7 =	simm.s32 @p2 $0x1082  }
0x22: {  	[simem:s7], [sflag:s8] =	dma.local @!p0 [hbm:s6], $0xF7A  }
0x23: {  	s9 =	sor.u32 $0xD0000000, s2;
	s6 =	simm.s32 $0x108;
	_ =	swait.ge @!p0 [sflag:s8], $0x0  }
0x24: {  	s3 =	sadd.s32 $0x88, s3;
	s6 =	simm.s32 @!p1 $0x1082;
	[sflag:s4] =	ssyncset.s32 $0xFFFFF086  }
0x25: {  	[simem:s6], [sflag:s4] =	dma.local [hbm:s3], $0xF7A  }
0x26: {  	[smem:$0x3F9D] =	sst s1;
	(tag) =	ssettag s2;
	_ =	strace s9  }
0x27: {  	s1 =	sld [smem:$0x3FAD]  }
0x28: {  	s2 =	sld [smem:$0x3FAE]  }
0x29: {  	s4 =	sld [smem:$0x3FB0]  }
0x2a: {  	p0 =	seq.s32 s5, $0x0;
	s5 =	sld [smem:$0x3FB1]  }
0x2b: {  	s6 =	sld [smem:$0x3FB2]  }
0x2c: {  	s7 =	sld [smem:$0x3FB3]  }
0x2d: {  	s3 =	simm.s32 $0x108;
	s8 =	sld [smem:$0x3FB4]  }
0x2e: {  	s3 =	simm.s32 @!p0 $0x1082;
	s9 =	sld [smem:$0x3FB5]  }
0x2f: {  	lr =	sadd.s32 s0, s3;
	s0 =	sld [smem:$0x3FAC]  }
0x30: {  	s3 =	sld [smem:$0x3FAF]  }
0x31: {  	[smem:$0x3FB8] =	sst s10  }
0x32: {  	s10 =	sld [smem:$0x3FB6];
	_ =	sdelay $0x3  }
0x33: {  	p0 =	seq.s32 s10, $0x1;
	s10 =	sld [smem:$0x3FB8];
	_ =	sdelay $0x3  }
0x34: {  	[smem:$0x3FB8] =	sst s10  }
0x35: {  	s10 =	sld [smem:$0x3FB7];
	_ =	sdelay $0x3  }
0x36: {  	p1 =	seq.s32 s10, $0x1;
	s10 =	sld [smem:$0x3FB8];
	_ =	sdelay $0x3  }
0x37: {  	[smem:$0x3FB8] =	sst s10  }
0x38: {  	s10 =	sld [smem:$0x3FB9]  }
0x39: {  	_ = 	snop;
	(pc) =	sbr.ind lr, $3  }
0x3a: {  	_ = 	snop  }
0x3b: {  	_ = 	snop  }
0x3c: {  	p2 =	seq.s32 s10, $0x1;
	s10 =	sld [smem:$0x3FB8]  }
0x3d: {  	_ =	shalt  }
0x3e: {  	_ =	shalt  }
0x3f: {  	_ =	shalt  }
0x40: {  	_ =	shalt  }
0x41: {  	_ =	shalt  }
0x42: {  	_ =	shalt  }
0x43: {  	_ =	shalt  }
0x44: {  	_ =	shalt  }
0x45: {  	_ =	shalt  }
0x46: {  	_ =	shalt  }
0x47: {  	_ =	shalt  }
0x48: {  	_ =	shalt  }
0x49: {  	_ =	shalt  }
0x4a: {  	_ =	shalt  }
0x4b: {  	_ =	shalt  }
0x4c: {  	_ =	shalt  }
0x4d: {  	_ =	shalt  }
0x4e: {  	_ =	shalt  }
0x4f: {  	_ =	shalt  }
0x50: {  	_ =	shalt  }
0x51: {  	_ =	shalt  }
0x52: {  	_ =	shalt  }
0x53: {  	_ =	shalt  }
0x54: {  	_ =	shalt  }
0x55: {  	_ =	shalt  }
0x56: {  	_ =	shalt  }
0x57: {  	_ =	shalt  }
0x58: {  	_ =	shalt  }
0x59: {  	_ =	shalt  }
0x5a: {  	_ =	shalt  }
0x5b: {  	_ =	shalt  }
0x5c: {  	_ =	shalt  }
0x5d: {  	_ =	shalt  }
0x5e: {  	_ =	shalt  }
0x5f: {  	_ =	shalt  }
0x60: {  	_ =	shalt  }
0x61: {  	_ =	shalt  }
0x62: {  	_ =	shalt  }
0x63: {  	_ =	shalt  }
0x64: {  	_ =	shalt  }
0x65: {  	_ =	shalt  }
0x66: {  	_ =	shalt  }
0x67: {  	_ =	shalt  }
0x68: {  	_ =	shalt  }
0x69: {  	_ =	shalt  }
0x6a: {  	_ =	shalt  }
0x6b: {  	_ =	shalt  }
0x6c: {  	_ =	shalt  }
0x6d: {  	_ =	shalt  }
0x6e: {  	_ =	shalt  }
0x6f: {  	_ =	shalt  }
0x70: {  	_ =	shalt  }
0x71: {  	_ =	shalt  }
0x72: {  	_ =	shalt  }
0x73: {  	_ =	shalt  }
0x74: {  	_ =	shalt  }
0x75: {  	_ =	shalt  }
0x76: {  	_ =	shalt  }
0x77: {  	_ =	shalt  }
0x78: {  	_ =	shalt  }
0x79: {  	_ =	shalt  }
0x7a: {  	_ =	shalt  }
0x7b: {  	_ =	shalt  }
0x7c: {  	_ =	shalt  }
0x7d: {  	_ =	shalt  }
0x7e: {  	_ =	shalt  }
0x7f: {  	_ =	shalt  }
0x80: {  	_ =	shalt  }
0x81: {  	_ =	shalt  }
0x82: {  	_ =	shalt  }
0x83: {  	_ =	shalt  }
0x84: {  	_ =	shalt  }
0x85: {  	_ =	shalt  }
0x86: {  	_ =	shalt  }
0x87: {  	_ =	shalt  }
.Lfunc_end0:
.L_simem_size_0:
called_computation_lowered:
.L_overlay_start_0:
0x88: {  	s2 =	sld [smem:$0x3FD9]  }
0x89: {  	s3 =	sld [smem:$0x3FFE];
	_ =	sdelay $0x1  }
0x8a: {  	s1 =	srdreg.scid  }
0x8b: {  	s0 =	sand.u32 $0x1, s1  }
0x8c: {  	s17 =	sshll.u32 s0, $0xA;
	s2 =	sadd.s32 s3, s2  }
0x8d: {  	s2 =	sadd.s32 s2, s17  }
0x8e: {  	[smem:$0x3FC4] =	sst s2  }
0x8f: {  	_ = 	snop  }
0x90: {  	s2 =	sld [smem:$0x3FC9]  }
0x91: {  	s18 =	sld [smem:$0x3FC8]  }
0x92: {  	s4 =	sld [smem:$0x3FD0];
	(tm) =	ssettm $0x1  }
0x93: {  	s5 =	sld [smem:$0x3FFB];
	_ =	sdelay $0x3  }
0x94: {  	_ =	strace s5  }
0x95: {  	s5 =	sld [smem:$0x3FFC];
	_ =	sdelay $0x3  }
0x96: {  	_ =	strace s5  }
0x97: {  	s5 =	sld [smem:$0x3FFD];
	_ =	sdelay $0x3  }
0x98: {  	_ =	strace s5  }
0x99: {  	_ =	strace $0x8FFFFFFF  }
0x9a: {  	s19 =	sld [smem:$0x3FDB];
	_ =	sdelay $0x1  }
0x9b: {  	s6 =	simm.s32 $_scs_section_size  }
0x9c: {  	s7 =	simm.s32 $_size__tile_overlayer_lowered;
	s8 =	simm.s32 $_tile_overlayer_lowered  }
0x9d: {  	s22 =	simm.s32 $0x1BFF;
	s21 =	sshll.u32 s8, $0x1;
	s5 =	sadd.s32 s6, s19  }
0x9e: {  	s9 =	simm.s32 $0x0;
	s20 =	sshll.u32 s7, $0x1;
	s7 =	sadd.s32 s21, s5  }
0x9f: {  	[timem:s9], [sflag:s22] =	dma.local [hbm:s7], s20  }
0xa0: {  	_ =	swait.ge [sflag:s22], s20  }
0xa1: {  	s6 =	ssub.s32 $0x0, s20;
	[sflag:s22] =	ssyncset.done $0x0  }
0xa2: {  	[sflag:s22] =	ssyncadd.s32 s6;
	_ =	sdelay $0x1  }
0xa3: {  	s23 =	simm.s32 $0x1B8B  }
0xa4: {  	_ =	swait.ge [sflag:s23], $0x1  }
0xa5: {  	[sflag:s23] =	ssyncset.done $0x0  }
0xa6: {  	s25 =	simm.s32 $0x1B8E;
	s24 =	sld [smem:$0x3FFE];
	[sflag:s23] =	ssyncadd.s32 $0xFFFFFFFF  }
0xa7: {  	s26 =	simm.s32 $execute0_lowered;
	[smem:$0x3FD2] =	sst s25  }
0xa8: {  	s7 =	sshll.u32 s26, $0x1;
	_ =	strace $0x80000046;
	[dreg:$0x1] =	wrdreg $0xFFFFFFFF  }
0xa9: {  	s28 =	simm.s32 $_size_execute0_lowered;
	s5 =	sadd.s32 s5, s7;
	[dreg:$0x0] =	wrdreg $0x0  }
0xaa: {  	s7 =	sshll.u32 s28, $0x1;
	[dreg:$0x2] =	wrdreg s5  }
0xab: {  	[dreg:$0x3] =	wrdreg s7  }
0xac: {  	[dreg:$0x4] =	wrdreg $0xC0  }
0xad: {  	_ =	task [dreg:s9], $0x5FFFF  }
0xae: {  	[dreg:$0x1] =	wrdreg $0xFFFFFFFF  }
0xaf: {  	[dreg:$0x0] =	wrdreg $0x60  }
0xb0: {  	[dreg:$0x2] =	wrdreg s2  }
0xb1: {  	[dreg:$0x3] =	wrdreg s18  }
0xb2: {  	[dreg:$0x4] =	wrdreg s24  }
0xb3: {  	[dreg:$0x5] =	wrdreg s4  }
0xb4: {  	[dreg:$0x6] =	wrdreg $0x9  }
0xb5: {  	_ =	task.clear_ibuf [dreg:s9], $0x7FFFF;
	_ =	strace $0x90000046  }
0xb6: {  	s29 =	simm.s32 $0x9;
	_ =	strace $0x80000048  }
0xb7: {  	_ =	swait.ge [sflag:s29], $0x1  }
0xb8: {  	[sflag:s29] =	ssyncadd.s32 $0xFFFFFFFF  }
0xb9: {  	_ =	strace $0x90000048  }
0xba: {  	_ =	sfence  }
0xbb: {  	s30 =	sld [smem:$0x0];
	_ =	sdelay $0x2  }
0xbc: {  	s31 =	sshll.u32 s1, $0xD;
	s1 =	sshrl.u32 s1, $0x2  }
0xbd: {  	s3 =	sand.u32 $0x4000, s31;
	s1 =	sadd.s32 s1, s30  }
0xbe: {  	s0 =	sor.u32 s3, s0;
	s1 =	sshll.u32 s1, $0x11  }
0xbf: {  	s0 =	sor.u32 s1, s0  }
0xc0: {  	s0 =	sadd.s32 $0x8F2B, s0  }
0xc1: {  	[sflag:s0] =	ssyncadd.remote.s32 $0x1  }
0xc2: {  	_ =	sfence.sel $0xFFFF  }
0xc3: {  	[dreg:$0x0] =	wrdreg $0xFFFFFFFF;
	(pc) =	sbr.abs _section_cstart, $3  }
0xc4: {  	[dreg:$0x1] =	wrdreg $0xFFFFFFFF  }
0xc5: {  	_ =	task.clear_ibuf [dreg:s9], $0x2FFFF;
	_ =	strace $0x9FFFFFFF  }
0xc6: {  	(tm) =	ssettm $0x7FFFFFFF  }
0xc7: {  	_ =	shalt  }
tec
execute0_lowered:
.L_overlay_start_1:
0x0: {  	(tag) =	ssettag $0x1  }
0x1: {  	s5 =	rddreg [dreg:$0x0]  }
0x2: {  	s6 =	rddreg [dreg:$0x1]  }
0x3: {  	s4 =	rddreg [dreg:$0x2]  }
0x4: {  	s7 =	rddreg [dreg:$0x3]  }
0x5: {  	s0 =	rddreg [dreg:$0x4];
	s1 =	simm.s32 $0x0  }
0x6: {  	s8 =	srdreg.scid;
	s2 =	stileid.u32;
	s12 =	simm.s32 $0x400  }
0x7: {  	s13 =	simm.s32 $0x800;
	s14 =	simm.s32 $0x600;
	s15 =	simm.s32 $0x4800  }
0x8: {  	s16 =	simm.s32 $0x1;
	s17 =	simm.s32 $0x480;
	s18 =	simm.s32 $0x680  }
0x9: {  	s19 =	simm.s32 $0x500;
	s20 =	simm.s32 $0x700;
	s21 =	simm.s32 $0x580  }
0xa: {  	s22 =	simm.s32 $0x780;
	s23 =	simm.s32 $0x8800;
	s24 =	simm.s32 $0x0  }
0xb: {  	[smem:$0x7FF] =	sst s1;
	s3 =	sadd.s32 $0x400, s4;
	s8 =	sand.u32 $0x1, s8  }
0xc: {  	s10 =	sshll.u32 s2, $0x7;
	s4 =	sadd.s32 $0x3E0400, s4;
	s9 =	ssub.s32 $0x2, s8  }
0xd: {  	_ =	strace $0x80000047;
	s8 =	sshll.u32 s8, $0x6;
	s11 =	sshrl.u32 s9, $0x1  }
0xe: {  	s8 =	sor.u32 s8, s10;
	s10 =	simm.s32 $0x200;
	s9 =	ssub.s32 s9, s11  }
0xf: {  	v0 =	vlaneseq.u32;
	s5 =	sadd.s32 s5, s8;
	s6 =	sadd.s32 s6, s8;
	s7 =	sadd.s32 s7, s8  }
0x10: {  	v0 =	vmul.u32 $0x80, v0;
	s11 =	simm.s32 $0x80;
	s8 =	smax.u32 s9, $0x1;
	s9 =	simm.s32 $0x2  }
.LBB2_1:
0x11: {  	[tilespmem:s1], [sflag:$0x2] =	stream.linear.gather [hbm4b:s5+s1], $0x200, $0x38;
	[tilespmem:$0x8A00] =	vst v63  }
0x12: {  	_ =	swait.ge [sflag:s9], $0x200  }
0x13: {  	[sflag:s9] =	ssyncset.done $0x0  }
0x14: {  	[sflag:s9] =	ssyncadd.s32 $0xFFFFFE00  }
0x15: {  	[tilespmem:s10], [sflag:$0x2] =	stream.linear.gather [hbm4b:s6+s1], $0x200, $0x38;
	[tilespmem:$0x8A00] =	vst v63  }
0x16: {  	_ =	swait.ge [sflag:s9], $0x200  }
0x17: {  	[sflag:s9] =	ssyncset.done $0x0  }
0x18: {  	s25 =	simm.s32 $0x0;
	[sflag:s9] =	ssyncadd.s32 $0xFFFFFE00  }
0x19: {  	v1 =	vld [tilespmem:s25+$0x200]  }
0x1a: {  	v2 =	vld [tilespmem:s25+$0x0];
	_ =	sdelay $0x1  }
0x1b: {  	s26 =	simm.s32 $0x40  }
.LBB2_2:
0x1c: {  	p0 =	sne.s32 s26, $0x7C0  }
.Ltmp0:
0x1d: {  	s28 =	sshra.s32 s26, $0x2;
	s26 =	sadd.s32 $0x40, s26;
	v3 =	vshra.s32 v1, $0x2;
	(pc) =	sbr.rel @p0 .LBB2_2-.Ltmp0, $4  }
0x1e: {  	v5 =	vand.u32 $0x1FFF, v1;
	v4 =	vshra.s32 v2, $0x2;
	v3 =	vand.u32 $0xFFFFE000, v3;
	v1 =	vld [tilespmem:s28+$0x200]  }
0x1f: {  	v6 =	vand.u32 $0x1FFF, v2;
	v4 =	vand.u32 $0xFFFFE000, v4;
	v2 =	vld [tilespmem:s28+$0x0];
	v3 =	vor.u32 v5, v3  }
0x20: {  	v4 =	vor.u32 v6, v4;
	[tilespmem:s25+$0x600] =	vst v3  }
0x21: {  	[tilespmem:s25+$0x400] =	vst v4;
	s25 =	smov.u32 s28  }
0x22: {  	_ = 	snop  }
0x23: {  	v3 =	vshra.s32 v1, $0x2  }
0x24: {  	v1 =	vand.u32 $0x1FFF, v1;
	v4 =	vshra.s32 v2, $0x2;
	v3 =	vand.u32 $0xFFFFE000, v3  }
0x25: {  	v2 =	vand.u32 $0x1FFF, v2;
	v4 =	vand.u32 $0xFFFFE000, v4;
	v1 =	vor.u32 v1, v3  }
0x26: {  	v2 =	vor.u32 v2, v4;
	[tilespmem:s25+$0x600] =	vst v1  }
0x27: {  	[tilespmem:s25+$0x400] =	vst v2  }
0x28: {  	[tilespmem:s13], [sflag:$0x1] =	stream.indirect.gather [hbm4b:s3+s11], $0x80, s12, s11, $0xb8;
	[tilespmem:$0x8A00] =	vst v63  }
0x29: {  	_ = 	snop  }
0x2a: {  	[tilespmem:s15], [sflag:$0x1] =	stream.indirect.gather [hbm4b:s4+s11], $0x80, s14, s11, $0xb8;
	[tilespmem:$0x8A00] =	vst v63  }
0x2b: {  	_ =	swait.ge [sflag:s16], $0x4000  }
0x2c: {  	[sflag:s16] =	ssyncset.done $0x0  }
0x2d: {  	[sflag:s16] =	ssyncadd.s32 $0xFFFFC000  }
0x2e: {  	_ =	swait.ge [sflag:s16], $0x4000  }
0x2f: {  	[sflag:s16] =	ssyncset.done $0x0  }
0x30: {  	s31 =	simm.s32 $0x0;
	[sflag:s16] =	ssyncadd.s32 $0xFFFFC000  }
0x31: {  	s26 =	simm.s32 $0x200;
	v1 =	vld [tilespmem:s31+$0x0]  }
0x32: {  	v2 =	vld [tilespmem:s26+$0x0];
	_ =	sdelay $0x2  }
0x33: {  	v3 =	vmov s31  }
0x34: {  	v3 =	vshll.u32 v3, $0x7;
	v1 =	vshrl.u32 v1, $0x8  }
0x35: {  	v3 =	vor.u32 v0, v3;
	v2 =	vshrl.u32 v2, $0x8;
	v1 =	vand.u32 $0x60, v1  }
0x36: {  	v47 =	vand.u32 $0x60, v2;
	v2 =	vor.u32 v3, v1  }
0x37: {  	v1 =	vor.u32 v3, v47  }
0x38: {  	v3 =	vor.u32 $0x1, v2  }
0x39: {  	v4 =	vor.u32 $0x1, v1  }
0x3a: {  	v5 =	vor.u32 $0x2, v2  }
0x3b: {  	v7 =	vor.u32 $0x2, v1;
	v6 =	vld.idx.msk [tilespmem:v2+s13+$0x0], $0xffff  }
0x3c: {  	v9 =	vor.u32 $0x3, v2;
	v8 =	vld.idx.msk [tilespmem:v1+s15+$0x0], $0xffff  }
0x3d: {  	v10 =	vor.u32 $0x3, v1;
	v3 =	vld.idx.msk [tilespmem:v3+s13+$0x0], $0xffff  }
0x3e: {  	v11 =	vor.u32 $0x4, v2;
	v4 =	vld.idx.msk [tilespmem:v4+s15+$0x0], $0xffff  }
0x3f: {  	v12 =	vor.u32 $0x4, v1;
	v5 =	vld.idx.msk [tilespmem:v5+s13+$0x0], $0xffff  }
0x40: {  	v13 =	vor.u32 $0x5, v2;
	v7 =	vld.idx.msk [tilespmem:v7+s15+$0x0], $0xffff  }
0x41: {  	v14 =	vor.u32 $0x5, v1;
	v9 =	vld.idx.msk [tilespmem:v9+s13+$0x0], $0xffff;
	v6 =	vmul.f32 v8, v6  }
0x42: {  	v49 =	vor.u32 $0x6, v2;
	v48 =	vld.idx.msk [tilespmem:v10+s15+$0x0], $0xffff  }
0x43: {  	v15 =	vor.u32 $0x6, v1;
	v11 =	vld.idx.msk [tilespmem:v11+s13+$0x0], $0xffff;
	v3 =	vmul.f32 v4, v3;
	v6 =	vadd.f32 $0.0e+00, v6  }
0x44: {  	v51 =	vor.u32 $0x7, v2;
	v50 =	vld.idx.msk [tilespmem:v12+s15+$0x0], $0xffff  }
0x45: {  	v16 =	vor.u32 $0x7, v1;
	v13 =	vld.idx.msk [tilespmem:v13+s13+$0x0], $0xffff;
	v5 =	vmul.f32 v7, v5;
	v3 =	vadd.f32 v3, v6  }
0x46: {  	v54 =	vor.u32 $0x8, v1;
	v52 =	vld.idx.msk [tilespmem:v14+s15+$0x0], $0xffff  }
0x47: {  	v53 =	vor.u32 $0x8, v2;
	v10 =	vld.idx.msk [tilespmem:v49+s13+$0x0], $0xffff;
	v55 =	vmul.f32 v48, v9;
	v3 =	vadd.f32 v5, v3  }
0x48: {  	v58 =	vor.u32 $0x9, v1;
	v56 =	vld.idx.msk [tilespmem:v15+s15+$0x0], $0xffff  }
0x49: {  	v57 =	vor.u32 $0x9, v2;
	v12 =	vld.idx.msk [tilespmem:v51+s13+$0x0], $0xffff;
	v4 =	vmul.f32 v50, v11;
	v3 =	vadd.f32 v55, v3  }
0x4a: {  	v61 =	vor.u32 $0xA, v1;
	v59 =	vld.idx.msk [tilespmem:v16+s15+$0x0], $0xffff  }
0x4b: {  	v60 =	vor.u32 $0xA, v2;
	v63 =	vld.idx.msk [tilespmem:v54+s15+$0x0], $0xffff;
	v62 =	vmul.f32 v52, v13;
	v3 =	vadd.f32 v4, v3  }
0x4c: {  	v20 =	vor.u32 $0xB, v1;
	v7 =	vld.idx.msk [tilespmem:v53+s13+$0x0], $0xffff  }
0x4d: {  	v19 =	vor.u32 $0xB, v2;
	v22 =	vld.idx.msk [tilespmem:v58+s15+$0x0], $0xffff;
	v21 =	vmul.f32 v56, v10;
	v3 =	vadd.f32 v62, v3  }
0x4e: {  	v24 =	vor.u32 $0xC, v1;
	v9 =	vld.idx.msk [tilespmem:v57+s13+$0x0], $0xffff  }
0x4f: {  	v23 =	vor.u32 $0xC, v2;
	v26 =	vld.idx.msk [tilespmem:v61+s15+$0x0], $0xffff;
	v25 =	vmul.f32 v59, v12;
	v3 =	vadd.f32 v21, v3  }
0x50: {  	v28 =	vor.u32 $0xD, v1;
	v11 =	vld.idx.msk [tilespmem:v60+s13+$0x0], $0xffff  }
0x51: {  	v27 =	vor.u32 $0xD, v2;
	v30 =	vld.idx.msk [tilespmem:v20+s15+$0x0], $0xffff;
	v29 =	vmul.f32 v63, v7;
	v3 =	vadd.f32 v25, v3  }
0x52: {  	v32 =	vor.u32 $0xE, v1;
	v13 =	vld.idx.msk [tilespmem:v19+s13+$0x0], $0xffff  }
0x53: {  	v31 =	vor.u32 $0xE, v2;
	v34 =	vld.idx.msk [tilespmem:v24+s15+$0x0], $0xffff;
	v33 =	vmul.f32 v22, v9;
	v3 =	vadd.f32 v29, v3  }
0x54: {  	v36 =	vor.u32 $0xF, v1;
	v10 =	vld.idx.msk [tilespmem:v23+s13+$0x0], $0xffff  }
0x55: {  	v35 =	vor.u32 $0xF, v2;
	v38 =	vld.idx.msk [tilespmem:v28+s15+$0x0], $0xffff;
	v37 =	vmul.f32 v26, v11;
	v3 =	vadd.f32 v33, v3  }
0x56: {  	v40 =	vor.u32 $0x10, v1;
	v12 =	vld.idx.msk [tilespmem:v27+s13+$0x0], $0xffff  }
0x57: {  	v39 =	vor.u32 $0x10, v2;
	v42 =	vld.idx.msk [tilespmem:v32+s15+$0x0], $0xffff;
	v41 =	vmul.f32 v30, v13;
	v3 =	vadd.f32 v37, v3  }
0x58: {  	v44 =	vor.u32 $0x11, v1;
	v7 =	vld.idx.msk [tilespmem:v31+s13+$0x0], $0xffff  }
0x59: {  	v43 =	vor.u32 $0x11, v2;
	v46 =	vld.idx.msk [tilespmem:v36+s15+$0x0], $0xffff;
	v45 =	vmul.f32 v34, v10;
	v3 =	vadd.f32 v41, v3  }
0x5a: {  	v47 =	vor.u32 $0x12, v2;
	v9 =	vld.idx.msk [tilespmem:v35+s13+$0x0], $0xffff  }
0x5b: {  	v48 =	vor.u32 $0x12, v1;
	v50 =	vld.idx.msk [tilespmem:v40+s15+$0x0], $0xffff;
	v49 =	vmul.f32 v38, v12;
	v3 =	vadd.f32 v45, v3  }
0x5c: {  	v51 =	vor.u32 $0x13, v2;
	v11 =	vld.idx.msk [tilespmem:v39+s13+$0x0], $0xffff  }
0x5d: {  	v54 =	vld.idx.msk [tilespmem:v44+s15+$0x0], $0xffff;
	v52 =	vor.u32 $0x13, v1;
	v53 =	vmul.f32 v42, v7;
	v3 =	vadd.f32 v49, v3  }
0x5e: {  	v56 =	vor.u32 $0x14, v1;
	v13 =	vld.idx.msk [tilespmem:v43+s13+$0x0], $0xffff  }
0x5f: {  	v10 =	vld.idx.msk [tilespmem:v47+s13+$0x0], $0xffff;
	v55 =	vor.u32 $0x14, v2;
	v57 =	vmul.f32 v46, v9;
	v3 =	vadd.f32 v53, v3  }
0x60: {  	v60 =	vor.u32 $0x15, v1;
	v58 =	vld.idx.msk [tilespmem:v48+s15+$0x0], $0xffff  }
0x61: {  	v59 =	vor.u32 $0x15, v2;
	v12 =	vld.idx.msk [tilespmem:v51+s13+$0x0], $0xffff;
	v61 =	vmul.f32 v50, v11;
	v3 =	vadd.f32 v57, v3  }
0x62: {  	v20 =	vor.u32 $0x16, v1;
	v62 =	vld.idx.msk [tilespmem:v52+s15+$0x0], $0xffff  }
0x63: {  	v63 =	vor.u32 $0x16, v2;
	v22 =	vld.idx.msk [tilespmem:v56+s15+$0x0], $0xffff;
	v21 =	vmul.f32 v54, v13;
	v3 =	vadd.f32 v61, v3  }
0x64: {  	v24 =	vor.u32 $0x17, v1;
	v7 =	vld.idx.msk [tilespmem:v55+s13+$0x0], $0xffff  }
0x65: {  	v23 =	vor.u32 $0x17, v2;
	v26 =	vld.idx.msk [tilespmem:v60+s15+$0x0], $0xffff;
	v25 =	vmul.f32 v58, v10;
	v3 =	vadd.f32 v21, v3  }
0x66: {  	v28 =	vor.u32 $0x18, v1;
	v9 =	vld.idx.msk [tilespmem:v59+s13+$0x0], $0xffff  }
0x67: {  	v27 =	vor.u32 $0x18, v2;
	v30 =	vld.idx.msk [tilespmem:v20+s15+$0x0], $0xffff;
	v29 =	vmul.f32 v62, v12;
	v3 =	vadd.f32 v25, v3  }
0x68: {  	v32 =	vor.u32 $0x19, v1;
	v11 =	vld.idx.msk [tilespmem:v63+s13+$0x0], $0xffff  }
0x69: {  	v31 =	vor.u32 $0x19, v2;
	v34 =	vld.idx.msk [tilespmem:v24+s15+$0x0], $0xffff;
	v33 =	vmul.f32 v22, v7;
	v3 =	vadd.f32 v29, v3  }
0x6a: {  	v36 =	vor.u32 $0x1A, v1;
	v13 =	vld.idx.msk [tilespmem:v23+s13+$0x0], $0xffff  }
0x6b: {  	v35 =	vor.u32 $0x1A, v2;
	v38 =	vld.idx.msk [tilespmem:v28+s15+$0x0], $0xffff;
	v37 =	vmul.f32 v26, v9;
	v3 =	vadd.f32 v33, v3  }
0x6c: {  	v40 =	vor.u32 $0x1B, v1;
	v10 =	vld.idx.msk [tilespmem:v27+s13+$0x0], $0xffff  }
0x6d: {  	v39 =	vor.u32 $0x1B, v2;
	v42 =	vld.idx.msk [tilespmem:v32+s15+$0x0], $0xffff;
	v41 =	vmul.f32 v30, v11;
	v3 =	vadd.f32 v37, v3  }
0x6e: {  	v44 =	vor.u32 $0x1C, v1;
	v12 =	vld.idx.msk [tilespmem:v31+s13+$0x0], $0xffff  }
0x6f: {  	v43 =	vor.u32 $0x1C, v2;
	v46 =	vld.idx.msk [tilespmem:v36+s15+$0x0], $0xffff;
	v45 =	vmul.f32 v34, v13;
	v3 =	vadd.f32 v41, v3  }
0x70: {  	v47 =	vor.u32 $0x1D, v2;
	v7 =	vld.idx.msk [tilespmem:v35+s13+$0x0], $0xffff  }
0x71: {  	v48 =	vor.u32 $0x1D, v1;
	v50 =	vld.idx.msk [tilespmem:v40+s15+$0x0], $0xffff;
	v49 =	vmul.f32 v38, v10;
	v3 =	vadd.f32 v45, v3  }
0x72: {  	v51 =	vor.u32 $0x1E, v2;
	v9 =	vld.idx.msk [tilespmem:v39+s13+$0x0], $0xffff  }
0x73: {  	v52 =	vor.u32 $0x1E, v1;
	v54 =	vld.idx.msk [tilespmem:v44+s15+$0x0], $0xffff;
	v53 =	vmul.f32 v42, v12;
	v3 =	vadd.f32 v49, v3  }
0x74: {  	v2 =	vor.u32 $0x1F, v2;
	v11 =	vld.idx.msk [tilespmem:v43+s13+$0x0], $0xffff  }
0x75: {  	v1 =	vor.u32 $0x1F, v1;
	v55 =	vld.idx.msk [tilespmem:v47+s13+$0x0], $0xffff;
	v56 =	vmul.f32 v46, v7;
	v3 =	vadd.f32 v53, v3  }
0x76: {  	v57 =	vld.idx.msk [tilespmem:v48+s15+$0x0], $0xffff  }
0x77: {  	v58 =	vld.idx.msk [tilespmem:v51+s13+$0x0], $0xffff;
	v59 =	vmul.f32 v50, v9;
	v3 =	vadd.f32 v56, v3  }
0x78: {  	v60 =	vld.idx.msk [tilespmem:v52+s15+$0x0], $0xffff  }
0x79: {  	v2 =	vld.idx.msk [tilespmem:v2+s13+$0x0], $0xffff;
	v61 =	vmul.f32 v54, v11;
	v3 =	vadd.f32 v59, v3  }
0x7a: {  	v1 =	vld.idx.msk [tilespmem:v1+s15+$0x0], $0xffff  }
0x7b: {  	v62 =	vmul.f32 v57, v55;
	v3 =	vadd.f32 v61, v3;
	_ =	sdelay $0x1  }
0x7c: {  	v63 =	vmul.f32 v60, v58;
	v3 =	vadd.f32 v62, v3;
	_ =	sdelay $0x1  }
0x7d: {  	v1 =	vmul.f32 v1, v2;
	v3 =	vadd.f32 v63, v3;
	_ =	sdelay $0x1  }
0x7e: {  	v1 =	vadd.f32 v1, v3  }
0x7f: {  	s25 =	simm.s32 $0x8800  }
0x80: {  	s26 =	simm.s32 $0x10;
	[tilespmem:s25+$0x0] =	vst v1  }
0x81: {  	s28 =	simm.s32 $0x210;
	v2 =	vld [tilespmem:s26+$0x0]  }
0x82: {  	s29 =	simm.s32 $0x20;
	s30 =	simm.s32 $0x10;
	v1 =	vld [tilespmem:s28+$0x0]  }
.LBB2_4:
0x83: {  	p0 =	sne.s32 s29, $0x70;
	_ =	sdelay $0x1  }
0x84: {  	v3 =	vmov s26;
	s26 =	smov.u32 s29  }
0x85: {  	v3 =	vshll.u32 v3, $0x7;
	v2 =	vshrl.u32 v2, $0x8  }
0x86: {  	v3 =	vor.u32 v0, v3;
	v2 =	vand.u32 $0x60, v2;
	v1 =	vshrl.u32 v1, $0x8  }
0x87: {  	v1 =	vand.u32 $0x60, v1;
	v2 =	vor.u32 v3, v2  }
0x88: {  	v1 =	vor.u32 v3, v1  }
0x89: {  	v3 =	vor.u32 $0x1, v2  }
0x8a: {  	v4 =	vor.u32 $0x1, v1  }
0x8b: {  	v5 =	vor.u32 $0x2, v2  }
0x8c: {  	v7 =	vor.u32 $0x2, v1;
	v6 =	vld.idx.msk [tilespmem:v2+s13+$0x0], $0xffff  }
0x8d: {  	v9 =	vor.u32 $0x3, v2;
	v8 =	vld.idx.msk [tilespmem:v1+s15+$0x0], $0xffff  }
0x8e: {  	v10 =	vor.u32 $0x3, v1;
	v3 =	vld.idx.msk [tilespmem:v3+s13+$0x0], $0xffff  }
0x8f: {  	v11 =	vor.u32 $0x4, v2;
	v4 =	vld.idx.msk [tilespmem:v4+s15+$0x0], $0xffff  }
0x90: {  	v12 =	vor.u32 $0x4, v1;
	v5 =	vld.idx.msk [tilespmem:v5+s13+$0x0], $0xffff  }
0x91: {  	v13 =	vor.u32 $0x5, v2;
	v7 =	vld.idx.msk [tilespmem:v7+s15+$0x0], $0xffff  }
0x92: {  	v14 =	vor.u32 $0x5, v1;
	v9 =	vld.idx.msk [tilespmem:v9+s13+$0x0], $0xffff  }
0x93: {  	v6 =	vmul.f32 v8, v6;
	v8 =	vld.idx.msk [tilespmem:v10+s15+$0x0], $0xffff;
	v10 =	vor.u32 $0x6, v2  }
0x94: {  	v15 =	vor.u32 $0x6, v1;
	v11 =	vld.idx.msk [tilespmem:v11+s13+$0x0], $0xffff  }
0x95: {  	v6 =	vadd.f32 $0.0e+00, v6;
	v3 =	vmul.f32 v4, v3;
	v4 =	vld.idx.msk [tilespmem:v12+s15+$0x0], $0xffff;
	v12 =	vor.u32 $0x7, v2  }
0x96: {  	v16 =	vor.u32 $0x7, v1;
	v13 =	vld.idx.msk [tilespmem:v13+s13+$0x0], $0xffff  }
0x97: {  	v3 =	vadd.f32 v3, v6;
	v5 =	vmul.f32 v7, v5;
	v7 =	vor.u32 $0x8, v2;
	v6 =	vld.idx.msk [tilespmem:v14+s15+$0x0], $0xffff  }
0x98: {  	v14 =	vor.u32 $0x8, v1;
	v10 =	vld.idx.msk [tilespmem:v10+s13+$0x0], $0xffff  }
0x99: {  	v3 =	vadd.f32 v5, v3;
	v5 =	vmul.f32 v8, v9;
	v9 =	vor.u32 $0x9, v2;
	v8 =	vld.idx.msk [tilespmem:v15+s15+$0x0], $0xffff  }
0x9a: {  	v15 =	vor.u32 $0x9, v1;
	v12 =	vld.idx.msk [tilespmem:v12+s13+$0x0], $0xffff  }
0x9b: {  	v3 =	vadd.f32 v5, v3;
	v4 =	vmul.f32 v4, v11;
	v11 =	vor.u32 $0xA, v2;
	v5 =	vld.idx.msk [tilespmem:v16+s15+$0x0], $0xffff  }
0x9c: {  	v16 =	vor.u32 $0xA, v1;
	v7 =	vld.idx.msk [tilespmem:v7+s13+$0x0], $0xffff  }
0x9d: {  	v3 =	vadd.f32 v4, v3;
	v4 =	vmul.f32 v6, v13;
	v13 =	vor.u32 $0xB, v2;
	v6 =	vld.idx.msk [tilespmem:v14+s15+$0x0], $0xffff  }
0x9e: {  	v14 =	vor.u32 $0xB, v1;
	v9 =	vld.idx.msk [tilespmem:v9+s13+$0x0], $0xffff  }
0x9f: {  	v3 =	vadd.f32 v4, v3;
	v4 =	vmul.f32 v8, v10;
	v10 =	vor.u32 $0xC, v2;
	v8 =	vld.idx.msk [tilespmem:v15+s15+$0x0], $0xffff  }
0xa0: {  	v15 =	vor.u32 $0xC, v1;
	v11 =	vld.idx.msk [tilespmem:v11+s13+$0x0], $0xffff  }
0xa1: {  	v3 =	vadd.f32 v4, v3;
	v4 =	vmul.f32 v5, v12;
	v12 =	vor.u32 $0xD, v2;
	v5 =	vld.idx.msk [tilespmem:v16+s15+$0x0], $0xffff  }
0xa2: {  	v16 =	vor.u32 $0xD, v1;
	v13 =	vld.idx.msk [tilespmem:v13+s13+$0x0], $0xffff  }
0xa3: {  	v3 =	vadd.f32 v4, v3;
	v4 =	vmul.f32 v6, v7;
	v7 =	vor.u32 $0xE, v2;
	v6 =	vld.idx.msk [tilespmem:v14+s15+$0x0], $0xffff  }
0xa4: {  	v14 =	vor.u32 $0xE, v1;
	v10 =	vld.idx.msk [tilespmem:v10+s13+$0x0], $0xffff  }
0xa5: {  	v3 =	vadd.f32 v4, v3;
	v4 =	vmul.f32 v8, v9;
	v9 =	vor.u32 $0xF, v2;
	v8 =	vld.idx.msk [tilespmem:v15+s15+$0x0], $0xffff  }
0xa6: {  	v15 =	vor.u32 $0xF, v1;
	v12 =	vld.idx.msk [tilespmem:v12+s13+$0x0], $0xffff  }
0xa7: {  	v3 =	vadd.f32 v4, v3;
	v4 =	vmul.f32 v5, v11;
	v11 =	vor.u32 $0x10, v2;
	v5 =	vld.idx.msk [tilespmem:v16+s15+$0x0], $0xffff  }
0xa8: {  	v16 =	vor.u32 $0x10, v1;
	v7 =	vld.idx.msk [tilespmem:v7+s13+$0x0], $0xffff  }
0xa9: {  	v3 =	vadd.f32 v4, v3;
	v4 =	vmul.f32 v6, v13;
	v13 =	vor.u32 $0x11, v2;
	v6 =	vld.idx.msk [tilespmem:v14+s15+$0x0], $0xffff  }
0xaa: {  	v14 =	vor.u32 $0x11, v1;
	v9 =	vld.idx.msk [tilespmem:v9+s13+$0x0], $0xffff  }
0xab: {  	v3 =	vadd.f32 v4, v3;
	v4 =	vmul.f32 v8, v10;
	v10 =	vor.u32 $0x12, v2;
	v8 =	vld.idx.msk [tilespmem:v15+s15+$0x0], $0xffff  }
0xac: {  	v15 =	vor.u32 $0x12, v1;
	v11 =	vld.idx.msk [tilespmem:v11+s13+$0x0], $0xffff  }
0xad: {  	v3 =	vadd.f32 v4, v3;
	v4 =	vmul.f32 v5, v12;
	v12 =	vor.u32 $0x13, v2;
	v5 =	vld.idx.msk [tilespmem:v16+s15+$0x0], $0xffff  }
0xae: {  	v16 =	vor.u32 $0x13, v1;
	v13 =	vld.idx.msk [tilespmem:v13+s13+$0x0], $0xffff  }
0xaf: {  	v3 =	vadd.f32 v4, v3;
	v4 =	vmul.f32 v6, v7;
	v7 =	vor.u32 $0x14, v2;
	v6 =	vld.idx.msk [tilespmem:v14+s15+$0x0], $0xffff  }
0xb0: {  	v14 =	vor.u32 $0x14, v1;
	v10 =	vld.idx.msk [tilespmem:v10+s13+$0x0], $0xffff  }
0xb1: {  	v3 =	vadd.f32 v4, v3;
	v4 =	vmul.f32 v8, v9;
	v9 =	vor.u32 $0x15, v2;
	v8 =	vld.idx.msk [tilespmem:v15+s15+$0x0], $0xffff  }
0xb2: {  	v15 =	vor.u32 $0x15, v1;
	v12 =	vld.idx.msk [tilespmem:v12+s13+$0x0], $0xffff  }
0xb3: {  	v3 =	vadd.f32 v4, v3;
	v4 =	vmul.f32 v5, v11;
	v11 =	vor.u32 $0x16, v2;
	v5 =	vld.idx.msk [tilespmem:v16+s15+$0x0], $0xffff  }
0xb4: {  	v16 =	vor.u32 $0x16, v1;
	v7 =	vld.idx.msk [tilespmem:v7+s13+$0x0], $0xffff  }
0xb5: {  	v3 =	vadd.f32 v4, v3;
	v4 =	vmul.f32 v6, v13;
	v13 =	vor.u32 $0x17, v2;
	v6 =	vld.idx.msk [tilespmem:v14+s15+$0x0], $0xffff  }
0xb6: {  	v14 =	vor.u32 $0x17, v1;
	v9 =	vld.idx.msk [tilespmem:v9+s13+$0x0], $0xffff  }
0xb7: {  	v3 =	vadd.f32 v4, v3;
	v4 =	vmul.f32 v8, v10;
	v10 =	vor.u32 $0x18, v2;
	v8 =	vld.idx.msk [tilespmem:v15+s15+$0x0], $0xffff  }
0xb8: {  	v15 =	vor.u32 $0x18, v1;
	v11 =	vld.idx.msk [tilespmem:v11+s13+$0x0], $0xffff  }
0xb9: {  	v3 =	vadd.f32 v4, v3;
	v4 =	vmul.f32 v5, v12;
	v12 =	vor.u32 $0x19, v2;
	v5 =	vld.idx.msk [tilespmem:v16+s15+$0x0], $0xffff  }
0xba: {  	v16 =	vor.u32 $0x19, v1;
	v13 =	vld.idx.msk [tilespmem:v13+s13+$0x0], $0xffff  }
0xbb: {  	v3 =	vadd.f32 v4, v3;
	v4 =	vmul.f32 v6, v7;
	v7 =	vor.u32 $0x1A, v2;
	v6 =	vld.idx.msk [tilespmem:v14+s15+$0x0], $0xffff  }
0xbc: {  	v14 =	vor.u32 $0x1A, v1;
	v10 =	vld.idx.msk [tilespmem:v10+s13+$0x0], $0xffff  }
0xbd: {  	v3 =	vadd.f32 v4, v3;
	v4 =	vmul.f32 v8, v9;
	v9 =	vor.u32 $0x1B, v2;
	v8 =	vld.idx.msk [tilespmem:v15+s15+$0x0], $0xffff  }
0xbe: {  	v15 =	vor.u32 $0x1B, v1;
	v12 =	vld.idx.msk [tilespmem:v12+s13+$0x0], $0xffff  }
0xbf: {  	v3 =	vadd.f32 v4, v3;
	v4 =	vmul.f32 v5, v11;
	v11 =	vor.u32 $0x1C, v2;
	v5 =	vld.idx.msk [tilespmem:v16+s15+$0x0], $0xffff  }
0xc0: {  	v16 =	vor.u32 $0x1C, v1;
	v7 =	vld.idx.msk [tilespmem:v7+s13+$0x0], $0xffff  }
0xc1: {  	v3 =	vadd.f32 v4, v3;
	v4 =	vmul.f32 v6, v13;
	v13 =	vor.u32 $0x1D, v2;
	v6 =	vld.idx.msk [tilespmem:v14+s15+$0x0], $0xffff  }
0xc2: {  	v14 =	vor.u32 $0x1D, v1;
	v9 =	vld.idx.msk [tilespmem:v9+s13+$0x0], $0xffff  }
0xc3: {  	v3 =	vadd.f32 v4, v3;
	v4 =	vmul.f32 v8, v10;
	v10 =	vor.u32 $0x1E, v2;
	v8 =	vld.idx.msk [tilespmem:v15+s15+$0x0], $0xffff  }
0xc4: {  	v15 =	vor.u32 $0x1E, v1;
	v11 =	vld.idx.msk [tilespmem:v11+s13+$0x0], $0xffff  }
0xc5: {  	v2 =	vor.u32 $0x1F, v2;
	v3 =	vadd.f32 v4, v3;
	v4 =	vmul.f32 v5, v12;
	v5 =	vld.idx.msk [tilespmem:v16+s15+$0x0], $0xffff  }
0xc6: {  	v1 =	vor.u32 $0x1F, v1;
	v12 =	vld.idx.msk [tilespmem:v13+s13+$0x0], $0xffff  }
0xc7: {  	v3 =	vadd.f32 v4, v3;
	v4 =	vmul.f32 v6, v7;
	v6 =	vld.idx.msk [tilespmem:v14+s15+$0x0], $0xffff  }
0xc8: {  	v7 =	vld.idx.msk [tilespmem:v10+s13+$0x0], $0xffff  }
0xc9: {  	v3 =	vadd.f32 v4, v3;
	v4 =	vmul.f32 v8, v9;
	v8 =	vld.idx.msk [tilespmem:v15+s15+$0x0], $0xffff  }
0xca: {  	v2 =	vld.idx.msk [tilespmem:v2+s13+$0x0], $0xffff  }
0xcb: {  	v3 =	vadd.f32 v4, v3;
	v4 =	vmul.f32 v5, v11;
	v1 =	vld.idx.msk [tilespmem:v1+s15+$0x0], $0xffff;
	_ =	sdelay $0x1  }
0xcc: {  	v3 =	vadd.f32 v4, v3;
	v4 =	vmul.f32 v6, v12;
	_ =	sdelay $0x1  }
0xcd: {  	v3 =	vadd.f32 v4, v3;
	v4 =	vmul.f32 v8, v7;
	_ =	sdelay $0x1  }
0xce: {  	v3 =	vadd.f32 v4, v3;
	v1 =	vmul.f32 v1, v2;
	_ =	sdelay $0x1  }
.Ltmp1:
0xcf: {  	v1 =	vadd.f32 v1, v3;
	(pc) =	sbr.rel @p0 .LBB2_4-.Ltmp1, $4  }
0xd0: {  	s25 =	sadd.s32 $0x10, s25  }
0xd1: {  	s30 =	sadd.s32 $0x10, s30;
	[tilespmem:s25+$0x0] =	vst v1  }
0xd2: {  	s28 =	sadd.s32 $0x10, s28;
	v2 =	vld [tilespmem:s30+$0x0]  }
0xd3: {  	s29 =	sadd.s32 $0x10, s29;
	v1 =	vld [tilespmem:s28+$0x0]  }
0xd4: {  	_ =	sdelay $0x1  }
0xd5: {  	v3 =	vmov s26  }
0xd6: {  	v3 =	vshll.u32 v3, $0x7;
	v2 =	vshrl.u32 v2, $0x8  }
0xd7: {  	v3 =	vor.u32 v0, v3;
	v2 =	vand.u32 $0x60, v2;
	v1 =	vshrl.u32 v1, $0x8  }
0xd8: {  	v1 =	vand.u32 $0x60, v1;
	v2 =	vor.u32 v3, v2  }
0xd9: {  	v1 =	vor.u32 v3, v1  }
0xda: {  	v3 =	vor.u32 $0x1, v2  }
0xdb: {  	v4 =	vor.u32 $0x1, v1  }
0xdc: {  	v5 =	vor.u32 $0x2, v2  }
0xdd: {  	v7 =	vor.u32 $0x2, v1;
	v6 =	vld.idx.msk [tilespmem:v2+s13+$0x0], $0xffff  }
0xde: {  	v9 =	vor.u32 $0x3, v2;
	v8 =	vld.idx.msk [tilespmem:v1+s15+$0x0], $0xffff  }
0xdf: {  	v10 =	vor.u32 $0x3, v1;
	v3 =	vld.idx.msk [tilespmem:v3+s13+$0x0], $0xffff  }
0xe0: {  	v11 =	vor.u32 $0x4, v2;
	v4 =	vld.idx.msk [tilespmem:v4+s15+$0x0], $0xffff  }
0xe1: {  	v12 =	vor.u32 $0x4, v1;
	v5 =	vld.idx.msk [tilespmem:v5+s13+$0x0], $0xffff  }
0xe2: {  	v13 =	vor.u32 $0x5, v2;
	v7 =	vld.idx.msk [tilespmem:v7+s15+$0x0], $0xffff  }
0xe3: {  	v14 =	vor.u32 $0x5, v1;
	v9 =	vld.idx.msk [tilespmem:v9+s13+$0x0], $0xffff;
	v6 =	vmul.f32 v8, v6  }
0xe4: {  	v21 =	vor.u32 $0x6, v2;
	v20 =	vld.idx.msk [tilespmem:v10+s15+$0x0], $0xffff  }
0xe5: {  	v15 =	vor.u32 $0x6, v1;
	v11 =	vld.idx.msk [tilespmem:v11+s13+$0x0], $0xffff;
	v3 =	vmul.f32 v4, v3;
	v6 =	vadd.f32 $0.0e+00, v6  }
0xe6: {  	v23 =	vor.u32 $0x7, v2;
	v22 =	vld.idx.msk [tilespmem:v12+s15+$0x0], $0xffff  }
0xe7: {  	v16 =	vor.u32 $0x7, v1;
	v13 =	vld.idx.msk [tilespmem:v13+s13+$0x0], $0xffff;
	v5 =	vmul.f32 v7, v5;
	v3 =	vadd.f32 v3, v6  }
0xe8: {  	v26 =	vor.u32 $0x8, v1;
	v24 =	vld.idx.msk [tilespmem:v14+s15+$0x0], $0xffff  }
0xe9: {  	v25 =	vor.u32 $0x8, v2;
	v10 =	vld.idx.msk [tilespmem:v21+s13+$0x0], $0xffff;
	v27 =	vmul.f32 v20, v9;
	v3 =	vadd.f32 v5, v3  }
0xea: {  	v30 =	vor.u32 $0x9, v1;
	v28 =	vld.idx.msk [tilespmem:v15+s15+$0x0], $0xffff  }
0xeb: {  	v29 =	vor.u32 $0x9, v2;
	v12 =	vld.idx.msk [tilespmem:v23+s13+$0x0], $0xffff;
	v4 =	vmul.f32 v22, v11;
	v3 =	vadd.f32 v27, v3  }
0xec: {  	v33 =	vor.u32 $0xA, v1;
	v31 =	vld.idx.msk [tilespmem:v16+s15+$0x0], $0xffff  }
0xed: {  	v32 =	vor.u32 $0xA, v2;
	v35 =	vld.idx.msk [tilespmem:v26+s15+$0x0], $0xffff;
	v34 =	vmul.f32 v24, v13;
	v3 =	vadd.f32 v4, v3  }
0xee: {  	v37 =	vor.u32 $0xB, v1;
	v7 =	vld.idx.msk [tilespmem:v25+s13+$0x0], $0xffff  }
0xef: {  	v36 =	vor.u32 $0xB, v2;
	v39 =	vld.idx.msk [tilespmem:v30+s15+$0x0], $0xffff;
	v38 =	vmul.f32 v28, v10;
	v3 =	vadd.f32 v34, v3  }
0xf0: {  	v41 =	vor.u32 $0xC, v1;
	v9 =	vld.idx.msk [tilespmem:v29+s13+$0x0], $0xffff  }
0xf1: {  	v40 =	vor.u32 $0xC, v2;
	v43 =	vld.idx.msk [tilespmem:v33+s15+$0x0], $0xffff;
	v42 =	vmul.f32 v31, v12;
	v3 =	vadd.f32 v38, v3  }
0xf2: {  	v45 =	vor.u32 $0xD, v1;
	v11 =	vld.idx.msk [tilespmem:v32+s13+$0x0], $0xffff  }
0xf3: {  	v44 =	vor.u32 $0xD, v2;
	v47 =	vld.idx.msk [tilespmem:v37+s15+$0x0], $0xffff;
	v46 =	vmul.f32 v35, v7;
	v3 =	vadd.f32 v42, v3  }
0xf4: {  	v49 =	vor.u32 $0xE, v1;
	v13 =	vld.idx.msk [tilespmem:v36+s13+$0x0], $0xffff  }
0xf5: {  	v48 =	vor.u32 $0xE, v2;
	v51 =	vld.idx.msk [tilespmem:v41+s15+$0x0], $0xffff;
	v50 =	vmul.f32 v39, v9;
	v3 =	vadd.f32 v46, v3  }
0xf6: {  	v53 =	vor.u32 $0xF, v1;
	v10 =	vld.idx.msk [tilespmem:v40+s13+$0x0], $0xffff  }
0xf7: {  	v52 =	vor.u32 $0xF, v2;
	v55 =	vld.idx.msk [tilespmem:v45+s15+$0x0], $0xffff;
	v54 =	vmul.f32 v43, v11;
	v3 =	vadd.f32 v50, v3  }
0xf8: {  	v57 =	vor.u32 $0x10, v1;
	v12 =	vld.idx.msk [tilespmem:v44+s13+$0x0], $0xffff  }
0xf9: {  	v56 =	vor.u32 $0x10, v2;
	v59 =	vld.idx.msk [tilespmem:v49+s15+$0x0], $0xffff;
	v58 =	vmul.f32 v47, v13;
	v3 =	vadd.f32 v54, v3  }
0xfa: {  	v60 =	vor.u32 $0x11, v2;
	v7 =	vld.idx.msk [tilespmem:v48+s13+$0x0], $0xffff  }
0xfb: {  	v61 =	vor.u32 $0x11, v1;
	v63 =	vld.idx.msk [tilespmem:v53+s15+$0x0], $0xffff;
	v62 =	vmul.f32 v51, v10;
	v3 =	vadd.f32 v58, v3  }
0xfc: {  	v21 =	vor.u32 $0x12, v1;
	v9 =	vld.idx.msk [tilespmem:v52+s13+$0x0], $0xffff  }
0xfd: {  	v23 =	vld.idx.msk [tilespmem:v57+s15+$0x0], $0xffff;
	v20 =	vor.u32 $0x12, v2;
	v22 =	vmul.f32 v55, v12;
	v3 =	vadd.f32 v62, v3  }
0xfe: {  	v24 =	vor.u32 $0x13, v2;
	v11 =	vld.idx.msk [tilespmem:v56+s13+$0x0], $0xffff  }
0xff: {  	v25 =	vor.u32 $0x13, v1;
	v13 =	vld.idx.msk [tilespmem:v60+s13+$0x0], $0xffff;
	v26 =	vmul.f32 v59, v7;
	v3 =	vadd.f32 v22, v3  }
0x100: {  	v29 =	vor.u32 $0x14, v1;
	v27 =	vld.idx.msk [tilespmem:v61+s15+$0x0], $0xffff  }
0x101: {  	v28 =	vor.u32 $0x14, v2;
	v31 =	vld.idx.msk [tilespmem:v21+s15+$0x0], $0xffff;
	v30 =	vmul.f32 v63, v9;
	v3 =	vadd.f32 v26, v3  }
0x102: {  	v33 =	vor.u32 $0x15, v1;
	v10 =	vld.idx.msk [tilespmem:v20+s13+$0x0], $0xffff  }
0x103: {  	v32 =	vor.u32 $0x15, v2;
	v12 =	vld.idx.msk [tilespmem:v24+s13+$0x0], $0xffff;
	v34 =	vmul.f32 v23, v11;
	v3 =	vadd.f32 v30, v3  }
0x104: {  	v37 =	vor.u32 $0x16, v1;
	v35 =	vld.idx.msk [tilespmem:v25+s15+$0x0], $0xffff  }
0x105: {  	v36 =	vor.u32 $0x16, v2;
	v39 =	vld.idx.msk [tilespmem:v29+s15+$0x0], $0xffff;
	v38 =	vmul.f32 v27, v13;
	v3 =	vadd.f32 v34, v3  }
0x106: {  	v41 =	vor.u32 $0x17, v1;
	v7 =	vld.idx.msk [tilespmem:v28+s13+$0x0], $0xffff  }
0x107: {  	v40 =	vor.u32 $0x17, v2;
	v43 =	vld.idx.msk [tilespmem:v33+s15+$0x0], $0xffff;
	v42 =	vmul.f32 v31, v10;
	v3 =	vadd.f32 v38, v3  }
0x108: {  	v45 =	vor.u32 $0x18, v1;
	v9 =	vld.idx.msk [tilespmem:v32+s13+$0x0], $0xffff  }
0x109: {  	v44 =	vor.u32 $0x18, v2;
	v47 =	vld.idx.msk [tilespmem:v37+s15+$0x0], $0xffff;
	v46 =	vmul.f32 v35, v12;
	v3 =	vadd.f32 v42, v3  }
0x10a: {  	v49 =	vor.u32 $0x19, v1;
	v11 =	vld.idx.msk [tilespmem:v36+s13+$0x0], $0xffff  }
0x10b: {  	v48 =	vor.u32 $0x19, v2;
	v51 =	vld.idx.msk [tilespmem:v41+s15+$0x0], $0xffff;
	v50 =	vmul.f32 v39, v7;
	v3 =	vadd.f32 v46, v3  }
0x10c: {  	v53 =	vor.u32 $0x1A, v1;
	v13 =	vld.idx.msk [tilespmem:v40+s13+$0x0], $0xffff  }
0x10d: {  	v52 =	vor.u32 $0x1A, v2;
	v55 =	vld.idx.msk [tilespmem:v45+s15+$0x0], $0xffff;
	v54 =	vmul.f32 v43, v9;
	v3 =	vadd.f32 v50, v3  }
0x10e: {  	v57 =	vor.u32 $0x1B, v1;
	v10 =	vld.idx.msk [tilespmem:v44+s13+$0x0], $0xffff  }
0x10f: {  	v56 =	vor.u32 $0x1B, v2;
	v59 =	vld.idx.msk [tilespmem:v49+s15+$0x0], $0xffff;
	v58 =	vmul.f32 v47, v11;
	v3 =	vadd.f32 v54, v3  }
0x110: {  	v61 =	vor.u32 $0x1C, v1;
	v12 =	vld.idx.msk [tilespmem:v48+s13+$0x0], $0xffff  }
0x111: {  	v60 =	vor.u32 $0x1C, v2;
	v63 =	vld.idx.msk [tilespmem:v53+s15+$0x0], $0xffff;
	v62 =	vmul.f32 v51, v13;
	v3 =	vadd.f32 v58, v3  }
0x112: {  	v19 =	vor.u32 $0x1D, v1;
	v7 =	vld.idx.msk [tilespmem:v52+s13+$0x0], $0xffff  }
0x113: {  	v18 =	vor.u32 $0x1D, v2;
	v21 =	vld.idx.msk [tilespmem:v57+s15+$0x0], $0xffff;
	v20 =	vmul.f32 v55, v10;
	v3 =	vadd.f32 v62, v3  }
0x114: {  	v23 =	vor.u32 $0x1E, v1;
	v9 =	vld.idx.msk [tilespmem:v56+s13+$0x0], $0xffff  }
0x115: {  	v25 =	vld.idx.msk [tilespmem:v61+s15+$0x0], $0xffff;
	v24 =	vmul.f32 v59, v12;
	v22 =	vor.u32 $0x1E, v2;
	v3 =	vadd.f32 v20, v3  }
0x116: {  	v1 =	vor.u32 $0x1F, v1;
	v11 =	vld.idx.msk [tilespmem:v60+s13+$0x0], $0xffff  }
0x117: {  	v28 =	vld.idx.msk [tilespmem:v19+s15+$0x0], $0xffff;
	v27 =	vmul.f32 v63, v7;
	v2 =	vor.u32 $0x1F, v2;
	v3 =	vadd.f32 v24, v3  }
0x118: {  	v26 =	vld.idx.msk [tilespmem:v18+s13+$0x0], $0xffff  }
0x119: {  	v31 =	vld.idx.msk [tilespmem:v23+s15+$0x0], $0xffff;
	v30 =	vmul.f32 v21, v9;
	v3 =	vadd.f32 v27, v3  }
0x11a: {  	v29 =	vld.idx.msk [tilespmem:v22+s13+$0x0], $0xffff  }
0x11b: {  	v1 =	vld.idx.msk [tilespmem:v1+s15+$0x0], $0xffff;
	v32 =	vmul.f32 v25, v11;
	v3 =	vadd.f32 v30, v3  }
0x11c: {  	v2 =	vld.idx.msk [tilespmem:v2+s13+$0x0], $0xffff  }
0x11d: {  	v33 =	vmul.f32 v28, v26;
	v3 =	vadd.f32 v32, v3;
	_ =	sdelay $0x1  }
0x11e: {  	v34 =	vmul.f32 v31, v29;
	v3 =	vadd.f32 v33, v3;
	_ =	sdelay $0x1  }
0x11f: {  	v1 =	vmul.f32 v1, v2;
	v3 =	vadd.f32 v34, v3;
	_ =	sdelay $0x1  }
0x120: {  	v1 =	vadd.f32 v1, v3  }
0x121: {  	s25 =	sadd.s32 $0x10, s25  }
0x122: {  	s26 =	simm.s32 $0x80;
	[tilespmem:s25+$0x0] =	vst v1  }
0x123: {  	[tilespmem:s13], [sflag:$0x1] =	stream.indirect.gather [hbm4b:s3+s26], $0x80, s17, s26, $0xb8;
	[tilespmem:$0x8A00] =	vst v63  }
0x124: {  	_ = 	snop  }
0x125: {  	[tilespmem:s15], [sflag:$0x1] =	stream.indirect.gather [hbm4b:s4+s26], $0x80, s18, s26, $0xb8;
	[tilespmem:$0x8A00] =	vst v63  }
0x126: {  	_ =	swait.ge [sflag:s16], $0x4000  }
0x127: {  	[sflag:s16] =	ssyncset.done $0x0  }
0x128: {  	[sflag:s16] =	ssyncadd.s32 $0xFFFFC000  }
0x129: {  	_ =	swait.ge [sflag:s16], $0x4000  }
0x12a: {  	[sflag:s16] =	ssyncset.done $0x0  }
0x12b: {  	[sflag:s16] =	ssyncadd.s32 $0xFFFFC000  }
0x12c: {  	s31 =	simm.s32 $0x280;
	v1 =	vld [tilespmem:s26+$0x0]  }
0x12d: {  	v2 =	vld [tilespmem:s31+$0x0];
	_ =	sdelay $0x1  }
0x12e: {  	s31 =	simm.s32 $0x0  }
0x12f: {  	v3 =	vmov s31  }
0x130: {  	v3 =	vshll.u32 v3, $0x7;
	v1 =	vshrl.u32 v1, $0x8  }
0x131: {  	v3 =	vor.u32 v0, v3;
	v2 =	vshrl.u32 v2, $0x8;
	v1 =	vand.u32 $0x60, v1  }
0x132: {  	v35 =	vand.u32 $0x60, v2;
	v2 =	vor.u32 v3, v1  }
0x133: {  	v1 =	vor.u32 v3, v35  }
0x134: {  	v3 =	vor.u32 $0x1, v2  }
0x135: {  	v4 =	vor.u32 $0x1, v1  }
0x136: {  	v36 =	vor.u32 $0x2, v2  }
0x137: {  	v38 =	vor.u32 $0x2, v1;
	v37 =	vld.idx.msk [tilespmem:v2+s13+$0x0], $0xffff  }
0x138: {  	v40 =	vor.u32 $0x3, v2;
	v39 =	vld.idx.msk [tilespmem:v1+s15+$0x0], $0xffff  }
0x139: {  	v41 =	vor.u32 $0x3, v1;
	v3 =	vld.idx.msk [tilespmem:v3+s13+$0x0], $0xffff  }
0x13a: {  	v42 =	vor.u32 $0x4, v2;
	v4 =	vld.idx.msk [tilespmem:v4+s15+$0x0], $0xffff  }
0x13b: {  	v43 =	vor.u32 $0x4, v1;
	v5 =	vld.idx.msk [tilespmem:v36+s13+$0x0], $0xffff  }
0x13c: {  	v44 =	vor.u32 $0x5, v2;
	v7 =	vld.idx.msk [tilespmem:v38+s15+$0x0], $0xffff  }
0x13d: {  	v45 =	vor.u32 $0x5, v1;
	v9 =	vld.idx.msk [tilespmem:v40+s13+$0x0], $0xffff;
	v6 =	vmul.f32 v39, v37  }
0x13e: {  	v47 =	vor.u32 $0x6, v2;
	v46 =	vld.idx.msk [tilespmem:v41+s15+$0x0], $0xffff  }
0x13f: {  	v48 =	vor.u32 $0x6, v1;
	v11 =	vld.idx.msk [tilespmem:v42+s13+$0x0], $0xffff;
	v3 =	vmul.f32 v4, v3;
	v6 =	vadd.f32 $0.0e+00, v6  }
0x140: {  	v50 =	vor.u32 $0x7, v2;
	v49 =	vld.idx.msk [tilespmem:v43+s15+$0x0], $0xffff  }
0x141: {  	v51 =	vor.u32 $0x7, v1;
	v13 =	vld.idx.msk [tilespmem:v44+s13+$0x0], $0xffff;
	v5 =	vmul.f32 v7, v5;
	v3 =	vadd.f32 v3, v6  }
0x142: {  	v54 =	vor.u32 $0x8, v1;
	v52 =	vld.idx.msk [tilespmem:v45+s15+$0x0], $0xffff  }
0x143: {  	v53 =	vor.u32 $0x8, v2;
	v10 =	vld.idx.msk [tilespmem:v47+s13+$0x0], $0xffff;
	v55 =	vmul.f32 v46, v9;
	v3 =	vadd.f32 v5, v3  }
0x144: {  	v58 =	vor.u32 $0x9, v1;
	v56 =	vld.idx.msk [tilespmem:v48+s15+$0x0], $0xffff  }
0x145: {  	v57 =	vor.u32 $0x9, v2;
	v12 =	vld.idx.msk [tilespmem:v50+s13+$0x0], $0xffff;
	v4 =	vmul.f32 v49, v11;
	v3 =	vadd.f32 v55, v3  }
0x146: {  	v61 =	vor.u32 $0xA, v1;
	v59 =	vld.idx.msk [tilespmem:v51+s15+$0x0], $0xffff  }
0x147: {  	v60 =	vor.u32 $0xA, v2;
	v63 =	vld.idx.msk [tilespmem:v54+s15+$0x0], $0xffff;
	v62 =	vmul.f32 v52, v13;
	v3 =	vadd.f32 v4, v3  }
0x148: {  	v20 =	vor.u32 $0xB, v1;
	v7 =	vld.idx.msk [tilespmem:v53+s13+$0x0], $0xffff  }
0x149: {  	v19 =	vor.u32 $0xB, v2;
	v22 =	vld.idx.msk [tilespmem:v58+s15+$0x0], $0xffff;
	v21 =	vmul.f32 v56, v10;
	v3 =	vadd.f32 v62, v3  }
0x14a: {  	v24 =	vor.u32 $0xC, v1;
	v9 =	vld.idx.msk [tilespmem:v57+s13+$0x0], $0xffff  }
0x14b: {  	v23 =	vor.u32 $0xC, v2;
	v26 =	vld.idx.msk [tilespmem:v61+s15+$0x0], $0xffff;
	v25 =	vmul.f32 v59, v12;
	v3 =	vadd.f32 v21, v3  }
0x14c: {  	v28 =	vor.u32 $0xD, v1;
	v11 =	vld.idx.msk [tilespmem:v60+s13+$0x0], $0xffff  }
0x14d: {  	v27 =	vor.u32 $0xD, v2;
	v30 =	vld.idx.msk [tilespmem:v20+s15+$0x0], $0xffff;
	v29 =	vmul.f32 v63, v7;
	v3 =	vadd.f32 v25, v3  }
0x14e: {  	v32 =	vor.u32 $0xE, v1;
	v13 =	vld.idx.msk [tilespmem:v19+s13+$0x0], $0xffff  }
0x14f: {  	v31 =	vor.u32 $0xE, v2;
	v34 =	vld.idx.msk [tilespmem:v24+s15+$0x0], $0xffff;
	v33 =	vmul.f32 v22, v9;
	v3 =	vadd.f32 v29, v3  }
0x150: {  	v36 =	vor.u32 $0xF, v1;
	v10 =	vld.idx.msk [tilespmem:v23+s13+$0x0], $0xffff  }
0x151: {  	v35 =	vor.u32 $0xF, v2;
	v38 =	vld.idx.msk [tilespmem:v28+s15+$0x0], $0xffff;
	v37 =	vmul.f32 v26, v11;
	v3 =	vadd.f32 v33, v3  }
0x152: {  	v40 =	vor.u32 $0x10, v1;
	v12 =	vld.idx.msk [tilespmem:v27+s13+$0x0], $0xffff  }
0x153: {  	v42 =	vld.idx.msk [tilespmem:v32+s15+$0x0], $0xffff;
	v39 =	vor.u32 $0x10, v2;
	v41 =	vmul.f32 v30, v13;
	v3 =	vadd.f32 v37, v3  }
0x154: {  	v44 =	vor.u32 $0x11, v1;
	v7 =	vld.idx.msk [tilespmem:v31+s13+$0x0], $0xffff  }
0x155: {  	v43 =	vor.u32 $0x11, v2;
	v46 =	vld.idx.msk [tilespmem:v36+s15+$0x0], $0xffff;
	v45 =	vmul.f32 v34, v10;
	v3 =	vadd.f32 v41, v3  }
0x156: {  	v48 =	vor.u32 $0x12, v1;
	v9 =	vld.idx.msk [tilespmem:v35+s13+$0x0], $0xffff  }
0x157: {  	v47 =	vor.u32 $0x12, v2;
	v50 =	vld.idx.msk [tilespmem:v40+s15+$0x0], $0xffff;
	v49 =	vmul.f32 v38, v12;
	v3 =	vadd.f32 v45, v3  }
0x158: {  	v51 =	vor.u32 $0x13, v2;
	v11 =	vld.idx.msk [tilespmem:v39+s13+$0x0], $0xffff  }
0x159: {  	v52 =	vor.u32 $0x13, v1;
	v54 =	vld.idx.msk [tilespmem:v44+s15+$0x0], $0xffff;
	v53 =	vmul.f32 v42, v7;
	v3 =	vadd.f32 v49, v3  }
0x15a: {  	v56 =	vor.u32 $0x14, v1;
	v13 =	vld.idx.msk [tilespmem:v43+s13+$0x0], $0xffff  }
0x15b: {  	v58 =	vld.idx.msk [tilespmem:v48+s15+$0x0], $0xffff;
	v55 =	vor.u32 $0x14, v2;
	v57 =	vmul.f32 v46, v9;
	v3 =	vadd.f32 v53, v3  }
0x15c: {  	v60 =	vor.u32 $0x15, v1;
	v10 =	vld.idx.msk [tilespmem:v47+s13+$0x0], $0xffff  }
0x15d: {  	v59 =	vor.u32 $0x15, v2;
	v12 =	vld.idx.msk [tilespmem:v51+s13+$0x0], $0xffff;
	v61 =	vmul.f32 v50, v11;
	v3 =	vadd.f32 v57, v3  }
0x15e: {  	v20 =	vor.u32 $0x16, v1;
	v62 =	vld.idx.msk [tilespmem:v52+s15+$0x0], $0xffff  }
0x15f: {  	v63 =	vor.u32 $0x16, v2;
	v22 =	vld.idx.msk [tilespmem:v56+s15+$0x0], $0xffff;
	v21 =	vmul.f32 v54, v13;
	v3 =	vadd.f32 v61, v3  }
0x160: {  	v24 =	vor.u32 $0x17, v1;
	v7 =	vld.idx.msk [tilespmem:v55+s13+$0x0], $0xffff  }
0x161: {  	v23 =	vor.u32 $0x17, v2;
	v26 =	vld.idx.msk [tilespmem:v60+s15+$0x0], $0xffff;
	v25 =	vmul.f32 v58, v10;
	v3 =	vadd.f32 v21, v3  }
0x162: {  	v28 =	vor.u32 $0x18, v1;
	v9 =	vld.idx.msk [tilespmem:v59+s13+$0x0], $0xffff  }
0x163: {  	v27 =	vor.u32 $0x18, v2;
	v30 =	vld.idx.msk [tilespmem:v20+s15+$0x0], $0xffff;
	v29 =	vmul.f32 v62, v12;
	v3 =	vadd.f32 v25, v3  }
0x164: {  	v32 =	vor.u32 $0x19, v1;
	v11 =	vld.idx.msk [tilespmem:v63+s13+$0x0], $0xffff  }
0x165: {  	v31 =	vor.u32 $0x19, v2;
	v34 =	vld.idx.msk [tilespmem:v24+s15+$0x0], $0xffff;
	v33 =	vmul.f32 v22, v7;
	v3 =	vadd.f32 v29, v3  }
0x166: {  	v36 =	vor.u32 $0x1A, v1;
	v13 =	vld.idx.msk [tilespmem:v23+s13+$0x0], $0xffff  }
0x167: {  	v35 =	vor.u32 $0x1A, v2;
	v38 =	vld.idx.msk [tilespmem:v28+s15+$0x0], $0xffff;
	v37 =	vmul.f32 v26, v9;
	v3 =	vadd.f32 v33, v3  }
0x168: {  	v40 =	vor.u32 $0x1B, v1;
	v10 =	vld.idx.msk [tilespmem:v27+s13+$0x0], $0xffff  }
0x169: {  	v39 =	vor.u32 $0x1B, v2;
	v42 =	vld.idx.msk [tilespmem:v32+s15+$0x0], $0xffff;
	v41 =	vmul.f32 v30, v11;
	v3 =	vadd.f32 v37, v3  }
0x16a: {  	v44 =	vor.u32 $0x1C, v1;
	v12 =	vld.idx.msk [tilespmem:v31+s13+$0x0], $0xffff  }
0x16b: {  	v43 =	vor.u32 $0x1C, v2;
	v46 =	vld.idx.msk [tilespmem:v36+s15+$0x0], $0xffff;
	v45 =	vmul.f32 v34, v13;
	v3 =	vadd.f32 v41, v3  }
0x16c: {  	v47 =	vor.u32 $0x1D, v2;
	v7 =	vld.idx.msk [tilespmem:v35+s13+$0x0], $0xffff  }
0x16d: {  	v48 =	vor.u32 $0x1D, v1;
	v50 =	vld.idx.msk [tilespmem:v40+s15+$0x0], $0xffff;
	v49 =	vmul.f32 v38, v10;
	v3 =	vadd.f32 v45, v3  }
0x16e: {  	v51 =	vor.u32 $0x1E, v2;
	v9 =	vld.idx.msk [tilespmem:v39+s13+$0x0], $0xffff  }
0x16f: {  	v52 =	vor.u32 $0x1E, v1;
	v54 =	vld.idx.msk [tilespmem:v44+s15+$0x0], $0xffff;
	v53 =	vmul.f32 v42, v12;
	v3 =	vadd.f32 v49, v3  }
0x170: {  	v2 =	vor.u32 $0x1F, v2;
	v11 =	vld.idx.msk [tilespmem:v43+s13+$0x0], $0xffff  }
0x171: {  	v1 =	vor.u32 $0x1F, v1;
	v55 =	vld.idx.msk [tilespmem:v47+s13+$0x0], $0xffff;
	v56 =	vmul.f32 v46, v7;
	v3 =	vadd.f32 v53, v3  }
0x172: {  	v57 =	vld.idx.msk [tilespmem:v48+s15+$0x0], $0xffff  }
0x173: {  	v58 =	vld.idx.msk [tilespmem:v51+s13+$0x0], $0xffff;
	v59 =	vmul.f32 v50, v9;
	v3 =	vadd.f32 v56, v3  }
0x174: {  	v60 =	vld.idx.msk [tilespmem:v52+s15+$0x0], $0xffff  }
0x175: {  	v2 =	vld.idx.msk [tilespmem:v2+s13+$0x0], $0xffff;
	v61 =	vmul.f32 v54, v11;
	v3 =	vadd.f32 v59, v3  }
0x176: {  	v1 =	vld.idx.msk [tilespmem:v1+s15+$0x0], $0xffff  }
0x177: {  	v62 =	vmul.f32 v57, v55;
	v3 =	vadd.f32 v61, v3;
	_ =	sdelay $0x1  }
0x178: {  	v63 =	vmul.f32 v60, v58;
	v3 =	vadd.f32 v62, v3;
	_ =	sdelay $0x1  }
0x179: {  	v1 =	vmul.f32 v1, v2;
	v3 =	vadd.f32 v63, v3;
	_ =	sdelay $0x1  }
0x17a: {  	v1 =	vadd.f32 v1, v3  }
0x17b: {  	s25 =	simm.s32 $0x8880  }
0x17c: {  	s26 =	simm.s32 $0x90;
	[tilespmem:s25+$0x0] =	vst v1  }
0x17d: {  	s28 =	simm.s32 $0x290;
	v2 =	vld [tilespmem:s26+$0x0]  }
0x17e: {  	s29 =	simm.s32 $0x10;
	s30 =	simm.s32 $0x20;
	v1 =	vld [tilespmem:s28+$0x0]  }
.LBB2_6:
0x17f: {  	p0 =	sne.s32 s30, $0x70;
	_ =	sdelay $0x1  }
0x180: {  	v3 =	vmov s29;
	s29 =	smov.u32 s30  }
0x181: {  	v3 =	vshll.u32 v3, $0x7;
	v2 =	vshrl.u32 v2, $0x8  }
0x182: {  	v3 =	vor.u32 v0, v3;
	v2 =	vand.u32 $0x60, v2;
	v1 =	vshrl.u32 v1, $0x8  }
0x183: {  	v1 =	vand.u32 $0x60, v1;
	v2 =	vor.u32 v3, v2  }
0x184: {  	v1 =	vor.u32 v3, v1  }
0x185: {  	v3 =	vor.u32 $0x1, v2  }
0x186: {  	v4 =	vor.u32 $0x1, v1  }
0x187: {  	v5 =	vor.u32 $0x2, v2  }
0x188: {  	v7 =	vor.u32 $0x2, v1;
	v6 =	vld.idx.msk [tilespmem:v2+s13+$0x0], $0xffff  }
0x189: {  	v9 =	vor.u32 $0x3, v2;
	v8 =	vld.idx.msk [tilespmem:v1+s15+$0x0], $0xffff  }
0x18a: {  	v10 =	vor.u32 $0x3, v1;
	v3 =	vld.idx.msk [tilespmem:v3+s13+$0x0], $0xffff  }
0x18b: {  	v11 =	vor.u32 $0x4, v2;
	v4 =	vld.idx.msk [tilespmem:v4+s15+$0x0], $0xffff  }
0x18c: {  	v12 =	vor.u32 $0x4, v1;
	v5 =	vld.idx.msk [tilespmem:v5+s13+$0x0], $0xffff  }
0x18d: {  	v13 =	vor.u32 $0x5, v2;
	v7 =	vld.idx.msk [tilespmem:v7+s15+$0x0], $0xffff  }
0x18e: {  	v14 =	vor.u32 $0x5, v1;
	v9 =	vld.idx.msk [tilespmem:v9+s13+$0x0], $0xffff  }
0x18f: {  	v6 =	vmul.f32 v8, v6;
	v8 =	vld.idx.msk [tilespmem:v10+s15+$0x0], $0xffff;
	v10 =	vor.u32 $0x6, v2  }
0x190: {  	v15 =	vor.u32 $0x6, v1;
	v11 =	vld.idx.msk [tilespmem:v11+s13+$0x0], $0xffff  }
0x191: {  	v6 =	vadd.f32 $0.0e+00, v6;
	v3 =	vmul.f32 v4, v3;
	v4 =	vld.idx.msk [tilespmem:v12+s15+$0x0], $0xffff;
	v12 =	vor.u32 $0x7, v2  }
0x192: {  	v16 =	vor.u32 $0x7, v1;
	v13 =	vld.idx.msk [tilespmem:v13+s13+$0x0], $0xffff  }
0x193: {  	v3 =	vadd.f32 v3, v6;
	v5 =	vmul.f32 v7, v5;
	v7 =	vor.u32 $0x8, v2;
	v6 =	vld.idx.msk [tilespmem:v14+s15+$0x0], $0xffff  }
0x194: {  	v14 =	vor.u32 $0x8, v1;
	v10 =	vld.idx.msk [tilespmem:v10+s13+$0x0], $0xffff  }
0x195: {  	v3 =	vadd.f32 v5, v3;
	v5 =	vmul.f32 v8, v9;
	v9 =	vor.u32 $0x9, v2;
	v8 =	vld.idx.msk [tilespmem:v15+s15+$0x0], $0xffff  }
0x196: {  	v15 =	vor.u32 $0x9, v1;
	v12 =	vld.idx.msk [tilespmem:v12+s13+$0x0], $0xffff  }
0x197: {  	v3 =	vadd.f32 v5, v3;
	v4 =	vmul.f32 v4, v11;
	v11 =	vor.u32 $0xA, v2;
	v5 =	vld.idx.msk [tilespmem:v16+s15+$0x0], $0xffff  }
0x198: {  	v16 =	vor.u32 $0xA, v1;
	v7 =	vld.idx.msk [tilespmem:v7+s13+$0x0], $0xffff  }
0x199: {  	v3 =	vadd.f32 v4, v3;
	v4 =	vmul.f32 v6, v13;
	v13 =	vor.u32 $0xB, v2;
	v6 =	vld.idx.msk [tilespmem:v14+s15+$0x0], $0xffff  }
0x19a: {  	v14 =	vor.u32 $0xB, v1;
	v9 =	vld.idx.msk [tilespmem:v9+s13+$0x0], $0xffff  }
0x19b: {  	v3 =	vadd.f32 v4, v3;
	v4 =	vmul.f32 v8, v10;
	v10 =	vor.u32 $0xC, v2;
	v8 =	vld.idx.msk [tilespmem:v15+s15+$0x0], $0xffff  }
0x19c: {  	v15 =	vor.u32 $0xC, v1;
	v11 =	vld.idx.msk [tilespmem:v11+s13+$0x0], $0xffff  }
0x19d: {  	v3 =	vadd.f32 v4, v3;
	v4 =	vmul.f32 v5, v12;
	v12 =	vor.u32 $0xD, v2;
	v5 =	vld.idx.msk [tilespmem:v16+s15+$0x0], $0xffff  }
0x19e: {  	v16 =	vor.u32 $0xD, v1;
	v13 =	vld.idx.msk [tilespmem:v13+s13+$0x0], $0xffff  }
0x19f: {  	v3 =	vadd.f32 v4, v3;
	v4 =	vmul.f32 v6, v7;
	v7 =	vor.u32 $0xE, v2;
	v6 =	vld.idx.msk [tilespmem:v14+s15+$0x0], $0xffff  }
0x1a0: {  	v14 =	vor.u32 $0xE, v1;
	v10 =	vld.idx.msk [tilespmem:v10+s13+$0x0], $0xffff  }
0x1a1: {  	v3 =	vadd.f32 v4, v3;
	v4 =	vmul.f32 v8, v9;
	v9 =	vor.u32 $0xF, v2;
	v8 =	vld.idx.msk [tilespmem:v15+s15+$0x0], $0xffff  }
0x1a2: {  	v15 =	vor.u32 $0xF, v1;
	v12 =	vld.idx.msk [tilespmem:v12+s13+$0x0], $0xffff  }
0x1a3: {  	v3 =	vadd.f32 v4, v3;
	v4 =	vmul.f32 v5, v11;
	v11 =	vor.u32 $0x10, v2;
	v5 =	vld.idx.msk [tilespmem:v16+s15+$0x0], $0xffff  }
0x1a4: {  	v16 =	vor.u32 $0x10, v1;
	v7 =	vld.idx.msk [tilespmem:v7+s13+$0x0], $0xffff  }
0x1a5: {  	v3 =	vadd.f32 v4, v3;
	v4 =	vmul.f32 v6, v13;
	v13 =	vor.u32 $0x11, v2;
	v6 =	vld.idx.msk [tilespmem:v14+s15+$0x0], $0xffff  }
0x1a6: {  	v14 =	vor.u32 $0x11, v1;
	v9 =	vld.idx.msk [tilespmem:v9+s13+$0x0], $0xffff  }
0x1a7: {  	v3 =	vadd.f32 v4, v3;
	v4 =	vmul.f32 v8, v10;
	v10 =	vor.u32 $0x12, v2;
	v8 =	vld.idx.msk [tilespmem:v15+s15+$0x0], $0xffff  }
0x1a8: {  	v15 =	vor.u32 $0x12, v1;
	v11 =	vld.idx.msk [tilespmem:v11+s13+$0x0], $0xffff  }
0x1a9: {  	v3 =	vadd.f32 v4, v3;
	v4 =	vmul.f32 v5, v12;
	v12 =	vor.u32 $0x13, v2;
	v5 =	vld.idx.msk [tilespmem:v16+s15+$0x0], $0xffff  }
0x1aa: {  	v16 =	vor.u32 $0x13, v1;
	v13 =	vld.idx.msk [tilespmem:v13+s13+$0x0], $0xffff  }
0x1ab: {  	v3 =	vadd.f32 v4, v3;
	v4 =	vmul.f32 v6, v7;
	v7 =	vor.u32 $0x14, v2;
	v6 =	vld.idx.msk [tilespmem:v14+s15+$0x0], $0xffff  }
0x1ac: {  	v14 =	vor.u32 $0x14, v1;
	v10 =	vld.idx.msk [tilespmem:v10+s13+$0x0], $0xffff  }
0x1ad: {  	v3 =	vadd.f32 v4, v3;
	v4 =	vmul.f32 v8, v9;
	v9 =	vor.u32 $0x15, v2;
	v8 =	vld.idx.msk [tilespmem:v15+s15+$0x0], $0xffff  }
0x1ae: {  	v15 =	vor.u32 $0x15, v1;
	v12 =	vld.idx.msk [tilespmem:v12+s13+$0x0], $0xffff  }
0x1af: {  	v3 =	vadd.f32 v4, v3;
	v4 =	vmul.f32 v5, v11;
	v11 =	vor.u32 $0x16, v2;
	v5 =	vld.idx.msk [tilespmem:v16+s15+$0x0], $0xffff  }
0x1b0: {  	v16 =	vor.u32 $0x16, v1;
	v7 =	vld.idx.msk [tilespmem:v7+s13+$0x0], $0xffff  }
0x1b1: {  	v3 =	vadd.f32 v4, v3;
	v4 =	vmul.f32 v6, v13;
	v13 =	vor.u32 $0x17, v2;
	v6 =	vld.idx.msk [tilespmem:v14+s15+$0x0], $0xffff  }
0x1b2: {  	v14 =	vor.u32 $0x17, v1;
	v9 =	vld.idx.msk [tilespmem:v9+s13+$0x0], $0xffff  }
0x1b3: {  	v3 =	vadd.f32 v4, v3;
	v4 =	vmul.f32 v8, v10;
	v10 =	vor.u32 $0x18, v2;
	v8 =	vld.idx.msk [tilespmem:v15+s15+$0x0], $0xffff  }
0x1b4: {  	v15 =	vor.u32 $0x18, v1;
	v11 =	vld.idx.msk [tilespmem:v11+s13+$0x0], $0xffff  }
0x1b5: {  	v3 =	vadd.f32 v4, v3;
	v4 =	vmul.f32 v5, v12;
	v12 =	vor.u32 $0x19, v2;
	v5 =	vld.idx.msk [tilespmem:v16+s15+$0x0], $0xffff  }
0x1b6: {  	v16 =	vor.u32 $0x19, v1;
	v13 =	vld.idx.msk [tilespmem:v13+s13+$0x0], $0xffff  }
0x1b7: {  	v3 =	vadd.f32 v4, v3;
	v4 =	vmul.f32 v6, v7;
	v7 =	vor.u32 $0x1A, v2;
	v6 =	vld.idx.msk [tilespmem:v14+s15+$0x0], $0xffff  }
0x1b8: {  	v14 =	vor.u32 $0x1A, v1;
	v10 =	vld.idx.msk [tilespmem:v10+s13+$0x0], $0xffff  }
0x1b9: {  	v3 =	vadd.f32 v4, v3;
	v4 =	vmul.f32 v8, v9;
	v9 =	vor.u32 $0x1B, v2;
	v8 =	vld.idx.msk [tilespmem:v15+s15+$0x0], $0xffff  }
0x1ba: {  	v15 =	vor.u32 $0x1B, v1;
	v12 =	vld.idx.msk [tilespmem:v12+s13+$0x0], $0xffff  }
0x1bb: {  	v3 =	vadd.f32 v4, v3;
	v4 =	vmul.f32 v5, v11;
	v11 =	vor.u32 $0x1C, v2;
	v5 =	vld.idx.msk [tilespmem:v16+s15+$0x0], $0xffff  }
0x1bc: {  	v16 =	vor.u32 $0x1C, v1;
	v7 =	vld.idx.msk [tilespmem:v7+s13+$0x0], $0xffff  }
0x1bd: {  	v3 =	vadd.f32 v4, v3;
	v4 =	vmul.f32 v6, v13;
	v13 =	vor.u32 $0x1D, v2;
	v6 =	vld.idx.msk [tilespmem:v14+s15+$0x0], $0xffff  }
0x1be: {  	v14 =	vor.u32 $0x1D, v1;
	v9 =	vld.idx.msk [tilespmem:v9+s13+$0x0], $0xffff  }
0x1bf: {  	v3 =	vadd.f32 v4, v3;
	v4 =	vmul.f32 v8, v10;
	v10 =	vor.u32 $0x1E, v2;
	v8 =	vld.idx.msk [tilespmem:v15+s15+$0x0], $0xffff  }
0x1c0: {  	v15 =	vor.u32 $0x1E, v1;
	v11 =	vld.idx.msk [tilespmem:v11+s13+$0x0], $0xffff  }
0x1c1: {  	v2 =	vor.u32 $0x1F, v2;
	v3 =	vadd.f32 v4, v3;
	v4 =	vmul.f32 v5, v12;
	v5 =	vld.idx.msk [tilespmem:v16+s15+$0x0], $0xffff  }
0x1c2: {  	v1 =	vor.u32 $0x1F, v1;
	v12 =	vld.idx.msk [tilespmem:v13+s13+$0x0], $0xffff  }
0x1c3: {  	v3 =	vadd.f32 v4, v3;
	v4 =	vmul.f32 v6, v7;
	v6 =	vld.idx.msk [tilespmem:v14+s15+$0x0], $0xffff  }
0x1c4: {  	v7 =	vld.idx.msk [tilespmem:v10+s13+$0x0], $0xffff  }
0x1c5: {  	v3 =	vadd.f32 v4, v3;
	v4 =	vmul.f32 v8, v9;
	v8 =	vld.idx.msk [tilespmem:v15+s15+$0x0], $0xffff  }
0x1c6: {  	v2 =	vld.idx.msk [tilespmem:v2+s13+$0x0], $0xffff  }
0x1c7: {  	v3 =	vadd.f32 v4, v3;
	v4 =	vmul.f32 v5, v11;
	v1 =	vld.idx.msk [tilespmem:v1+s15+$0x0], $0xffff;
	_ =	sdelay $0x1  }
0x1c8: {  	v3 =	vadd.f32 v4, v3;
	v4 =	vmul.f32 v6, v12;
	_ =	sdelay $0x1  }
0x1c9: {  	v3 =	vadd.f32 v4, v3;
	v4 =	vmul.f32 v8, v7;
	_ =	sdelay $0x1  }
0x1ca: {  	v3 =	vadd.f32 v4, v3;
	v1 =	vmul.f32 v1, v2;
	_ =	sdelay $0x1  }
.Ltmp2:
0x1cb: {  	v1 =	vadd.f32 v1, v3;
	(pc) =	sbr.rel @p0 .LBB2_6-.Ltmp2, $4  }
0x1cc: {  	s25 =	sadd.s32 $0x10, s25  }
0x1cd: {  	s26 =	sadd.s32 $0x10, s26;
	[tilespmem:s25+$0x0] =	vst v1  }
0x1ce: {  	s28 =	sadd.s32 $0x10, s28;
	v2 =	vld [tilespmem:s26+$0x0]  }
0x1cf: {  	s30 =	sadd.s32 $0x10, s30;
	v1 =	vld [tilespmem:s28+$0x0]  }
0x1d0: {  	_ =	sdelay $0x1  }
0x1d1: {  	v3 =	vmov s29  }
0x1d2: {  	v3 =	vshll.u32 v3, $0x7;
	v2 =	vshrl.u32 v2, $0x8  }
0x1d3: {  	v3 =	vor.u32 v0, v3;
	v2 =	vand.u32 $0x60, v2;
	v1 =	vshrl.u32 v1, $0x8  }
0x1d4: {  	v1 =	vand.u32 $0x60, v1;
	v2 =	vor.u32 v3, v2  }
0x1d5: {  	v1 =	vor.u32 v3, v1  }
0x1d6: {  	v3 =	vor.u32 $0x1, v2  }
0x1d7: {  	v4 =	vor.u32 $0x1, v1  }
0x1d8: {  	v5 =	vor.u32 $0x2, v2  }
0x1d9: {  	v7 =	vor.u32 $0x2, v1;
	v6 =	vld.idx.msk [tilespmem:v2+s13+$0x0], $0xffff  }
0x1da: {  	v9 =	vor.u32 $0x3, v2;
	v8 =	vld.idx.msk [tilespmem:v1+s15+$0x0], $0xffff  }
0x1db: {  	v10 =	vor.u32 $0x3, v1;
	v3 =	vld.idx.msk [tilespmem:v3+s13+$0x0], $0xffff  }
0x1dc: {  	v11 =	vor.u32 $0x4, v2;
	v4 =	vld.idx.msk [tilespmem:v4+s15+$0x0], $0xffff  }
0x1dd: {  	v12 =	vor.u32 $0x4, v1;
	v5 =	vld.idx.msk [tilespmem:v5+s13+$0x0], $0xffff  }
0x1de: {  	v13 =	vor.u32 $0x5, v2;
	v7 =	vld.idx.msk [tilespmem:v7+s15+$0x0], $0xffff  }
0x1df: {  	v14 =	vor.u32 $0x5, v1;
	v9 =	vld.idx.msk [tilespmem:v9+s13+$0x0], $0xffff;
	v6 =	vmul.f32 v8, v6  }
0x1e0: {  	v21 =	vor.u32 $0x6, v2;
	v20 =	vld.idx.msk [tilespmem:v10+s15+$0x0], $0xffff  }
0x1e1: {  	v15 =	vor.u32 $0x6, v1;
	v11 =	vld.idx.msk [tilespmem:v11+s13+$0x0], $0xffff;
	v3 =	vmul.f32 v4, v3;
	v6 =	vadd.f32 $0.0e+00, v6  }
0x1e2: {  	v23 =	vor.u32 $0x7, v2;
	v22 =	vld.idx.msk [tilespmem:v12+s15+$0x0], $0xffff  }
0x1e3: {  	v16 =	vor.u32 $0x7, v1;
	v13 =	vld.idx.msk [tilespmem:v13+s13+$0x0], $0xffff;
	v5 =	vmul.f32 v7, v5;
	v3 =	vadd.f32 v3, v6  }
0x1e4: {  	v26 =	vor.u32 $0x8, v1;
	v24 =	vld.idx.msk [tilespmem:v14+s15+$0x0], $0xffff  }
0x1e5: {  	v25 =	vor.u32 $0x8, v2;
	v10 =	vld.idx.msk [tilespmem:v21+s13+$0x0], $0xffff;
	v27 =	vmul.f32 v20, v9;
	v3 =	vadd.f32 v5, v3  }
0x1e6: {  	v30 =	vor.u32 $0x9, v1;
	v28 =	vld.idx.msk [tilespmem:v15+s15+$0x0], $0xffff  }
0x1e7: {  	v29 =	vor.u32 $0x9, v2;
	v12 =	vld.idx.msk [tilespmem:v23+s13+$0x0], $0xffff;
	v4 =	vmul.f32 v22, v11;
	v3 =	vadd.f32 v27, v3  }
0x1e8: {  	v33 =	vor.u32 $0xA, v1;
	v31 =	vld.idx.msk [tilespmem:v16+s15+$0x0], $0xffff  }
0x1e9: {  	v32 =	vor.u32 $0xA, v2;
	v35 =	vld.idx.msk [tilespmem:v26+s15+$0x0], $0xffff;
	v34 =	vmul.f32 v24, v13;
	v3 =	vadd.f32 v4, v3  }
0x1ea: {  	v37 =	vor.u32 $0xB, v1;
	v7 =	vld.idx.msk [tilespmem:v25+s13+$0x0], $0xffff  }
0x1eb: {  	v36 =	vor.u32 $0xB, v2;
	v39 =	vld.idx.msk [tilespmem:v30+s15+$0x0], $0xffff;
	v38 =	vmul.f32 v28, v10;
	v3 =	vadd.f32 v34, v3  }
0x1ec: {  	v41 =	vor.u32 $0xC, v1;
	v9 =	vld.idx.msk [tilespmem:v29+s13+$0x0], $0xffff  }
0x1ed: {  	v40 =	vor.u32 $0xC, v2;
	v43 =	vld.idx.msk [tilespmem:v33+s15+$0x0], $0xffff;
	v42 =	vmul.f32 v31, v12;
	v3 =	vadd.f32 v38, v3  }
0x1ee: {  	v45 =	vor.u32 $0xD, v1;
	v11 =	vld.idx.msk [tilespmem:v32+s13+$0x0], $0xffff  }
0x1ef: {  	v44 =	vor.u32 $0xD, v2;
	v47 =	vld.idx.msk [tilespmem:v37+s15+$0x0], $0xffff;
	v46 =	vmul.f32 v35, v7;
	v3 =	vadd.f32 v42, v3  }
0x1f0: {  	v49 =	vor.u32 $0xE, v1;
	v13 =	vld.idx.msk [tilespmem:v36+s13+$0x0], $0xffff  }
0x1f1: {  	v48 =	vor.u32 $0xE, v2;
	v51 =	vld.idx.msk [tilespmem:v41+s15+$0x0], $0xffff;
	v50 =	vmul.f32 v39, v9;
	v3 =	vadd.f32 v46, v3  }
0x1f2: {  	v53 =	vor.u32 $0xF, v1;
	v10 =	vld.idx.msk [tilespmem:v40+s13+$0x0], $0xffff  }
0x1f3: {  	v52 =	vor.u32 $0xF, v2;
	v55 =	vld.idx.msk [tilespmem:v45+s15+$0x0], $0xffff;
	v54 =	vmul.f32 v43, v11;
	v3 =	vadd.f32 v50, v3  }
0x1f4: {  	v57 =	vor.u32 $0x10, v1;
	v12 =	vld.idx.msk [tilespmem:v44+s13+$0x0], $0xffff  }
0x1f5: {  	v56 =	vor.u32 $0x10, v2;
	v59 =	vld.idx.msk [tilespmem:v49+s15+$0x0], $0xffff;
	v58 =	vmul.f32 v47, v13;
	v3 =	vadd.f32 v54, v3  }
0x1f6: {  	v60 =	vor.u32 $0x11, v2;
	v7 =	vld.idx.msk [tilespmem:v48+s13+$0x0], $0xffff  }
0x1f7: {  	v61 =	vor.u32 $0x11, v1;
	v63 =	vld.idx.msk [tilespmem:v53+s15+$0x0], $0xffff;
	v62 =	vmul.f32 v51, v10;
	v3 =	vadd.f32 v58, v3  }
0x1f8: {  	v21 =	vor.u32 $0x12, v1;
	v9 =	vld.idx.msk [tilespmem:v52+s13+$0x0], $0xffff  }
0x1f9: {  	v23 =	vld.idx.msk [tilespmem:v57+s15+$0x0], $0xffff;
	v20 =	vor.u32 $0x12, v2;
	v22 =	vmul.f32 v55, v12;
	v3 =	vadd.f32 v62, v3  }
0x1fa: {  	v24 =	vor.u32 $0x13, v2;
	v11 =	vld.idx.msk [tilespmem:v56+s13+$0x0], $0xffff  }
0x1fb: {  	v25 =	vor.u32 $0x13, v1;
	v13 =	vld.idx.msk [tilespmem:v60+s13+$0x0], $0xffff;
	v26 =	vmul.f32 v59, v7;
	v3 =	vadd.f32 v22, v3  }
0x1fc: {  	v29 =	vor.u32 $0x14, v1;
	v27 =	vld.idx.msk [tilespmem:v61+s15+$0x0], $0xffff  }
0x1fd: {  	v28 =	vor.u32 $0x14, v2;
	v31 =	vld.idx.msk [tilespmem:v21+s15+$0x0], $0xffff;
	v30 =	vmul.f32 v63, v9;
	v3 =	vadd.f32 v26, v3  }
0x1fe: {  	v33 =	vor.u32 $0x15, v1;
	v10 =	vld.idx.msk [tilespmem:v20+s13+$0x0], $0xffff  }
0x1ff: {  	v32 =	vor.u32 $0x15, v2;
	v12 =	vld.idx.msk [tilespmem:v24+s13+$0x0], $0xffff;
	v34 =	vmul.f32 v23, v11;
	v3 =	vadd.f32 v30, v3  }
0x200: {  	v37 =	vor.u32 $0x16, v1;
	v35 =	vld.idx.msk [tilespmem:v25+s15+$0x0], $0xffff  }
0x201: {  	v36 =	vor.u32 $0x16, v2;
	v39 =	vld.idx.msk [tilespmem:v29+s15+$0x0], $0xffff;
	v38 =	vmul.f32 v27, v13;
	v3 =	vadd.f32 v34, v3  }
0x202: {  	v41 =	vor.u32 $0x17, v1;
	v7 =	vld.idx.msk [tilespmem:v28+s13+$0x0], $0xffff  }
0x203: {  	v40 =	vor.u32 $0x17, v2;
	v43 =	vld.idx.msk [tilespmem:v33+s15+$0x0], $0xffff;
	v42 =	vmul.f32 v31, v10;
	v3 =	vadd.f32 v38, v3  }
0x204: {  	v45 =	vor.u32 $0x18, v1;
	v9 =	vld.idx.msk [tilespmem:v32+s13+$0x0], $0xffff  }
0x205: {  	v44 =	vor.u32 $0x18, v2;
	v47 =	vld.idx.msk [tilespmem:v37+s15+$0x0], $0xffff;
	v46 =	vmul.f32 v35, v12;
	v3 =	vadd.f32 v42, v3  }
0x206: {  	v49 =	vor.u32 $0x19, v1;
	v11 =	vld.idx.msk [tilespmem:v36+s13+$0x0], $0xffff  }
0x207: {  	v48 =	vor.u32 $0x19, v2;
	v51 =	vld.idx.msk [tilespmem:v41+s15+$0x0], $0xffff;
	v50 =	vmul.f32 v39, v7;
	v3 =	vadd.f32 v46, v3  }
0x208: {  	v53 =	vor.u32 $0x1A, v1;
	v13 =	vld.idx.msk [tilespmem:v40+s13+$0x0], $0xffff  }
0x209: {  	v52 =	vor.u32 $0x1A, v2;
	v55 =	vld.idx.msk [tilespmem:v45+s15+$0x0], $0xffff;
	v54 =	vmul.f32 v43, v9;
	v3 =	vadd.f32 v50, v3  }
0x20a: {  	v57 =	vor.u32 $0x1B, v1;
	v10 =	vld.idx.msk [tilespmem:v44+s13+$0x0], $0xffff  }
0x20b: {  	v56 =	vor.u32 $0x1B, v2;
	v59 =	vld.idx.msk [tilespmem:v49+s15+$0x0], $0xffff;
	v58 =	vmul.f32 v47, v11;
	v3 =	vadd.f32 v54, v3  }
0x20c: {  	v61 =	vor.u32 $0x1C, v1;
	v12 =	vld.idx.msk [tilespmem:v48+s13+$0x0], $0xffff  }
0x20d: {  	v60 =	vor.u32 $0x1C, v2;
	v63 =	vld.idx.msk [tilespmem:v53+s15+$0x0], $0xffff;
	v62 =	vmul.f32 v51, v13;
	v3 =	vadd.f32 v58, v3  }
0x20e: {  	v19 =	vor.u32 $0x1D, v1;
	v7 =	vld.idx.msk [tilespmem:v52+s13+$0x0], $0xffff  }
0x20f: {  	v18 =	vor.u32 $0x1D, v2;
	v21 =	vld.idx.msk [tilespmem:v57+s15+$0x0], $0xffff;
	v20 =	vmul.f32 v55, v10;
	v3 =	vadd.f32 v62, v3  }
0x210: {  	v23 =	vor.u32 $0x1E, v1;
	v9 =	vld.idx.msk [tilespmem:v56+s13+$0x0], $0xffff  }
0x211: {  	v25 =	vld.idx.msk [tilespmem:v61+s15+$0x0], $0xffff;
	v24 =	vmul.f32 v59, v12;
	v22 =	vor.u32 $0x1E, v2;
	v3 =	vadd.f32 v20, v3  }
0x212: {  	v1 =	vor.u32 $0x1F, v1;
	v11 =	vld.idx.msk [tilespmem:v60+s13+$0x0], $0xffff  }
0x213: {  	v28 =	vld.idx.msk [tilespmem:v19+s15+$0x0], $0xffff;
	v27 =	vmul.f32 v63, v7;
	v2 =	vor.u32 $0x1F, v2;
	v3 =	vadd.f32 v24, v3  }
0x214: {  	v26 =	vld.idx.msk [tilespmem:v18+s13+$0x0], $0xffff  }
0x215: {  	v31 =	vld.idx.msk [tilespmem:v23+s15+$0x0], $0xffff;
	v30 =	vmul.f32 v21, v9;
	v3 =	vadd.f32 v27, v3  }
0x216: {  	v29 =	vld.idx.msk [tilespmem:v22+s13+$0x0], $0xffff  }
0x217: {  	v1 =	vld.idx.msk [tilespmem:v1+s15+$0x0], $0xffff;
	v32 =	vmul.f32 v25, v11;
	v3 =	vadd.f32 v30, v3  }
0x218: {  	v2 =	vld.idx.msk [tilespmem:v2+s13+$0x0], $0xffff  }
0x219: {  	v33 =	vmul.f32 v28, v26;
	v3 =	vadd.f32 v32, v3;
	_ =	sdelay $0x1  }
0x21a: {  	v34 =	vmul.f32 v31, v29;
	v3 =	vadd.f32 v33, v3;
	_ =	sdelay $0x1  }
0x21b: {  	v1 =	vmul.f32 v1, v2;
	v3 =	vadd.f32 v34, v3;
	_ =	sdelay $0x1  }
0x21c: {  	v1 =	vadd.f32 v1, v3  }
0x21d: {  	s25 =	sadd.s32 $0x10, s25  }
0x21e: {  	[tilespmem:s25+$0x0] =	vst v1  }
0x21f: {  	[tilespmem:s13], [sflag:$0x1] =	stream.indirect.gather [hbm4b:s3+s11], $0x80, s19, s11, $0xb8;
	[tilespmem:$0x8A00] =	vst v63  }
0x220: {  	_ = 	snop  }
0x221: {  	[tilespmem:s15], [sflag:$0x1] =	stream.indirect.gather [hbm4b:s4+s11], $0x80, s20, s11, $0xb8;
	[tilespmem:$0x8A00] =	vst v63  }
0x222: {  	_ =	swait.ge [sflag:s16], $0x4000  }
0x223: {  	[sflag:s16] =	ssyncset.done $0x0  }
0x224: {  	[sflag:s16] =	ssyncadd.s32 $0xFFFFC000  }
0x225: {  	_ =	swait.ge [sflag:s16], $0x4000  }
0x226: {  	[sflag:s16] =	ssyncset.done $0x0  }
0x227: {  	s31 =	simm.s32 $0x100;
	[sflag:s16] =	ssyncadd.s32 $0xFFFFC000  }
0x228: {  	s26 =	simm.s32 $0x300;
	v1 =	vld [tilespmem:s31+$0x0]  }
0x229: {  	v2 =	vld [tilespmem:s26+$0x0];
	_ =	sdelay $0x1  }
0x22a: {  	s31 =	simm.s32 $0x0  }
0x22b: {  	v3 =	vmov s31  }
0x22c: {  	v3 =	vshll.u32 v3, $0x7;
	v1 =	vshrl.u32 v1, $0x8  }
0x22d: {  	v3 =	vor.u32 v0, v3;
	v2 =	vshrl.u32 v2, $0x8;
	v1 =	vand.u32 $0x60, v1  }
0x22e: {  	v35 =	vand.u32 $0x60, v2;
	v2 =	vor.u32 v3, v1  }
0x22f: {  	v1 =	vor.u32 v3, v35  }
0x230: {  	v3 =	vor.u32 $0x1, v2  }
0x231: {  	v4 =	vor.u32 $0x1, v1  }
0x232: {  	v36 =	vor.u32 $0x2, v2  }
0x233: {  	v38 =	vor.u32 $0x2, v1;
	v37 =	vld.idx.msk [tilespmem:v2+s13+$0x0], $0xffff  }
0x234: {  	v40 =	vor.u32 $0x3, v2;
	v39 =	vld.idx.msk [tilespmem:v1+s15+$0x0], $0xffff  }
0x235: {  	v41 =	vor.u32 $0x3, v1;
	v3 =	vld.idx.msk [tilespmem:v3+s13+$0x0], $0xffff  }
0x236: {  	v42 =	vor.u32 $0x4, v2;
	v4 =	vld.idx.msk [tilespmem:v4+s15+$0x0], $0xffff  }
0x237: {  	v43 =	vor.u32 $0x4, v1;
	v5 =	vld.idx.msk [tilespmem:v36+s13+$0x0], $0xffff  }
0x238: {  	v44 =	vor.u32 $0x5, v2;
	v7 =	vld.idx.msk [tilespmem:v38+s15+$0x0], $0xffff  }
0x239: {  	v45 =	vor.u32 $0x5, v1;
	v9 =	vld.idx.msk [tilespmem:v40+s13+$0x0], $0xffff;
	v6 =	vmul.f32 v39, v37  }
0x23a: {  	v47 =	vor.u32 $0x6, v2;
	v46 =	vld.idx.msk [tilespmem:v41+s15+$0x0], $0xffff  }
0x23b: {  	v48 =	vor.u32 $0x6, v1;
	v11 =	vld.idx.msk [tilespmem:v42+s13+$0x0], $0xffff;
	v3 =	vmul.f32 v4, v3;
	v6 =	vadd.f32 $0.0e+00, v6  }
0x23c: {  	v50 =	vor.u32 $0x7, v2;
	v49 =	vld.idx.msk [tilespmem:v43+s15+$0x0], $0xffff  }
0x23d: {  	v51 =	vor.u32 $0x7, v1;
	v13 =	vld.idx.msk [tilespmem:v44+s13+$0x0], $0xffff;
	v5 =	vmul.f32 v7, v5;
	v3 =	vadd.f32 v3, v6  }
0x23e: {  	v54 =	vor.u32 $0x8, v1;
	v52 =	vld.idx.msk [tilespmem:v45+s15+$0x0], $0xffff  }
0x23f: {  	v53 =	vor.u32 $0x8, v2;
	v10 =	vld.idx.msk [tilespmem:v47+s13+$0x0], $0xffff;
	v55 =	vmul.f32 v46, v9;
	v3 =	vadd.f32 v5, v3  }
0x240: {  	v58 =	vor.u32 $0x9, v1;
	v56 =	vld.idx.msk [tilespmem:v48+s15+$0x0], $0xffff  }
0x241: {  	v57 =	vor.u32 $0x9, v2;
	v12 =	vld.idx.msk [tilespmem:v50+s13+$0x0], $0xffff;
	v4 =	vmul.f32 v49, v11;
	v3 =	vadd.f32 v55, v3  }
0x242: {  	v61 =	vor.u32 $0xA, v1;
	v59 =	vld.idx.msk [tilespmem:v51+s15+$0x0], $0xffff  }
0x243: {  	v60 =	vor.u32 $0xA, v2;
	v63 =	vld.idx.msk [tilespmem:v54+s15+$0x0], $0xffff;
	v62 =	vmul.f32 v52, v13;
	v3 =	vadd.f32 v4, v3  }
0x244: {  	v20 =	vor.u32 $0xB, v1;
	v7 =	vld.idx.msk [tilespmem:v53+s13+$0x0], $0xffff  }
0x245: {  	v19 =	vor.u32 $0xB, v2;
	v22 =	vld.idx.msk [tilespmem:v58+s15+$0x0], $0xffff;
	v21 =	vmul.f32 v56, v10;
	v3 =	vadd.f32 v62, v3  }
0x246: {  	v24 =	vor.u32 $0xC, v1;
	v9 =	vld.idx.msk [tilespmem:v57+s13+$0x0], $0xffff  }
0x247: {  	v23 =	vor.u32 $0xC, v2;
	v26 =	vld.idx.msk [tilespmem:v61+s15+$0x0], $0xffff;
	v25 =	vmul.f32 v59, v12;
	v3 =	vadd.f32 v21, v3  }
0x248: {  	v28 =	vor.u32 $0xD, v1;
	v11 =	vld.idx.msk [tilespmem:v60+s13+$0x0], $0xffff  }
0x249: {  	v27 =	vor.u32 $0xD, v2;
	v30 =	vld.idx.msk [tilespmem:v20+s15+$0x0], $0xffff;
	v29 =	vmul.f32 v63, v7;
	v3 =	vadd.f32 v25, v3  }
0x24a: {  	v32 =	vor.u32 $0xE, v1;
	v13 =	vld.idx.msk [tilespmem:v19+s13+$0x0], $0xffff  }
0x24b: {  	v31 =	vor.u32 $0xE, v2;
	v34 =	vld.idx.msk [tilespmem:v24+s15+$0x0], $0xffff;
	v33 =	vmul.f32 v22, v9;
	v3 =	vadd.f32 v29, v3  }
0x24c: {  	v36 =	vor.u32 $0xF, v1;
	v10 =	vld.idx.msk [tilespmem:v23+s13+$0x0], $0xffff  }
0x24d: {  	v35 =	vor.u32 $0xF, v2;
	v38 =	vld.idx.msk [tilespmem:v28+s15+$0x0], $0xffff;
	v37 =	vmul.f32 v26, v11;
	v3 =	vadd.f32 v33, v3  }
0x24e: {  	v40 =	vor.u32 $0x10, v1;
	v12 =	vld.idx.msk [tilespmem:v27+s13+$0x0], $0xffff  }
0x24f: {  	v42 =	vld.idx.msk [tilespmem:v32+s15+$0x0], $0xffff;
	v39 =	vor.u32 $0x10, v2;
	v41 =	vmul.f32 v30, v13;
	v3 =	vadd.f32 v37, v3  }
0x250: {  	v44 =	vor.u32 $0x11, v1;
	v7 =	vld.idx.msk [tilespmem:v31+s13+$0x0], $0xffff  }
0x251: {  	v43 =	vor.u32 $0x11, v2;
	v46 =	vld.idx.msk [tilespmem:v36+s15+$0x0], $0xffff;
	v45 =	vmul.f32 v34, v10;
	v3 =	vadd.f32 v41, v3  }
0x252: {  	v48 =	vor.u32 $0x12, v1;
	v9 =	vld.idx.msk [tilespmem:v35+s13+$0x0], $0xffff  }
0x253: {  	v47 =	vor.u32 $0x12, v2;
	v50 =	vld.idx.msk [tilespmem:v40+s15+$0x0], $0xffff;
	v49 =	vmul.f32 v38, v12;
	v3 =	vadd.f32 v45, v3  }
0x254: {  	v51 =	vor.u32 $0x13, v2;
	v11 =	vld.idx.msk [tilespmem:v39+s13+$0x0], $0xffff  }
0x255: {  	v52 =	vor.u32 $0x13, v1;
	v54 =	vld.idx.msk [tilespmem:v44+s15+$0x0], $0xffff;
	v53 =	vmul.f32 v42, v7;
	v3 =	vadd.f32 v49, v3  }
0x256: {  	v56 =	vor.u32 $0x14, v1;
	v13 =	vld.idx.msk [tilespmem:v43+s13+$0x0], $0xffff  }
0x257: {  	v58 =	vld.idx.msk [tilespmem:v48+s15+$0x0], $0xffff;
	v55 =	vor.u32 $0x14, v2;
	v57 =	vmul.f32 v46, v9;
	v3 =	vadd.f32 v53, v3  }
0x258: {  	v60 =	vor.u32 $0x15, v1;
	v10 =	vld.idx.msk [tilespmem:v47+s13+$0x0], $0xffff  }
0x259: {  	v59 =	vor.u32 $0x15, v2;
	v12 =	vld.idx.msk [tilespmem:v51+s13+$0x0], $0xffff;
	v61 =	vmul.f32 v50, v11;
	v3 =	vadd.f32 v57, v3  }
0x25a: {  	v20 =	vor.u32 $0x16, v1;
	v62 =	vld.idx.msk [tilespmem:v52+s15+$0x0], $0xffff  }
0x25b: {  	v63 =	vor.u32 $0x16, v2;
	v22 =	vld.idx.msk [tilespmem:v56+s15+$0x0], $0xffff;
	v21 =	vmul.f32 v54, v13;
	v3 =	vadd.f32 v61, v3  }
0x25c: {  	v24 =	vor.u32 $0x17, v1;
	v7 =	vld.idx.msk [tilespmem:v55+s13+$0x0], $0xffff  }
0x25d: {  	v23 =	vor.u32 $0x17, v2;
	v26 =	vld.idx.msk [tilespmem:v60+s15+$0x0], $0xffff;
	v25 =	vmul.f32 v58, v10;
	v3 =	vadd.f32 v21, v3  }
0x25e: {  	v28 =	vor.u32 $0x18, v1;
	v9 =	vld.idx.msk [tilespmem:v59+s13+$0x0], $0xffff  }
0x25f: {  	v27 =	vor.u32 $0x18, v2;
	v30 =	vld.idx.msk [tilespmem:v20+s15+$0x0], $0xffff;
	v29 =	vmul.f32 v62, v12;
	v3 =	vadd.f32 v25, v3  }
0x260: {  	v32 =	vor.u32 $0x19, v1;
	v11 =	vld.idx.msk [tilespmem:v63+s13+$0x0], $0xffff  }
0x261: {  	v31 =	vor.u32 $0x19, v2;
	v34 =	vld.idx.msk [tilespmem:v24+s15+$0x0], $0xffff;
	v33 =	vmul.f32 v22, v7;
	v3 =	vadd.f32 v29, v3  }
0x262: {  	v36 =	vor.u32 $0x1A, v1;
	v13 =	vld.idx.msk [tilespmem:v23+s13+$0x0], $0xffff  }
0x263: {  	v35 =	vor.u32 $0x1A, v2;
	v38 =	vld.idx.msk [tilespmem:v28+s15+$0x0], $0xffff;
	v37 =	vmul.f32 v26, v9;
	v3 =	vadd.f32 v33, v3  }
0x264: {  	v40 =	vor.u32 $0x1B, v1;
	v10 =	vld.idx.msk [tilespmem:v27+s13+$0x0], $0xffff  }
0x265: {  	v39 =	vor.u32 $0x1B, v2;
	v42 =	vld.idx.msk [tilespmem:v32+s15+$0x0], $0xffff;
	v41 =	vmul.f32 v30, v11;
	v3 =	vadd.f32 v37, v3  }
0x266: {  	v44 =	vor.u32 $0x1C, v1;
	v12 =	vld.idx.msk [tilespmem:v31+s13+$0x0], $0xffff  }
0x267: {  	v43 =	vor.u32 $0x1C, v2;
	v46 =	vld.idx.msk [tilespmem:v36+s15+$0x0], $0xffff;
	v45 =	vmul.f32 v34, v13;
	v3 =	vadd.f32 v41, v3  }
0x268: {  	v47 =	vor.u32 $0x1D, v2;
	v7 =	vld.idx.msk [tilespmem:v35+s13+$0x0], $0xffff  }
0x269: {  	v48 =	vor.u32 $0x1D, v1;
	v50 =	vld.idx.msk [tilespmem:v40+s15+$0x0], $0xffff;
	v49 =	vmul.f32 v38, v10;
	v3 =	vadd.f32 v45, v3  }
0x26a: {  	v51 =	vor.u32 $0x1E, v2;
	v9 =	vld.idx.msk [tilespmem:v39+s13+$0x0], $0xffff  }
0x26b: {  	v52 =	vor.u32 $0x1E, v1;
	v54 =	vld.idx.msk [tilespmem:v44+s15+$0x0], $0xffff;
	v53 =	vmul.f32 v42, v12;
	v3 =	vadd.f32 v49, v3  }
0x26c: {  	v2 =	vor.u32 $0x1F, v2;
	v11 =	vld.idx.msk [tilespmem:v43+s13+$0x0], $0xffff  }
0x26d: {  	v1 =	vor.u32 $0x1F, v1;
	v55 =	vld.idx.msk [tilespmem:v47+s13+$0x0], $0xffff;
	v56 =	vmul.f32 v46, v7;
	v3 =	vadd.f32 v53, v3  }
0x26e: {  	v57 =	vld.idx.msk [tilespmem:v48+s15+$0x0], $0xffff  }
0x26f: {  	v58 =	vld.idx.msk [tilespmem:v51+s13+$0x0], $0xffff;
	v59 =	vmul.f32 v50, v9;
	v3 =	vadd.f32 v56, v3  }
0x270: {  	v60 =	vld.idx.msk [tilespmem:v52+s15+$0x0], $0xffff  }
0x271: {  	v2 =	vld.idx.msk [tilespmem:v2+s13+$0x0], $0xffff;
	v61 =	vmul.f32 v54, v11;
	v3 =	vadd.f32 v59, v3  }
0x272: {  	v1 =	vld.idx.msk [tilespmem:v1+s15+$0x0], $0xffff  }
0x273: {  	v62 =	vmul.f32 v57, v55;
	v3 =	vadd.f32 v61, v3;
	_ =	sdelay $0x1  }
0x274: {  	v63 =	vmul.f32 v60, v58;
	v3 =	vadd.f32 v62, v3;
	_ =	sdelay $0x1  }
0x275: {  	v1 =	vmul.f32 v1, v2;
	v3 =	vadd.f32 v63, v3;
	_ =	sdelay $0x1  }
0x276: {  	v1 =	vadd.f32 v1, v3  }
0x277: {  	s25 =	simm.s32 $0x8900  }
0x278: {  	s26 =	simm.s32 $0x110;
	[tilespmem:s25+$0x0] =	vst v1  }
0x279: {  	s28 =	simm.s32 $0x310;
	v2 =	vld [tilespmem:s26+$0x0]  }
0x27a: {  	s29 =	simm.s32 $0x10;
	s30 =	simm.s32 $0x20;
	v1 =	vld [tilespmem:s28+$0x0]  }
.LBB2_8:
0x27b: {  	p0 =	sne.s32 s30, $0x70;
	_ =	sdelay $0x1  }
0x27c: {  	v3 =	vmov s29;
	s29 =	smov.u32 s30  }
0x27d: {  	v3 =	vshll.u32 v3, $0x7;
	v2 =	vshrl.u32 v2, $0x8  }
0x27e: {  	v3 =	vor.u32 v0, v3;
	v2 =	vand.u32 $0x60, v2;
	v1 =	vshrl.u32 v1, $0x8  }
0x27f: {  	v1 =	vand.u32 $0x60, v1;
	v2 =	vor.u32 v3, v2  }
0x280: {  	v1 =	vor.u32 v3, v1  }
0x281: {  	v3 =	vor.u32 $0x1, v2  }
0x282: {  	v4 =	vor.u32 $0x1, v1  }
0x283: {  	v5 =	vor.u32 $0x2, v2  }
0x284: {  	v7 =	vor.u32 $0x2, v1;
	v6 =	vld.idx.msk [tilespmem:v2+s13+$0x0], $0xffff  }
0x285: {  	v9 =	vor.u32 $0x3, v2;
	v8 =	vld.idx.msk [tilespmem:v1+s15+$0x0], $0xffff  }
0x286: {  	v10 =	vor.u32 $0x3, v1;
	v3 =	vld.idx.msk [tilespmem:v3+s13+$0x0], $0xffff  }
0x287: {  	v11 =	vor.u32 $0x4, v2;
	v4 =	vld.idx.msk [tilespmem:v4+s15+$0x0], $0xffff  }
0x288: {  	v12 =	vor.u32 $0x4, v1;
	v5 =	vld.idx.msk [tilespmem:v5+s13+$0x0], $0xffff  }
0x289: {  	v13 =	vor.u32 $0x5, v2;
	v7 =	vld.idx.msk [tilespmem:v7+s15+$0x0], $0xffff  }
0x28a: {  	v14 =	vor.u32 $0x5, v1;
	v9 =	vld.idx.msk [tilespmem:v9+s13+$0x0], $0xffff  }
0x28b: {  	v6 =	vmul.f32 v8, v6;
	v8 =	vld.idx.msk [tilespmem:v10+s15+$0x0], $0xffff;
	v10 =	vor.u32 $0x6, v2  }
0x28c: {  	v15 =	vor.u32 $0x6, v1;
	v11 =	vld.idx.msk [tilespmem:v11+s13+$0x0], $0xffff  }
0x28d: {  	v6 =	vadd.f32 $0.0e+00, v6;
	v3 =	vmul.f32 v4, v3;
	v4 =	vld.idx.msk [tilespmem:v12+s15+$0x0], $0xffff;
	v12 =	vor.u32 $0x7, v2  }
0x28e: {  	v16 =	vor.u32 $0x7, v1;
	v13 =	vld.idx.msk [tilespmem:v13+s13+$0x0], $0xffff  }
0x28f: {  	v3 =	vadd.f32 v3, v6;
	v5 =	vmul.f32 v7, v5;
	v7 =	vor.u32 $0x8, v2;
	v6 =	vld.idx.msk [tilespmem:v14+s15+$0x0], $0xffff  }
0x290: {  	v14 =	vor.u32 $0x8, v1;
	v10 =	vld.idx.msk [tilespmem:v10+s13+$0x0], $0xffff  }
0x291: {  	v3 =	vadd.f32 v5, v3;
	v5 =	vmul.f32 v8, v9;
	v9 =	vor.u32 $0x9, v2;
	v8 =	vld.idx.msk [tilespmem:v15+s15+$0x0], $0xffff  }
0x292: {  	v15 =	vor.u32 $0x9, v1;
	v12 =	vld.idx.msk [tilespmem:v12+s13+$0x0], $0xffff  }
0x293: {  	v3 =	vadd.f32 v5, v3;
	v4 =	vmul.f32 v4, v11;
	v11 =	vor.u32 $0xA, v2;
	v5 =	vld.idx.msk [tilespmem:v16+s15+$0x0], $0xffff  }
0x294: {  	v16 =	vor.u32 $0xA, v1;
	v7 =	vld.idx.msk [tilespmem:v7+s13+$0x0], $0xffff  }
0x295: {  	v3 =	vadd.f32 v4, v3;
	v4 =	vmul.f32 v6, v13;
	v13 =	vor.u32 $0xB, v2;
	v6 =	vld.idx.msk [tilespmem:v14+s15+$0x0], $0xffff  }
0x296: {  	v14 =	vor.u32 $0xB, v1;
	v9 =	vld.idx.msk [tilespmem:v9+s13+$0x0], $0xffff  }
0x297: {  	v3 =	vadd.f32 v4, v3;
	v4 =	vmul.f32 v8, v10;
	v10 =	vor.u32 $0xC, v2;
	v8 =	vld.idx.msk [tilespmem:v15+s15+$0x0], $0xffff  }
0x298: {  	v15 =	vor.u32 $0xC, v1;
	v11 =	vld.idx.msk [tilespmem:v11+s13+$0x0], $0xffff  }
0x299: {  	v3 =	vadd.f32 v4, v3;
	v4 =	vmul.f32 v5, v12;
	v12 =	vor.u32 $0xD, v2;
	v5 =	vld.idx.msk [tilespmem:v16+s15+$0x0], $0xffff  }
0x29a: {  	v16 =	vor.u32 $0xD, v1;
	v13 =	vld.idx.msk [tilespmem:v13+s13+$0x0], $0xffff  }
0x29b: {  	v3 =	vadd.f32 v4, v3;
	v4 =	vmul.f32 v6, v7;
	v7 =	vor.u32 $0xE, v2;
	v6 =	vld.idx.msk [tilespmem:v14+s15+$0x0], $0xffff  }
0x29c: {  	v14 =	vor.u32 $0xE, v1;
	v10 =	vld.idx.msk [tilespmem:v10+s13+$0x0], $0xffff  }
0x29d: {  	v3 =	vadd.f32 v4, v3;
	v4 =	vmul.f32 v8, v9;
	v9 =	vor.u32 $0xF, v2;
	v8 =	vld.idx.msk [tilespmem:v15+s15+$0x0], $0xffff  }
0x29e: {  	v15 =	vor.u32 $0xF, v1;
	v12 =	vld.idx.msk [tilespmem:v12+s13+$0x0], $0xffff  }
0x29f: {  	v3 =	vadd.f32 v4, v3;
	v4 =	vmul.f32 v5, v11;
	v11 =	vor.u32 $0x10, v2;
	v5 =	vld.idx.msk [tilespmem:v16+s15+$0x0], $0xffff  }
0x2a0: {  	v16 =	vor.u32 $0x10, v1;
	v7 =	vld.idx.msk [tilespmem:v7+s13+$0x0], $0xffff  }
0x2a1: {  	v3 =	vadd.f32 v4, v3;
	v4 =	vmul.f32 v6, v13;
	v13 =	vor.u32 $0x11, v2;
	v6 =	vld.idx.msk [tilespmem:v14+s15+$0x0], $0xffff  }
0x2a2: {  	v14 =	vor.u32 $0x11, v1;
	v9 =	vld.idx.msk [tilespmem:v9+s13+$0x0], $0xffff  }
0x2a3: {  	v3 =	vadd.f32 v4, v3;
	v4 =	vmul.f32 v8, v10;
	v10 =	vor.u32 $0x12, v2;
	v8 =	vld.idx.msk [tilespmem:v15+s15+$0x0], $0xffff  }
0x2a4: {  	v15 =	vor.u32 $0x12, v1;
	v11 =	vld.idx.msk [tilespmem:v11+s13+$0x0], $0xffff  }
0x2a5: {  	v3 =	vadd.f32 v4, v3;
	v4 =	vmul.f32 v5, v12;
	v12 =	vor.u32 $0x13, v2;
	v5 =	vld.idx.msk [tilespmem:v16+s15+$0x0], $0xffff  }
0x2a6: {  	v16 =	vor.u32 $0x13, v1;
	v13 =	vld.idx.msk [tilespmem:v13+s13+$0x0], $0xffff  }
0x2a7: {  	v3 =	vadd.f32 v4, v3;
	v4 =	vmul.f32 v6, v7;
	v7 =	vor.u32 $0x14, v2;
	v6 =	vld.idx.msk [tilespmem:v14+s15+$0x0], $0xffff  }
0x2a8: {  	v14 =	vor.u32 $0x14, v1;
	v10 =	vld.idx.msk [tilespmem:v10+s13+$0x0], $0xffff  }
0x2a9: {  	v3 =	vadd.f32 v4, v3;
	v4 =	vmul.f32 v8, v9;
	v9 =	vor.u32 $0x15, v2;
	v8 =	vld.idx.msk [tilespmem:v15+s15+$0x0], $0xffff  }
0x2aa: {  	v15 =	vor.u32 $0x15, v1;
	v12 =	vld.idx.msk [tilespmem:v12+s13+$0x0], $0xffff  }
0x2ab: {  	v3 =	vadd.f32 v4, v3;
	v4 =	vmul.f32 v5, v11;
	v11 =	vor.u32 $0x16, v2;
	v5 =	vld.idx.msk [tilespmem:v16+s15+$0x0], $0xffff  }
0x2ac: {  	v16 =	vor.u32 $0x16, v1;
	v7 =	vld.idx.msk [tilespmem:v7+s13+$0x0], $0xffff  }
0x2ad: {  	v3 =	vadd.f32 v4, v3;
	v4 =	vmul.f32 v6, v13;
	v13 =	vor.u32 $0x17, v2;
	v6 =	vld.idx.msk [tilespmem:v14+s15+$0x0], $0xffff  }
0x2ae: {  	v14 =	vor.u32 $0x17, v1;
	v9 =	vld.idx.msk [tilespmem:v9+s13+$0x0], $0xffff  }
0x2af: {  	v3 =	vadd.f32 v4, v3;
	v4 =	vmul.f32 v8, v10;
	v10 =	vor.u32 $0x18, v2;
	v8 =	vld.idx.msk [tilespmem:v15+s15+$0x0], $0xffff  }
0x2b0: {  	v15 =	vor.u32 $0x18, v1;
	v11 =	vld.idx.msk [tilespmem:v11+s13+$0x0], $0xffff  }
0x2b1: {  	v3 =	vadd.f32 v4, v3;
	v4 =	vmul.f32 v5, v12;
	v12 =	vor.u32 $0x19, v2;
	v5 =	vld.idx.msk [tilespmem:v16+s15+$0x0], $0xffff  }
0x2b2: {  	v16 =	vor.u32 $0x19, v1;
	v13 =	vld.idx.msk [tilespmem:v13+s13+$0x0], $0xffff  }
0x2b3: {  	v3 =	vadd.f32 v4, v3;
	v4 =	vmul.f32 v6, v7;
	v7 =	vor.u32 $0x1A, v2;
	v6 =	vld.idx.msk [tilespmem:v14+s15+$0x0], $0xffff  }
0x2b4: {  	v14 =	vor.u32 $0x1A, v1;
	v10 =	vld.idx.msk [tilespmem:v10+s13+$0x0], $0xffff  }
0x2b5: {  	v3 =	vadd.f32 v4, v3;
	v4 =	vmul.f32 v8, v9;
	v9 =	vor.u32 $0x1B, v2;
	v8 =	vld.idx.msk [tilespmem:v15+s15+$0x0], $0xffff  }
0x2b6: {  	v15 =	vor.u32 $0x1B, v1;
	v12 =	vld.idx.msk [tilespmem:v12+s13+$0x0], $0xffff  }
0x2b7: {  	v3 =	vadd.f32 v4, v3;
	v4 =	vmul.f32 v5, v11;
	v11 =	vor.u32 $0x1C, v2;
	v5 =	vld.idx.msk [tilespmem:v16+s15+$0x0], $0xffff  }
0x2b8: {  	v16 =	vor.u32 $0x1C, v1;
	v7 =	vld.idx.msk [tilespmem:v7+s13+$0x0], $0xffff  }
0x2b9: {  	v3 =	vadd.f32 v4, v3;
	v4 =	vmul.f32 v6, v13;
	v13 =	vor.u32 $0x1D, v2;
	v6 =	vld.idx.msk [tilespmem:v14+s15+$0x0], $0xffff  }
0x2ba: {  	v14 =	vor.u32 $0x1D, v1;
	v9 =	vld.idx.msk [tilespmem:v9+s13+$0x0], $0xffff  }
0x2bb: {  	v3 =	vadd.f32 v4, v3;
	v4 =	vmul.f32 v8, v10;
	v10 =	vor.u32 $0x1E, v2;
	v8 =	vld.idx.msk [tilespmem:v15+s15+$0x0], $0xffff  }
0x2bc: {  	v15 =	vor.u32 $0x1E, v1;
	v11 =	vld.idx.msk [tilespmem:v11+s13+$0x0], $0xffff  }
0x2bd: {  	v2 =	vor.u32 $0x1F, v2;
	v3 =	vadd.f32 v4, v3;
	v4 =	vmul.f32 v5, v12;
	v5 =	vld.idx.msk [tilespmem:v16+s15+$0x0], $0xffff  }
0x2be: {  	v1 =	vor.u32 $0x1F, v1;
	v12 =	vld.idx.msk [tilespmem:v13+s13+$0x0], $0xffff  }
0x2bf: {  	v3 =	vadd.f32 v4, v3;
	v4 =	vmul.f32 v6, v7;
	v6 =	vld.idx.msk [tilespmem:v14+s15+$0x0], $0xffff  }
0x2c0: {  	v7 =	vld.idx.msk [tilespmem:v10+s13+$0x0], $0xffff  }
0x2c1: {  	v3 =	vadd.f32 v4, v3;
	v4 =	vmul.f32 v8, v9;
	v8 =	vld.idx.msk [tilespmem:v15+s15+$0x0], $0xffff  }
0x2c2: {  	v2 =	vld.idx.msk [tilespmem:v2+s13+$0x0], $0xffff  }
0x2c3: {  	v3 =	vadd.f32 v4, v3;
	v4 =	vmul.f32 v5, v11;
	v1 =	vld.idx.msk [tilespmem:v1+s15+$0x0], $0xffff;
	_ =	sdelay $0x1  }
0x2c4: {  	v3 =	vadd.f32 v4, v3;
	v4 =	vmul.f32 v6, v12;
	_ =	sdelay $0x1  }
0x2c5: {  	v3 =	vadd.f32 v4, v3;
	v4 =	vmul.f32 v8, v7;
	_ =	sdelay $0x1  }
0x2c6: {  	v3 =	vadd.f32 v4, v3;
	v1 =	vmul.f32 v1, v2;
	_ =	sdelay $0x1  }
.Ltmp3:
0x2c7: {  	v1 =	vadd.f32 v1, v3;
	(pc) =	sbr.rel @p0 .LBB2_8-.Ltmp3, $4  }
0x2c8: {  	s25 =	sadd.s32 $0x10, s25  }
0x2c9: {  	s26 =	sadd.s32 $0x10, s26;
	[tilespmem:s25+$0x0] =	vst v1  }
0x2ca: {  	s28 =	sadd.s32 $0x10, s28;
	v2 =	vld [tilespmem:s26+$0x0]  }
0x2cb: {  	s30 =	sadd.s32 $0x10, s30;
	v1 =	vld [tilespmem:s28+$0x0]  }
0x2cc: {  	_ =	sdelay $0x1  }
0x2cd: {  	v3 =	vmov s29  }
0x2ce: {  	v3 =	vshll.u32 v3, $0x7;
	v2 =	vshrl.u32 v2, $0x8  }
0x2cf: {  	v3 =	vor.u32 v0, v3;
	v2 =	vand.u32 $0x60, v2;
	v1 =	vshrl.u32 v1, $0x8  }
0x2d0: {  	v1 =	vand.u32 $0x60, v1;
	v2 =	vor.u32 v3, v2  }
0x2d1: {  	v1 =	vor.u32 v3, v1  }
0x2d2: {  	v3 =	vor.u32 $0x1, v2  }
0x2d3: {  	v4 =	vor.u32 $0x1, v1  }
0x2d4: {  	v5 =	vor.u32 $0x2, v2  }
0x2d5: {  	v7 =	vor.u32 $0x2, v1;
	v6 =	vld.idx.msk [tilespmem:v2+s13+$0x0], $0xffff  }
0x2d6: {  	v9 =	vor.u32 $0x3, v2;
	v8 =	vld.idx.msk [tilespmem:v1+s15+$0x0], $0xffff  }
0x2d7: {  	v10 =	vor.u32 $0x3, v1;
	v3 =	vld.idx.msk [tilespmem:v3+s13+$0x0], $0xffff  }
0x2d8: {  	v11 =	vor.u32 $0x4, v2;
	v4 =	vld.idx.msk [tilespmem:v4+s15+$0x0], $0xffff  }
0x2d9: {  	v12 =	vor.u32 $0x4, v1;
	v5 =	vld.idx.msk [tilespmem:v5+s13+$0x0], $0xffff  }
0x2da: {  	v13 =	vor.u32 $0x5, v2;
	v7 =	vld.idx.msk [tilespmem:v7+s15+$0x0], $0xffff  }
0x2db: {  	v14 =	vor.u32 $0x5, v1;
	v9 =	vld.idx.msk [tilespmem:v9+s13+$0x0], $0xffff;
	v6 =	vmul.f32 v8, v6  }
0x2dc: {  	v21 =	vor.u32 $0x6, v2;
	v20 =	vld.idx.msk [tilespmem:v10+s15+$0x0], $0xffff  }
0x2dd: {  	v15 =	vor.u32 $0x6, v1;
	v11 =	vld.idx.msk [tilespmem:v11+s13+$0x0], $0xffff;
	v3 =	vmul.f32 v4, v3;
	v6 =	vadd.f32 $0.0e+00, v6  }
0x2de: {  	v23 =	vor.u32 $0x7, v2;
	v22 =	vld.idx.msk [tilespmem:v12+s15+$0x0], $0xffff  }
0x2df: {  	v16 =	vor.u32 $0x7, v1;
	v13 =	vld.idx.msk [tilespmem:v13+s13+$0x0], $0xffff;
	v5 =	vmul.f32 v7, v5;
	v3 =	vadd.f32 v3, v6  }
0x2e0: {  	v26 =	vor.u32 $0x8, v1;
	v24 =	vld.idx.msk [tilespmem:v14+s15+$0x0], $0xffff  }
0x2e1: {  	v25 =	vor.u32 $0x8, v2;
	v10 =	vld.idx.msk [tilespmem:v21+s13+$0x0], $0xffff;
	v27 =	vmul.f32 v20, v9;
	v3 =	vadd.f32 v5, v3  }
0x2e2: {  	v30 =	vor.u32 $0x9, v1;
	v28 =	vld.idx.msk [tilespmem:v15+s15+$0x0], $0xffff  }
0x2e3: {  	v29 =	vor.u32 $0x9, v2;
	v12 =	vld.idx.msk [tilespmem:v23+s13+$0x0], $0xffff;
	v4 =	vmul.f32 v22, v11;
	v3 =	vadd.f32 v27, v3  }
0x2e4: {  	v33 =	vor.u32 $0xA, v1;
	v31 =	vld.idx.msk [tilespmem:v16+s15+$0x0], $0xffff  }
0x2e5: {  	v32 =	vor.u32 $0xA, v2;
	v35 =	vld.idx.msk [tilespmem:v26+s15+$0x0], $0xffff;
	v34 =	vmul.f32 v24, v13;
	v3 =	vadd.f32 v4, v3  }
0x2e6: {  	v37 =	vor.u32 $0xB, v1;
	v7 =	vld.idx.msk [tilespmem:v25+s13+$0x0], $0xffff  }
0x2e7: {  	v36 =	vor.u32 $0xB, v2;
	v39 =	vld.idx.msk [tilespmem:v30+s15+$0x0], $0xffff;
	v38 =	vmul.f32 v28, v10;
	v3 =	vadd.f32 v34, v3  }
0x2e8: {  	v41 =	vor.u32 $0xC, v1;
	v9 =	vld.idx.msk [tilespmem:v29+s13+$0x0], $0xffff  }
0x2e9: {  	v40 =	vor.u32 $0xC, v2;
	v43 =	vld.idx.msk [tilespmem:v33+s15+$0x0], $0xffff;
	v42 =	vmul.f32 v31, v12;
	v3 =	vadd.f32 v38, v3  }
0x2ea: {  	v45 =	vor.u32 $0xD, v1;
	v11 =	vld.idx.msk [tilespmem:v32+s13+$0x0], $0xffff  }
0x2eb: {  	v44 =	vor.u32 $0xD, v2;
	v47 =	vld.idx.msk [tilespmem:v37+s15+$0x0], $0xffff;
	v46 =	vmul.f32 v35, v7;
	v3 =	vadd.f32 v42, v3  }
0x2ec: {  	v49 =	vor.u32 $0xE, v1;
	v13 =	vld.idx.msk [tilespmem:v36+s13+$0x0], $0xffff  }
0x2ed: {  	v48 =	vor.u32 $0xE, v2;
	v51 =	vld.idx.msk [tilespmem:v41+s15+$0x0], $0xffff;
	v50 =	vmul.f32 v39, v9;
	v3 =	vadd.f32 v46, v3  }
0x2ee: {  	v53 =	vor.u32 $0xF, v1;
	v10 =	vld.idx.msk [tilespmem:v40+s13+$0x0], $0xffff  }
0x2ef: {  	v52 =	vor.u32 $0xF, v2;
	v55 =	vld.idx.msk [tilespmem:v45+s15+$0x0], $0xffff;
	v54 =	vmul.f32 v43, v11;
	v3 =	vadd.f32 v50, v3  }
0x2f0: {  	v57 =	vor.u32 $0x10, v1;
	v12 =	vld.idx.msk [tilespmem:v44+s13+$0x0], $0xffff  }
0x2f1: {  	v56 =	vor.u32 $0x10, v2;
	v59 =	vld.idx.msk [tilespmem:v49+s15+$0x0], $0xffff;
	v58 =	vmul.f32 v47, v13;
	v3 =	vadd.f32 v54, v3  }
0x2f2: {  	v60 =	vor.u32 $0x11, v2;
	v7 =	vld.idx.msk [tilespmem:v48+s13+$0x0], $0xffff  }
0x2f3: {  	v61 =	vor.u32 $0x11, v1;
	v63 =	vld.idx.msk [tilespmem:v53+s15+$0x0], $0xffff;
	v62 =	vmul.f32 v51, v10;
	v3 =	vadd.f32 v58, v3  }
0x2f4: {  	v21 =	vor.u32 $0x12, v1;
	v9 =	vld.idx.msk [tilespmem:v52+s13+$0x0], $0xffff  }
0x2f5: {  	v23 =	vld.idx.msk [tilespmem:v57+s15+$0x0], $0xffff;
	v20 =	vor.u32 $0x12, v2;
	v22 =	vmul.f32 v55, v12;
	v3 =	vadd.f32 v62, v3  }
0x2f6: {  	v24 =	vor.u32 $0x13, v2;
	v11 =	vld.idx.msk [tilespmem:v56+s13+$0x0], $0xffff  }
0x2f7: {  	v25 =	vor.u32 $0x13, v1;
	v13 =	vld.idx.msk [tilespmem:v60+s13+$0x0], $0xffff;
	v26 =	vmul.f32 v59, v7;
	v3 =	vadd.f32 v22, v3  }
0x2f8: {  	v29 =	vor.u32 $0x14, v1;
	v27 =	vld.idx.msk [tilespmem:v61+s15+$0x0], $0xffff  }
0x2f9: {  	v28 =	vor.u32 $0x14, v2;
	v31 =	vld.idx.msk [tilespmem:v21+s15+$0x0], $0xffff;
	v30 =	vmul.f32 v63, v9;
	v3 =	vadd.f32 v26, v3  }
0x2fa: {  	v33 =	vor.u32 $0x15, v1;
	v10 =	vld.idx.msk [tilespmem:v20+s13+$0x0], $0xffff  }
0x2fb: {  	v32 =	vor.u32 $0x15, v2;
	v12 =	vld.idx.msk [tilespmem:v24+s13+$0x0], $0xffff;
	v34 =	vmul.f32 v23, v11;
	v3 =	vadd.f32 v30, v3  }
0x2fc: {  	v37 =	vor.u32 $0x16, v1;
	v35 =	vld.idx.msk [tilespmem:v25+s15+$0x0], $0xffff  }
0x2fd: {  	v36 =	vor.u32 $0x16, v2;
	v39 =	vld.idx.msk [tilespmem:v29+s15+$0x0], $0xffff;
	v38 =	vmul.f32 v27, v13;
	v3 =	vadd.f32 v34, v3  }
0x2fe: {  	v41 =	vor.u32 $0x17, v1;
	v7 =	vld.idx.msk [tilespmem:v28+s13+$0x0], $0xffff  }
0x2ff: {  	v40 =	vor.u32 $0x17, v2;
	v43 =	vld.idx.msk [tilespmem:v33+s15+$0x0], $0xffff;
	v42 =	vmul.f32 v31, v10;
	v3 =	vadd.f32 v38, v3  }
0x300: {  	v45 =	vor.u32 $0x18, v1;
	v9 =	vld.idx.msk [tilespmem:v32+s13+$0x0], $0xffff  }
0x301: {  	v44 =	vor.u32 $0x18, v2;
	v47 =	vld.idx.msk [tilespmem:v37+s15+$0x0], $0xffff;
	v46 =	vmul.f32 v35, v12;
	v3 =	vadd.f32 v42, v3  }
0x302: {  	v49 =	vor.u32 $0x19, v1;
	v11 =	vld.idx.msk [tilespmem:v36+s13+$0x0], $0xffff  }
0x303: {  	v48 =	vor.u32 $0x19, v2;
	v51 =	vld.idx.msk [tilespmem:v41+s15+$0x0], $0xffff;
	v50 =	vmul.f32 v39, v7;
	v3 =	vadd.f32 v46, v3  }
0x304: {  	v53 =	vor.u32 $0x1A, v1;
	v13 =	vld.idx.msk [tilespmem:v40+s13+$0x0], $0xffff  }
0x305: {  	v52 =	vor.u32 $0x1A, v2;
	v55 =	vld.idx.msk [tilespmem:v45+s15+$0x0], $0xffff;
	v54 =	vmul.f32 v43, v9;
	v3 =	vadd.f32 v50, v3  }
0x306: {  	v57 =	vor.u32 $0x1B, v1;
	v10 =	vld.idx.msk [tilespmem:v44+s13+$0x0], $0xffff  }
0x307: {  	v56 =	vor.u32 $0x1B, v2;
	v59 =	vld.idx.msk [tilespmem:v49+s15+$0x0], $0xffff;
	v58 =	vmul.f32 v47, v11;
	v3 =	vadd.f32 v54, v3  }
0x308: {  	v61 =	vor.u32 $0x1C, v1;
	v12 =	vld.idx.msk [tilespmem:v48+s13+$0x0], $0xffff  }
0x309: {  	v60 =	vor.u32 $0x1C, v2;
	v63 =	vld.idx.msk [tilespmem:v53+s15+$0x0], $0xffff;
	v62 =	vmul.f32 v51, v13;
	v3 =	vadd.f32 v58, v3  }
0x30a: {  	v19 =	vor.u32 $0x1D, v1;
	v7 =	vld.idx.msk [tilespmem:v52+s13+$0x0], $0xffff  }
0x30b: {  	v18 =	vor.u32 $0x1D, v2;
	v21 =	vld.idx.msk [tilespmem:v57+s15+$0x0], $0xffff;
	v20 =	vmul.f32 v55, v10;
	v3 =	vadd.f32 v62, v3  }
0x30c: {  	v23 =	vor.u32 $0x1E, v1;
	v9 =	vld.idx.msk [tilespmem:v56+s13+$0x0], $0xffff  }
0x30d: {  	v25 =	vld.idx.msk [tilespmem:v61+s15+$0x0], $0xffff;
	v24 =	vmul.f32 v59, v12;
	v22 =	vor.u32 $0x1E, v2;
	v3 =	vadd.f32 v20, v3  }
0x30e: {  	v1 =	vor.u32 $0x1F, v1;
	v11 =	vld.idx.msk [tilespmem:v60+s13+$0x0], $0xffff  }
0x30f: {  	v28 =	vld.idx.msk [tilespmem:v19+s15+$0x0], $0xffff;
	v27 =	vmul.f32 v63, v7;
	v2 =	vor.u32 $0x1F, v2;
	v3 =	vadd.f32 v24, v3  }
0x310: {  	v26 =	vld.idx.msk [tilespmem:v18+s13+$0x0], $0xffff  }
0x311: {  	v31 =	vld.idx.msk [tilespmem:v23+s15+$0x0], $0xffff;
	v30 =	vmul.f32 v21, v9;
	v3 =	vadd.f32 v27, v3  }
0x312: {  	v29 =	vld.idx.msk [tilespmem:v22+s13+$0x0], $0xffff  }
0x313: {  	v1 =	vld.idx.msk [tilespmem:v1+s15+$0x0], $0xffff;
	v32 =	vmul.f32 v25, v11;
	v3 =	vadd.f32 v30, v3  }
0x314: {  	v2 =	vld.idx.msk [tilespmem:v2+s13+$0x0], $0xffff  }
0x315: {  	v33 =	vmul.f32 v28, v26;
	v3 =	vadd.f32 v32, v3;
	_ =	sdelay $0x1  }
0x316: {  	v34 =	vmul.f32 v31, v29;
	v3 =	vadd.f32 v33, v3;
	_ =	sdelay $0x1  }
0x317: {  	v1 =	vmul.f32 v1, v2;
	v3 =	vadd.f32 v34, v3;
	_ =	sdelay $0x1  }
0x318: {  	v1 =	vadd.f32 v1, v3  }
0x319: {  	s25 =	sadd.s32 $0x10, s25  }
0x31a: {  	[tilespmem:s25+$0x0] =	vst v1  }
0x31b: {  	[tilespmem:s13], [sflag:$0x1] =	stream.indirect.gather [hbm4b:s3+s11], $0x80, s21, s11, $0xb8;
	[tilespmem:$0x8A00] =	vst v63  }
0x31c: {  	_ = 	snop  }
0x31d: {  	[tilespmem:s15], [sflag:$0x1] =	stream.indirect.gather [hbm4b:s4+s11], $0x80, s22, s11, $0xb8;
	[tilespmem:$0x8A00] =	vst v63  }
0x31e: {  	_ =	swait.ge [sflag:s16], $0x4000  }
0x31f: {  	[sflag:s16] =	ssyncset.done $0x0  }
0x320: {  	[sflag:s16] =	ssyncadd.s32 $0xFFFFC000  }
0x321: {  	_ =	swait.ge [sflag:s16], $0x4000  }
0x322: {  	[sflag:s16] =	ssyncset.done $0x0  }
0x323: {  	s31 =	simm.s32 $0x180;
	[sflag:s16] =	ssyncadd.s32 $0xFFFFC000  }
0x324: {  	s26 =	simm.s32 $0x380;
	v1 =	vld [tilespmem:s31+$0x0]  }
0x325: {  	v2 =	vld [tilespmem:s26+$0x0];
	_ =	sdelay $0x1  }
0x326: {  	s31 =	simm.s32 $0x0  }
0x327: {  	v3 =	vmov s31  }
0x328: {  	v3 =	vshll.u32 v3, $0x7;
	v1 =	vshrl.u32 v1, $0x8  }
0x329: {  	v3 =	vor.u32 v0, v3;
	v2 =	vshrl.u32 v2, $0x8;
	v1 =	vand.u32 $0x60, v1  }
0x32a: {  	v35 =	vand.u32 $0x60, v2;
	v2 =	vor.u32 v3, v1  }
0x32b: {  	v1 =	vor.u32 v3, v35  }
0x32c: {  	v3 =	vor.u32 $0x1, v2  }
0x32d: {  	v4 =	vor.u32 $0x1, v1  }
0x32e: {  	v36 =	vor.u32 $0x2, v2  }
0x32f: {  	v38 =	vor.u32 $0x2, v1;
	v37 =	vld.idx.msk [tilespmem:v2+s13+$0x0], $0xffff  }
0x330: {  	v40 =	vor.u32 $0x3, v2;
	v39 =	vld.idx.msk [tilespmem:v1+s15+$0x0], $0xffff  }
0x331: {  	v41 =	vor.u32 $0x3, v1;
	v3 =	vld.idx.msk [tilespmem:v3+s13+$0x0], $0xffff  }
0x332: {  	v42 =	vor.u32 $0x4, v2;
	v4 =	vld.idx.msk [tilespmem:v4+s15+$0x0], $0xffff  }
0x333: {  	v43 =	vor.u32 $0x4, v1;
	v5 =	vld.idx.msk [tilespmem:v36+s13+$0x0], $0xffff  }
0x334: {  	v44 =	vor.u32 $0x5, v2;
	v7 =	vld.idx.msk [tilespmem:v38+s15+$0x0], $0xffff  }
0x335: {  	v45 =	vor.u32 $0x5, v1;
	v9 =	vld.idx.msk [tilespmem:v40+s13+$0x0], $0xffff;
	v6 =	vmul.f32 v39, v37  }
0x336: {  	v47 =	vor.u32 $0x6, v2;
	v46 =	vld.idx.msk [tilespmem:v41+s15+$0x0], $0xffff  }
0x337: {  	v48 =	vor.u32 $0x6, v1;
	v11 =	vld.idx.msk [tilespmem:v42+s13+$0x0], $0xffff;
	v3 =	vmul.f32 v4, v3;
	v6 =	vadd.f32 $0.0e+00, v6  }
0x338: {  	v50 =	vor.u32 $0x7, v2;
	v49 =	vld.idx.msk [tilespmem:v43+s15+$0x0], $0xffff  }
0x339: {  	v51 =	vor.u32 $0x7, v1;
	v13 =	vld.idx.msk [tilespmem:v44+s13+$0x0], $0xffff;
	v5 =	vmul.f32 v7, v5;
	v3 =	vadd.f32 v3, v6  }
0x33a: {  	v54 =	vor.u32 $0x8, v1;
	v52 =	vld.idx.msk [tilespmem:v45+s15+$0x0], $0xffff  }
0x33b: {  	v53 =	vor.u32 $0x8, v2;
	v10 =	vld.idx.msk [tilespmem:v47+s13+$0x0], $0xffff;
	v55 =	vmul.f32 v46, v9;
	v3 =	vadd.f32 v5, v3  }
0x33c: {  	v58 =	vor.u32 $0x9, v1;
	v56 =	vld.idx.msk [tilespmem:v48+s15+$0x0], $0xffff  }
0x33d: {  	v57 =	vor.u32 $0x9, v2;
	v12 =	vld.idx.msk [tilespmem:v50+s13+$0x0], $0xffff;
	v4 =	vmul.f32 v49, v11;
	v3 =	vadd.f32 v55, v3  }
0x33e: {  	v61 =	vor.u32 $0xA, v1;
	v59 =	vld.idx.msk [tilespmem:v51+s15+$0x0], $0xffff  }
0x33f: {  	v60 =	vor.u32 $0xA, v2;
	v63 =	vld.idx.msk [tilespmem:v54+s15+$0x0], $0xffff;
	v62 =	vmul.f32 v52, v13;
	v3 =	vadd.f32 v4, v3  }
0x340: {  	v20 =	vor.u32 $0xB, v1;
	v7 =	vld.idx.msk [tilespmem:v53+s13+$0x0], $0xffff  }
0x341: {  	v19 =	vor.u32 $0xB, v2;
	v22 =	vld.idx.msk [tilespmem:v58+s15+$0x0], $0xffff;
	v21 =	vmul.f32 v56, v10;
	v3 =	vadd.f32 v62, v3  }
0x342: {  	v24 =	vor.u32 $0xC, v1;
	v9 =	vld.idx.msk [tilespmem:v57+s13+$0x0], $0xffff  }
0x343: {  	v23 =	vor.u32 $0xC, v2;
	v26 =	vld.idx.msk [tilespmem:v61+s15+$0x0], $0xffff;
	v25 =	vmul.f32 v59, v12;
	v3 =	vadd.f32 v21, v3  }
0x344: {  	v28 =	vor.u32 $0xD, v1;
	v11 =	vld.idx.msk [tilespmem:v60+s13+$0x0], $0xffff  }
0x345: {  	v27 =	vor.u32 $0xD, v2;
	v30 =	vld.idx.msk [tilespmem:v20+s15+$0x0], $0xffff;
	v29 =	vmul.f32 v63, v7;
	v3 =	vadd.f32 v25, v3  }
0x346: {  	v32 =	vor.u32 $0xE, v1;
	v13 =	vld.idx.msk [tilespmem:v19+s13+$0x0], $0xffff  }
0x347: {  	v31 =	vor.u32 $0xE, v2;
	v34 =	vld.idx.msk [tilespmem:v24+s15+$0x0], $0xffff;
	v33 =	vmul.f32 v22, v9;
	v3 =	vadd.f32 v29, v3  }
0x348: {  	v36 =	vor.u32 $0xF, v1;
	v10 =	vld.idx.msk [tilespmem:v23+s13+$0x0], $0xffff  }
0x349: {  	v35 =	vor.u32 $0xF, v2;
	v38 =	vld.idx.msk [tilespmem:v28+s15+$0x0], $0xffff;
	v37 =	vmul.f32 v26, v11;
	v3 =	vadd.f32 v33, v3  }
0x34a: {  	v40 =	vor.u32 $0x10, v1;
	v12 =	vld.idx.msk [tilespmem:v27+s13+$0x0], $0xffff  }
0x34b: {  	v42 =	vld.idx.msk [tilespmem:v32+s15+$0x0], $0xffff;
	v39 =	vor.u32 $0x10, v2;
	v41 =	vmul.f32 v30, v13;
	v3 =	vadd.f32 v37, v3  }
0x34c: {  	v44 =	vor.u32 $0x11, v1;
	v7 =	vld.idx.msk [tilespmem:v31+s13+$0x0], $0xffff  }
0x34d: {  	v43 =	vor.u32 $0x11, v2;
	v46 =	vld.idx.msk [tilespmem:v36+s15+$0x0], $0xffff;
	v45 =	vmul.f32 v34, v10;
	v3 =	vadd.f32 v41, v3  }
0x34e: {  	v48 =	vor.u32 $0x12, v1;
	v9 =	vld.idx.msk [tilespmem:v35+s13+$0x0], $0xffff  }
0x34f: {  	v47 =	vor.u32 $0x12, v2;
	v50 =	vld.idx.msk [tilespmem:v40+s15+$0x0], $0xffff;
	v49 =	vmul.f32 v38, v12;
	v3 =	vadd.f32 v45, v3  }
0x350: {  	v51 =	vor.u32 $0x13, v2;
	v11 =	vld.idx.msk [tilespmem:v39+s13+$0x0], $0xffff  }
0x351: {  	v52 =	vor.u32 $0x13, v1;
	v54 =	vld.idx.msk [tilespmem:v44+s15+$0x0], $0xffff;
	v53 =	vmul.f32 v42, v7;
	v3 =	vadd.f32 v49, v3  }
0x352: {  	v56 =	vor.u32 $0x14, v1;
	v13 =	vld.idx.msk [tilespmem:v43+s13+$0x0], $0xffff  }
0x353: {  	v58 =	vld.idx.msk [tilespmem:v48+s15+$0x0], $0xffff;
	v55 =	vor.u32 $0x14, v2;
	v57 =	vmul.f32 v46, v9;
	v3 =	vadd.f32 v53, v3  }
0x354: {  	v60 =	vor.u32 $0x15, v1;
	v10 =	vld.idx.msk [tilespmem:v47+s13+$0x0], $0xffff  }
0x355: {  	v59 =	vor.u32 $0x15, v2;
	v12 =	vld.idx.msk [tilespmem:v51+s13+$0x0], $0xffff;
	v61 =	vmul.f32 v50, v11;
	v3 =	vadd.f32 v57, v3  }
0x356: {  	v20 =	vor.u32 $0x16, v1;
	v62 =	vld.idx.msk [tilespmem:v52+s15+$0x0], $0xffff  }
0x357: {  	v63 =	vor.u32 $0x16, v2;
	v22 =	vld.idx.msk [tilespmem:v56+s15+$0x0], $0xffff;
	v21 =	vmul.f32 v54, v13;
	v3 =	vadd.f32 v61, v3  }
0x358: {  	v24 =	vor.u32 $0x17, v1;
	v7 =	vld.idx.msk [tilespmem:v55+s13+$0x0], $0xffff  }
0x359: {  	v23 =	vor.u32 $0x17, v2;
	v26 =	vld.idx.msk [tilespmem:v60+s15+$0x0], $0xffff;
	v25 =	vmul.f32 v58, v10;
	v3 =	vadd.f32 v21, v3  }
0x35a: {  	v28 =	vor.u32 $0x18, v1;
	v9 =	vld.idx.msk [tilespmem:v59+s13+$0x0], $0xffff  }
0x35b: {  	v27 =	vor.u32 $0x18, v2;
	v30 =	vld.idx.msk [tilespmem:v20+s15+$0x0], $0xffff;
	v29 =	vmul.f32 v62, v12;
	v3 =	vadd.f32 v25, v3  }
0x35c: {  	v32 =	vor.u32 $0x19, v1;
	v11 =	vld.idx.msk [tilespmem:v63+s13+$0x0], $0xffff  }
0x35d: {  	v31 =	vor.u32 $0x19, v2;
	v34 =	vld.idx.msk [tilespmem:v24+s15+$0x0], $0xffff;
	v33 =	vmul.f32 v22, v7;
	v3 =	vadd.f32 v29, v3  }
0x35e: {  	v36 =	vor.u32 $0x1A, v1;
	v13 =	vld.idx.msk [tilespmem:v23+s13+$0x0], $0xffff  }
0x35f: {  	v35 =	vor.u32 $0x1A, v2;
	v38 =	vld.idx.msk [tilespmem:v28+s15+$0x0], $0xffff;
	v37 =	vmul.f32 v26, v9;
	v3 =	vadd.f32 v33, v3  }
0x360: {  	v40 =	vor.u32 $0x1B, v1;
	v10 =	vld.idx.msk [tilespmem:v27+s13+$0x0], $0xffff  }
0x361: {  	v39 =	vor.u32 $0x1B, v2;
	v42 =	vld.idx.msk [tilespmem:v32+s15+$0x0], $0xffff;
	v41 =	vmul.f32 v30, v11;
	v3 =	vadd.f32 v37, v3  }
0x362: {  	v44 =	vor.u32 $0x1C, v1;
	v12 =	vld.idx.msk [tilespmem:v31+s13+$0x0], $0xffff  }
0x363: {  	v43 =	vor.u32 $0x1C, v2;
	v46 =	vld.idx.msk [tilespmem:v36+s15+$0x0], $0xffff;
	v45 =	vmul.f32 v34, v13;
	v3 =	vadd.f32 v41, v3  }
0x364: {  	v47 =	vor.u32 $0x1D, v2;
	v7 =	vld.idx.msk [tilespmem:v35+s13+$0x0], $0xffff  }
0x365: {  	v48 =	vor.u32 $0x1D, v1;
	v50 =	vld.idx.msk [tilespmem:v40+s15+$0x0], $0xffff;
	v49 =	vmul.f32 v38, v10;
	v3 =	vadd.f32 v45, v3  }
0x366: {  	v51 =	vor.u32 $0x1E, v2;
	v9 =	vld.idx.msk [tilespmem:v39+s13+$0x0], $0xffff  }
0x367: {  	v52 =	vor.u32 $0x1E, v1;
	v54 =	vld.idx.msk [tilespmem:v44+s15+$0x0], $0xffff;
	v53 =	vmul.f32 v42, v12;
	v3 =	vadd.f32 v49, v3  }
0x368: {  	v2 =	vor.u32 $0x1F, v2;
	v11 =	vld.idx.msk [tilespmem:v43+s13+$0x0], $0xffff  }
0x369: {  	v1 =	vor.u32 $0x1F, v1;
	v55 =	vld.idx.msk [tilespmem:v47+s13+$0x0], $0xffff;
	v56 =	vmul.f32 v46, v7;
	v3 =	vadd.f32 v53, v3  }
0x36a: {  	v57 =	vld.idx.msk [tilespmem:v48+s15+$0x0], $0xffff  }
0x36b: {  	v58 =	vld.idx.msk [tilespmem:v51+s13+$0x0], $0xffff;
	v59 =	vmul.f32 v50, v9;
	v3 =	vadd.f32 v56, v3  }
0x36c: {  	v60 =	vld.idx.msk [tilespmem:v52+s15+$0x0], $0xffff  }
0x36d: {  	v2 =	vld.idx.msk [tilespmem:v2+s13+$0x0], $0xffff;
	v61 =	vmul.f32 v54, v11;
	v3 =	vadd.f32 v59, v3  }
0x36e: {  	v1 =	vld.idx.msk [tilespmem:v1+s15+$0x0], $0xffff  }
0x36f: {  	v62 =	vmul.f32 v57, v55;
	v3 =	vadd.f32 v61, v3;
	_ =	sdelay $0x1  }
0x370: {  	v63 =	vmul.f32 v60, v58;
	v3 =	vadd.f32 v62, v3;
	_ =	sdelay $0x1  }
0x371: {  	v1 =	vmul.f32 v1, v2;
	v3 =	vadd.f32 v63, v3;
	_ =	sdelay $0x1  }
0x372: {  	v1 =	vadd.f32 v1, v3  }
0x373: {  	s25 =	simm.s32 $0x8980  }
0x374: {  	s26 =	simm.s32 $0x190;
	[tilespmem:s25+$0x0] =	vst v1  }
0x375: {  	s28 =	simm.s32 $0x390;
	v2 =	vld [tilespmem:s26+$0x0]  }
0x376: {  	s29 =	simm.s32 $0x10;
	s30 =	simm.s32 $0x20;
	v1 =	vld [tilespmem:s28+$0x0]  }
.LBB2_10:
0x377: {  	p0 =	sne.s32 s30, $0x70;
	_ =	sdelay $0x1  }
0x378: {  	v3 =	vmov s29;
	s29 =	smov.u32 s30  }
0x379: {  	v3 =	vshll.u32 v3, $0x7;
	v2 =	vshrl.u32 v2, $0x8  }
0x37a: {  	v3 =	vor.u32 v0, v3;
	v2 =	vand.u32 $0x60, v2;
	v1 =	vshrl.u32 v1, $0x8  }
0x37b: {  	v1 =	vand.u32 $0x60, v1;
	v2 =	vor.u32 v3, v2  }
0x37c: {  	v1 =	vor.u32 v3, v1  }
0x37d: {  	v3 =	vor.u32 $0x1, v2  }
0x37e: {  	v4 =	vor.u32 $0x1, v1  }
0x37f: {  	v5 =	vor.u32 $0x2, v2  }
0x380: {  	v7 =	vor.u32 $0x2, v1;
	v6 =	vld.idx.msk [tilespmem:v2+s13+$0x0], $0xffff  }
0x381: {  	v9 =	vor.u32 $0x3, v2;
	v8 =	vld.idx.msk [tilespmem:v1+s15+$0x0], $0xffff  }
0x382: {  	v10 =	vor.u32 $0x3, v1;
	v3 =	vld.idx.msk [tilespmem:v3+s13+$0x0], $0xffff  }
0x383: {  	v11 =	vor.u32 $0x4, v2;
	v4 =	vld.idx.msk [tilespmem:v4+s15+$0x0], $0xffff  }
0x384: {  	v12 =	vor.u32 $0x4, v1;
	v5 =	vld.idx.msk [tilespmem:v5+s13+$0x0], $0xffff  }
0x385: {  	v13 =	vor.u32 $0x5, v2;
	v7 =	vld.idx.msk [tilespmem:v7+s15+$0x0], $0xffff  }
0x386: {  	v14 =	vor.u32 $0x5, v1;
	v9 =	vld.idx.msk [tilespmem:v9+s13+$0x0], $0xffff  }
0x387: {  	v6 =	vmul.f32 v8, v6;
	v8 =	vld.idx.msk [tilespmem:v10+s15+$0x0], $0xffff;
	v10 =	vor.u32 $0x6, v2  }
0x388: {  	v15 =	vor.u32 $0x6, v1;
	v11 =	vld.idx.msk [tilespmem:v11+s13+$0x0], $0xffff  }
0x389: {  	v6 =	vadd.f32 $0.0e+00, v6;
	v3 =	vmul.f32 v4, v3;
	v4 =	vld.idx.msk [tilespmem:v12+s15+$0x0], $0xffff;
	v12 =	vor.u32 $0x7, v2  }
0x38a: {  	v16 =	vor.u32 $0x7, v1;
	v13 =	vld.idx.msk [tilespmem:v13+s13+$0x0], $0xffff  }
0x38b: {  	v3 =	vadd.f32 v3, v6;
	v5 =	vmul.f32 v7, v5;
	v7 =	vor.u32 $0x8, v2;
	v6 =	vld.idx.msk [tilespmem:v14+s15+$0x0], $0xffff  }
0x38c: {  	v14 =	vor.u32 $0x8, v1;
	v10 =	vld.idx.msk [tilespmem:v10+s13+$0x0], $0xffff  }
0x38d: {  	v3 =	vadd.f32 v5, v3;
	v5 =	vmul.f32 v8, v9;
	v9 =	vor.u32 $0x9, v2;
	v8 =	vld.idx.msk [tilespmem:v15+s15+$0x0], $0xffff  }
0x38e: {  	v15 =	vor.u32 $0x9, v1;
	v12 =	vld.idx.msk [tilespmem:v12+s13+$0x0], $0xffff  }
0x38f: {  	v3 =	vadd.f32 v5, v3;
	v4 =	vmul.f32 v4, v11;
	v11 =	vor.u32 $0xA, v2;
	v5 =	vld.idx.msk [tilespmem:v16+s15+$0x0], $0xffff  }
0x390: {  	v16 =	vor.u32 $0xA, v1;
	v7 =	vld.idx.msk [tilespmem:v7+s13+$0x0], $0xffff  }
0x391: {  	v3 =	vadd.f32 v4, v3;
	v4 =	vmul.f32 v6, v13;
	v13 =	vor.u32 $0xB, v2;
	v6 =	vld.idx.msk [tilespmem:v14+s15+$0x0], $0xffff  }
0x392: {  	v14 =	vor.u32 $0xB, v1;
	v9 =	vld.idx.msk [tilespmem:v9+s13+$0x0], $0xffff  }
0x393: {  	v3 =	vadd.f32 v4, v3;
	v4 =	vmul.f32 v8, v10;
	v10 =	vor.u32 $0xC, v2;
	v8 =	vld.idx.msk [tilespmem:v15+s15+$0x0], $0xffff  }
0x394: {  	v15 =	vor.u32 $0xC, v1;
	v11 =	vld.idx.msk [tilespmem:v11+s13+$0x0], $0xffff  }
0x395: {  	v3 =	vadd.f32 v4, v3;
	v4 =	vmul.f32 v5, v12;
	v12 =	vor.u32 $0xD, v2;
	v5 =	vld.idx.msk [tilespmem:v16+s15+$0x0], $0xffff  }
0x396: {  	v16 =	vor.u32 $0xD, v1;
	v13 =	vld.idx.msk [tilespmem:v13+s13+$0x0], $0xffff  }
0x397: {  	v3 =	vadd.f32 v4, v3;
	v4 =	vmul.f32 v6, v7;
	v7 =	vor.u32 $0xE, v2;
	v6 =	vld.idx.msk [tilespmem:v14+s15+$0x0], $0xffff  }
0x398: {  	v14 =	vor.u32 $0xE, v1;
	v10 =	vld.idx.msk [tilespmem:v10+s13+$0x0], $0xffff  }
0x399: {  	v3 =	vadd.f32 v4, v3;
	v4 =	vmul.f32 v8, v9;
	v9 =	vor.u32 $0xF, v2;
	v8 =	vld.idx.msk [tilespmem:v15+s15+$0x0], $0xffff  }
0x39a: {  	v15 =	vor.u32 $0xF, v1;
	v12 =	vld.idx.msk [tilespmem:v12+s13+$0x0], $0xffff  }
0x39b: {  	v3 =	vadd.f32 v4, v3;
	v4 =	vmul.f32 v5, v11;
	v11 =	vor.u32 $0x10, v2;
	v5 =	vld.idx.msk [tilespmem:v16+s15+$0x0], $0xffff  }
0x39c: {  	v16 =	vor.u32 $0x10, v1;
	v7 =	vld.idx.msk [tilespmem:v7+s13+$0x0], $0xffff  }
0x39d: {  	v3 =	vadd.f32 v4, v3;
	v4 =	vmul.f32 v6, v13;
	v13 =	vor.u32 $0x11, v2;
	v6 =	vld.idx.msk [tilespmem:v14+s15+$0x0], $0xffff  }
0x39e: {  	v14 =	vor.u32 $0x11, v1;
	v9 =	vld.idx.msk [tilespmem:v9+s13+$0x0], $0xffff  }
0x39f: {  	v3 =	vadd.f32 v4, v3;
	v4 =	vmul.f32 v8, v10;
	v10 =	vor.u32 $0x12, v2;
	v8 =	vld.idx.msk [tilespmem:v15+s15+$0x0], $0xffff  }
0x3a0: {  	v15 =	vor.u32 $0x12, v1;
	v11 =	vld.idx.msk [tilespmem:v11+s13+$0x0], $0xffff  }
0x3a1: {  	v3 =	vadd.f32 v4, v3;
	v4 =	vmul.f32 v5, v12;
	v12 =	vor.u32 $0x13, v2;
	v5 =	vld.idx.msk [tilespmem:v16+s15+$0x0], $0xffff  }
0x3a2: {  	v16 =	vor.u32 $0x13, v1;
	v13 =	vld.idx.msk [tilespmem:v13+s13+$0x0], $0xffff  }
0x3a3: {  	v3 =	vadd.f32 v4, v3;
	v4 =	vmul.f32 v6, v7;
	v7 =	vor.u32 $0x14, v2;
	v6 =	vld.idx.msk [tilespmem:v14+s15+$0x0], $0xffff  }
0x3a4: {  	v14 =	vor.u32 $0x14, v1;
	v10 =	vld.idx.msk [tilespmem:v10+s13+$0x0], $0xffff  }
0x3a5: {  	v3 =	vadd.f32 v4, v3;
	v4 =	vmul.f32 v8, v9;
	v9 =	vor.u32 $0x15, v2;
	v8 =	vld.idx.msk [tilespmem:v15+s15+$0x0], $0xffff  }
0x3a6: {  	v15 =	vor.u32 $0x15, v1;
	v12 =	vld.idx.msk [tilespmem:v12+s13+$0x0], $0xffff  }
0x3a7: {  	v3 =	vadd.f32 v4, v3;
	v4 =	vmul.f32 v5, v11;
	v11 =	vor.u32 $0x16, v2;
	v5 =	vld.idx.msk [tilespmem:v16+s15+$0x0], $0xffff  }
0x3a8: {  	v16 =	vor.u32 $0x16, v1;
	v7 =	vld.idx.msk [tilespmem:v7+s13+$0x0], $0xffff  }
0x3a9: {  	v3 =	vadd.f32 v4, v3;
	v4 =	vmul.f32 v6, v13;
	v13 =	vor.u32 $0x17, v2;
	v6 =	vld.idx.msk [tilespmem:v14+s15+$0x0], $0xffff  }
0x3aa: {  	v14 =	vor.u32 $0x17, v1;
	v9 =	vld.idx.msk [tilespmem:v9+s13+$0x0], $0xffff  }
0x3ab: {  	v3 =	vadd.f32 v4, v3;
	v4 =	vmul.f32 v8, v10;
	v10 =	vor.u32 $0x18, v2;
	v8 =	vld.idx.msk [tilespmem:v15+s15+$0x0], $0xffff  }
0x3ac: {  	v15 =	vor.u32 $0x18, v1;
	v11 =	vld.idx.msk [tilespmem:v11+s13+$0x0], $0xffff  }
0x3ad: {  	v3 =	vadd.f32 v4, v3;
	v4 =	vmul.f32 v5, v12;
	v12 =	vor.u32 $0x19, v2;
	v5 =	vld.idx.msk [tilespmem:v16+s15+$0x0], $0xffff  }
0x3ae: {  	v16 =	vor.u32 $0x19, v1;
	v13 =	vld.idx.msk [tilespmem:v13+s13+$0x0], $0xffff  }
0x3af: {  	v3 =	vadd.f32 v4, v3;
	v4 =	vmul.f32 v6, v7;
	v7 =	vor.u32 $0x1A, v2;
	v6 =	vld.idx.msk [tilespmem:v14+s15+$0x0], $0xffff  }
0x3b0: {  	v14 =	vor.u32 $0x1A, v1;
	v10 =	vld.idx.msk [tilespmem:v10+s13+$0x0], $0xffff  }
0x3b1: {  	v3 =	vadd.f32 v4, v3;
	v4 =	vmul.f32 v8, v9;
	v9 =	vor.u32 $0x1B, v2;
	v8 =	vld.idx.msk [tilespmem:v15+s15+$0x0], $0xffff  }
0x3b2: {  	v15 =	vor.u32 $0x1B, v1;
	v12 =	vld.idx.msk [tilespmem:v12+s13+$0x0], $0xffff  }
0x3b3: {  	v3 =	vadd.f32 v4, v3;
	v4 =	vmul.f32 v5, v11;
	v11 =	vor.u32 $0x1C, v2;
	v5 =	vld.idx.msk [tilespmem:v16+s15+$0x0], $0xffff  }
0x3b4: {  	v16 =	vor.u32 $0x1C, v1;
	v7 =	vld.idx.msk [tilespmem:v7+s13+$0x0], $0xffff  }
0x3b5: {  	v3 =	vadd.f32 v4, v3;
	v4 =	vmul.f32 v6, v13;
	v13 =	vor.u32 $0x1D, v2;
	v6 =	vld.idx.msk [tilespmem:v14+s15+$0x0], $0xffff  }
0x3b6: {  	v14 =	vor.u32 $0x1D, v1;
	v9 =	vld.idx.msk [tilespmem:v9+s13+$0x0], $0xffff  }
0x3b7: {  	v3 =	vadd.f32 v4, v3;
	v4 =	vmul.f32 v8, v10;
	v10 =	vor.u32 $0x1E, v2;
	v8 =	vld.idx.msk [tilespmem:v15+s15+$0x0], $0xffff  }
0x3b8: {  	v15 =	vor.u32 $0x1E, v1;
	v11 =	vld.idx.msk [tilespmem:v11+s13+$0x0], $0xffff  }
0x3b9: {  	v2 =	vor.u32 $0x1F, v2;
	v3 =	vadd.f32 v4, v3;
	v4 =	vmul.f32 v5, v12;
	v5 =	vld.idx.msk [tilespmem:v16+s15+$0x0], $0xffff  }
0x3ba: {  	v1 =	vor.u32 $0x1F, v1;
	v12 =	vld.idx.msk [tilespmem:v13+s13+$0x0], $0xffff  }
0x3bb: {  	v3 =	vadd.f32 v4, v3;
	v4 =	vmul.f32 v6, v7;
	v6 =	vld.idx.msk [tilespmem:v14+s15+$0x0], $0xffff  }
0x3bc: {  	v7 =	vld.idx.msk [tilespmem:v10+s13+$0x0], $0xffff  }
0x3bd: {  	v3 =	vadd.f32 v4, v3;
	v4 =	vmul.f32 v8, v9;
	v8 =	vld.idx.msk [tilespmem:v15+s15+$0x0], $0xffff  }
0x3be: {  	v2 =	vld.idx.msk [tilespmem:v2+s13+$0x0], $0xffff  }
0x3bf: {  	v3 =	vadd.f32 v4, v3;
	v4 =	vmul.f32 v5, v11;
	v1 =	vld.idx.msk [tilespmem:v1+s15+$0x0], $0xffff;
	_ =	sdelay $0x1  }
0x3c0: {  	v3 =	vadd.f32 v4, v3;
	v4 =	vmul.f32 v6, v12;
	_ =	sdelay $0x1  }
0x3c1: {  	v3 =	vadd.f32 v4, v3;
	v4 =	vmul.f32 v8, v7;
	_ =	sdelay $0x1  }
0x3c2: {  	v3 =	vadd.f32 v4, v3;
	v1 =	vmul.f32 v1, v2;
	_ =	sdelay $0x1  }
.Ltmp4:
0x3c3: {  	v1 =	vadd.f32 v1, v3;
	(pc) =	sbr.rel @p0 .LBB2_10-.Ltmp4, $4  }
0x3c4: {  	s25 =	sadd.s32 $0x10, s25  }
0x3c5: {  	s26 =	sadd.s32 $0x10, s26;
	[tilespmem:s25+$0x0] =	vst v1  }
0x3c6: {  	s28 =	sadd.s32 $0x10, s28;
	v2 =	vld [tilespmem:s26+$0x0]  }
0x3c7: {  	s30 =	sadd.s32 $0x10, s30;
	v1 =	vld [tilespmem:s28+$0x0]  }
0x3c8: {  	_ =	sdelay $0x1  }
0x3c9: {  	v3 =	vmov s29  }
0x3ca: {  	v3 =	vshll.u32 v3, $0x7;
	v2 =	vshrl.u32 v2, $0x8  }
0x3cb: {  	v3 =	vor.u32 v0, v3;
	v2 =	vand.u32 $0x60, v2;
	v1 =	vshrl.u32 v1, $0x8  }
0x3cc: {  	v1 =	vand.u32 $0x60, v1;
	v2 =	vor.u32 v3, v2  }
0x3cd: {  	v1 =	vor.u32 v3, v1  }
0x3ce: {  	v3 =	vor.u32 $0x1, v2  }
0x3cf: {  	v4 =	vor.u32 $0x1, v1  }
0x3d0: {  	v5 =	vor.u32 $0x2, v2  }
0x3d1: {  	v7 =	vor.u32 $0x2, v1;
	v6 =	vld.idx.msk [tilespmem:v2+s13+$0x0], $0xffff  }
0x3d2: {  	v9 =	vor.u32 $0x3, v2;
	v8 =	vld.idx.msk [tilespmem:v1+s15+$0x0], $0xffff  }
0x3d3: {  	v10 =	vor.u32 $0x3, v1;
	v3 =	vld.idx.msk [tilespmem:v3+s13+$0x0], $0xffff  }
0x3d4: {  	v11 =	vor.u32 $0x4, v2;
	v4 =	vld.idx.msk [tilespmem:v4+s15+$0x0], $0xffff  }
0x3d5: {  	v12 =	vor.u32 $0x4, v1;
	v5 =	vld.idx.msk [tilespmem:v5+s13+$0x0], $0xffff  }
0x3d6: {  	v13 =	vor.u32 $0x5, v2;
	v7 =	vld.idx.msk [tilespmem:v7+s15+$0x0], $0xffff  }
0x3d7: {  	v14 =	vor.u32 $0x5, v1;
	v9 =	vld.idx.msk [tilespmem:v9+s13+$0x0], $0xffff;
	v6 =	vmul.f32 v8, v6  }
0x3d8: {  	v49 =	vor.u32 $0x6, v2;
	v48 =	vld.idx.msk [tilespmem:v10+s15+$0x0], $0xffff  }
0x3d9: {  	v15 =	vor.u32 $0x6, v1;
	v11 =	vld.idx.msk [tilespmem:v11+s13+$0x0], $0xffff;
	v3 =	vmul.f32 v4, v3;
	v6 =	vadd.f32 $0.0e+00, v6  }
0x3da: {  	v51 =	vor.u32 $0x7, v2;
	v50 =	vld.idx.msk [tilespmem:v12+s15+$0x0], $0xffff  }
0x3db: {  	v16 =	vor.u32 $0x7, v1;
	v13 =	vld.idx.msk [tilespmem:v13+s13+$0x0], $0xffff;
	v5 =	vmul.f32 v7, v5;
	v3 =	vadd.f32 v3, v6  }
0x3dc: {  	v54 =	vor.u32 $0x8, v1;
	v52 =	vld.idx.msk [tilespmem:v14+s15+$0x0], $0xffff  }
0x3dd: {  	v53 =	vor.u32 $0x8, v2;
	v10 =	vld.idx.msk [tilespmem:v49+s13+$0x0], $0xffff;
	v55 =	vmul.f32 v48, v9;
	v3 =	vadd.f32 v5, v3  }
0x3de: {  	v58 =	vor.u32 $0x9, v1;
	v56 =	vld.idx.msk [tilespmem:v15+s15+$0x0], $0xffff  }
0x3df: {  	v57 =	vor.u32 $0x9, v2;
	v12 =	vld.idx.msk [tilespmem:v51+s13+$0x0], $0xffff;
	v4 =	vmul.f32 v50, v11;
	v3 =	vadd.f32 v55, v3  }
0x3e0: {  	v61 =	vor.u32 $0xA, v1;
	v59 =	vld.idx.msk [tilespmem:v16+s15+$0x0], $0xffff  }
0x3e1: {  	v60 =	vor.u32 $0xA, v2;
	v63 =	vld.idx.msk [tilespmem:v54+s15+$0x0], $0xffff;
	v62 =	vmul.f32 v52, v13;
	v3 =	vadd.f32 v4, v3  }
0x3e2: {  	v20 =	vor.u32 $0xB, v1;
	v7 =	vld.idx.msk [tilespmem:v53+s13+$0x0], $0xffff  }
0x3e3: {  	v19 =	vor.u32 $0xB, v2;
	v22 =	vld.idx.msk [tilespmem:v58+s15+$0x0], $0xffff;
	v21 =	vmul.f32 v56, v10;
	v3 =	vadd.f32 v62, v3  }
0x3e4: {  	v24 =	vor.u32 $0xC, v1;
	v9 =	vld.idx.msk [tilespmem:v57+s13+$0x0], $0xffff  }
0x3e5: {  	v23 =	vor.u32 $0xC, v2;
	v26 =	vld.idx.msk [tilespmem:v61+s15+$0x0], $0xffff;
	v25 =	vmul.f32 v59, v12;
	v3 =	vadd.f32 v21, v3  }
0x3e6: {  	v28 =	vor.u32 $0xD, v1;
	v11 =	vld.idx.msk [tilespmem:v60+s13+$0x0], $0xffff  }
0x3e7: {  	v27 =	vor.u32 $0xD, v2;
	v30 =	vld.idx.msk [tilespmem:v20+s15+$0x0], $0xffff;
	v29 =	vmul.f32 v63, v7;
	v3 =	vadd.f32 v25, v3  }
0x3e8: {  	v32 =	vor.u32 $0xE, v1;
	v13 =	vld.idx.msk [tilespmem:v19+s13+$0x0], $0xffff  }
0x3e9: {  	v31 =	vor.u32 $0xE, v2;
	v34 =	vld.idx.msk [tilespmem:v24+s15+$0x0], $0xffff;
	v33 =	vmul.f32 v22, v9;
	v3 =	vadd.f32 v29, v3  }
0x3ea: {  	v36 =	vor.u32 $0xF, v1;
	v10 =	vld.idx.msk [tilespmem:v23+s13+$0x0], $0xffff  }
0x3eb: {  	v35 =	vor.u32 $0xF, v2;
	v38 =	vld.idx.msk [tilespmem:v28+s15+$0x0], $0xffff;
	v37 =	vmul.f32 v26, v11;
	v3 =	vadd.f32 v33, v3  }
0x3ec: {  	v40 =	vor.u32 $0x10, v1;
	v12 =	vld.idx.msk [tilespmem:v27+s13+$0x0], $0xffff  }
0x3ed: {  	v39 =	vor.u32 $0x10, v2;
	v42 =	vld.idx.msk [tilespmem:v32+s15+$0x0], $0xffff;
	v41 =	vmul.f32 v30, v13;
	v3 =	vadd.f32 v37, v3  }
0x3ee: {  	v44 =	vor.u32 $0x11, v1;
	v7 =	vld.idx.msk [tilespmem:v31+s13+$0x0], $0xffff  }
0x3ef: {  	v43 =	vor.u32 $0x11, v2;
	v46 =	vld.idx.msk [tilespmem:v36+s15+$0x0], $0xffff;
	v45 =	vmul.f32 v34, v10;
	v3 =	vadd.f32 v41, v3  }
0x3f0: {  	v47 =	vor.u32 $0x12, v2;
	v9 =	vld.idx.msk [tilespmem:v35+s13+$0x0], $0xffff  }
0x3f1: {  	v48 =	vor.u32 $0x12, v1;
	v50 =	vld.idx.msk [tilespmem:v40+s15+$0x0], $0xffff;
	v49 =	vmul.f32 v38, v12;
	v3 =	vadd.f32 v45, v3  }
0x3f2: {  	v51 =	vor.u32 $0x13, v2;
	v11 =	vld.idx.msk [tilespmem:v39+s13+$0x0], $0xffff  }
0x3f3: {  	v54 =	vld.idx.msk [tilespmem:v44+s15+$0x0], $0xffff;
	v52 =	vor.u32 $0x13, v1;
	v53 =	vmul.f32 v42, v7;
	v3 =	vadd.f32 v49, v3  }
0x3f4: {  	v56 =	vor.u32 $0x14, v1;
	v13 =	vld.idx.msk [tilespmem:v43+s13+$0x0], $0xffff  }
0x3f5: {  	v10 =	vld.idx.msk [tilespmem:v47+s13+$0x0], $0xffff;
	v55 =	vor.u32 $0x14, v2;
	v57 =	vmul.f32 v46, v9;
	v3 =	vadd.f32 v53, v3  }
0x3f6: {  	v60 =	vor.u32 $0x15, v1;
	v58 =	vld.idx.msk [tilespmem:v48+s15+$0x0], $0xffff  }
0x3f7: {  	v59 =	vor.u32 $0x15, v2;
	v12 =	vld.idx.msk [tilespmem:v51+s13+$0x0], $0xffff;
	v61 =	vmul.f32 v50, v11;
	v3 =	vadd.f32 v57, v3  }
0x3f8: {  	v20 =	vor.u32 $0x16, v1;
	v62 =	vld.idx.msk [tilespmem:v52+s15+$0x0], $0xffff  }
0x3f9: {  	v63 =	vor.u32 $0x16, v2;
	v22 =	vld.idx.msk [tilespmem:v56+s15+$0x0], $0xffff;
	v21 =	vmul.f32 v54, v13;
	v3 =	vadd.f32 v61, v3  }
0x3fa: {  	v24 =	vor.u32 $0x17, v1;
	v7 =	vld.idx.msk [tilespmem:v55+s13+$0x0], $0xffff  }
0x3fb: {  	v23 =	vor.u32 $0x17, v2;
	v26 =	vld.idx.msk [tilespmem:v60+s15+$0x0], $0xffff;
	v25 =	vmul.f32 v58, v10;
	v3 =	vadd.f32 v21, v3  }
0x3fc: {  	v28 =	vor.u32 $0x18, v1;
	v9 =	vld.idx.msk [tilespmem:v59+s13+$0x0], $0xffff  }
0x3fd: {  	v27 =	vor.u32 $0x18, v2;
	v30 =	vld.idx.msk [tilespmem:v20+s15+$0x0], $0xffff;
	v29 =	vmul.f32 v62, v12;
	v3 =	vadd.f32 v25, v3  }
0x3fe: {  	v32 =	vor.u32 $0x19, v1;
	v11 =	vld.idx.msk [tilespmem:v63+s13+$0x0], $0xffff  }
0x3ff: {  	v31 =	vor.u32 $0x19, v2;
	v34 =	vld.idx.msk [tilespmem:v24+s15+$0x0], $0xffff;
	v33 =	vmul.f32 v22, v7;
	v3 =	vadd.f32 v29, v3  }
0x400: {  	v36 =	vor.u32 $0x1A, v1;
	v13 =	vld.idx.msk [tilespmem:v23+s13+$0x0], $0xffff  }
0x401: {  	v35 =	vor.u32 $0x1A, v2;
	v38 =	vld.idx.msk [tilespmem:v28+s15+$0x0], $0xffff;
	v37 =	vmul.f32 v26, v9;
	v3 =	vadd.f32 v33, v3  }
0x402: {  	v40 =	vor.u32 $0x1B, v1;
	v10 =	vld.idx.msk [tilespmem:v27+s13+$0x0], $0xffff  }
0x403: {  	v39 =	vor.u32 $0x1B, v2;
	v42 =	vld.idx.msk [tilespmem:v32+s15+$0x0], $0xffff;
	v41 =	vmul.f32 v30, v11;
	v3 =	vadd.f32 v37, v3  }
0x404: {  	v44 =	vor.u32 $0x1C, v1;
	v12 =	vld.idx.msk [tilespmem:v31+s13+$0x0], $0xffff  }
0x405: {  	v43 =	vor.u32 $0x1C, v2;
	v46 =	vld.idx.msk [tilespmem:v36+s15+$0x0], $0xffff;
	v45 =	vmul.f32 v34, v13;
	v3 =	vadd.f32 v41, v3  }
0x406: {  	v47 =	vor.u32 $0x1D, v2;
	v7 =	vld.idx.msk [tilespmem:v35+s13+$0x0], $0xffff  }
0x407: {  	v48 =	vor.u32 $0x1D, v1;
	v50 =	vld.idx.msk [tilespmem:v40+s15+$0x0], $0xffff;
	v49 =	vmul.f32 v38, v10;
	v3 =	vadd.f32 v45, v3  }
0x408: {  	v51 =	vor.u32 $0x1E, v2;
	v9 =	vld.idx.msk [tilespmem:v39+s13+$0x0], $0xffff  }
0x409: {  	v52 =	vor.u32 $0x1E, v1;
	v54 =	vld.idx.msk [tilespmem:v44+s15+$0x0], $0xffff;
	v53 =	vmul.f32 v42, v12;
	v3 =	vadd.f32 v49, v3  }
0x40a: {  	v2 =	vor.u32 $0x1F, v2;
	v11 =	vld.idx.msk [tilespmem:v43+s13+$0x0], $0xffff  }
0x40b: {  	v1 =	vor.u32 $0x1F, v1;
	v55 =	vld.idx.msk [tilespmem:v47+s13+$0x0], $0xffff;
	v56 =	vmul.f32 v46, v7;
	v3 =	vadd.f32 v53, v3  }
0x40c: {  	v57 =	vld.idx.msk [tilespmem:v48+s15+$0x0], $0xffff  }
0x40d: {  	v58 =	vld.idx.msk [tilespmem:v51+s13+$0x0], $0xffff;
	v59 =	vmul.f32 v50, v9;
	v3 =	vadd.f32 v56, v3  }
0x40e: {  	v60 =	vld.idx.msk [tilespmem:v52+s15+$0x0], $0xffff  }
0x40f: {  	v2 =	vld.idx.msk [tilespmem:v2+s13+$0x0], $0xffff;
	v61 =	vmul.f32 v54, v11;
	v3 =	vadd.f32 v59, v3  }
0x410: {  	v1 =	vld.idx.msk [tilespmem:v1+s15+$0x0], $0xffff  }
0x411: {  	v62 =	vmul.f32 v57, v55;
	v3 =	vadd.f32 v61, v3;
	_ =	sdelay $0x1  }
0x412: {  	v63 =	vmul.f32 v60, v58;
	v3 =	vadd.f32 v62, v3;
	_ =	sdelay $0x1  }
0x413: {  	v1 =	vmul.f32 v1, v2;
	v3 =	vadd.f32 v63, v3;
	_ =	sdelay $0x1  }
0x414: {  	s24 =	sadd.s32 $0x1, s24;
	v1 =	vadd.f32 v1, v3  }
0x415: {  	s25 =	sadd.s32 $0x10, s25;
	p0 =	sne.s32 s24, s8  }
.Ltmp5:
0x416: {  	[tilespmem:s25+$0x0] =	vst v1;
	(pc) =	sbr.rel @p0 .LBB2_1-.Ltmp5, $4  }
0x417: {  	[hbm4b:s7+s1] =	stream.linear.scatter [tilespmem:s23], [sflag:$0x2], $0x200, $0x38;
	[tilespmem:$0x8A00] =	vst v63  }
0x418: {  	_ =	swait.ge [sflag:s9], $0x200  }
0x419: {  	[sflag:s9] =	ssyncset.done $0x0  }
0x41a: {  	[sflag:s9] =	ssyncadd.s32 $0xFFFFFE00  }
0x41b: {  	_ =	sfence.sel $0x180000  }
0x41c: {  	[bflag:$0x0] =	sbarrier.arrive $0xFFFF  }
0x41d: {  	p0 =	sne.s32 s2, $0x0;
	_ =	strace $0x90000047  }
0x41e: {  	s0 =	sadd.s32 @!p0 $0x100000, s0;
	[bflag:$0x2] =	sbarrier.arrive $0xFFFF  }
0x41f: {  	[sflag:s0] =	ssyncadd.tile.s32 @!p0 $0x1;
	_ =	shalt  }
.Lfunc_end2:
_tile_overlayer_lowered:
.L_overlay_start_2:
0x420: {  	(tag) =	ssettag $0x2  }
0x421: {  	s0 =	rddreg [dreg:$0x0];
	s2 =	stileid.u32  }
0x422: {  	s1 =	rddreg [dreg:$0x1];
	p0 =	sne.s32 s2, $0x0  }
0x423: {  	s3 =	rddreg [dreg:$0x2];
	[bflag:$0x3] =	sbarrier.arrive $0xFFFF;
	s2 =	simm.s32 @!p0 $0x1C02  }
0x424: {  	[timem:s3], [sflag:s2] =	dma.local @!p0 [hbm:s0], s1  }
0x425: {  	s0 =	simm.s32 @!p0 $0x2  }
0x426: {  	_ =	swait.ge @!p0 [sflag:s0], s1  }
0x427: {  	s1 =	ssub.s32 @!p0 $0x0, s1;
	[sflag:s0] =	ssyncset.done @!p0 $0x0  }
0x428: {  	[sflag:s0] =	ssyncadd.s32 @!p0 s1  }
0x429: {  	[bflag:$0x3] =	sbarrier.arrive $0xFFFF  }
0x42a: {  	_ =	shalt  }

</sc_bundles>
